<compile_context>
chip_gen: v7x
topology: tpu7x:2x2x1
jax: 0.10.2.dev20260603
libtpu: 0.0.44.dev20260713+nightly
codegen_flags: <defaults>
</compile_context>

<pallas_src>
import dataclasses
import functools

import jax
import jax.numpy as jnp
from jax import lax
from jax.experimental import pallas as pl
from jax.experimental.pallas import tpu as pltpu
from jax.experimental.pallas import tpu_sc as plsc

N = 10000
E = 320000
C = 128
NC = 2
NS = 16
NW = NC * NS
EPW = E // NW
B = 80
NCHUNK = EPW // B
ROWS_PER_TILE = 624
TAIL_BASE = ROWS_PER_TILE * NS
TAIL = N - TAIL_BASE

_R = 400


def _tc_pre_body(x_ref, w_ref, a2_ref, h_ref, a_ref):
    h = jnp.dot(x_ref[...], w_ref[...], precision=lax.Precision.HIGHEST,
                preferred_element_type=jnp.float32)
    h_ref[...] = h
    a_ref[...] = jnp.dot(h, a2_ref[...], precision=lax.Precision.HIGHEST,
                         preferred_element_type=jnp.float32)


def _tc_pre(x, W, a2):
    grid = (N // _R,)
    return pl.pallas_call(
        _tc_pre_body,
        grid=grid,
        in_specs=[
            pl.BlockSpec((_R, C), lambda i: (i, 0)),
            pl.BlockSpec((C, C), lambda i: (0, 0)),
            pl.BlockSpec((C, C), lambda i: (0, 0)),
        ],
        out_specs=[
            pl.BlockSpec((_R, C), lambda i: (i, 0)),
            pl.BlockSpec((_R, C), lambda i: (i, 0)),
        ],
        out_shape=[
            jax.ShapeDtypeStruct((N, C), jnp.float32),
            jax.ShapeDtypeStruct((N, C), jnp.float32),
        ],
    )(x, W, a2)


def _sc_mesh_and_params():
    mesh = plsc.VectorSubcoreMesh(core_axis_name="c", subcore_axis_name="s")
    cp = pltpu.CompilerParams()
    if "needs_layout_passes" in pltpu.CompilerParams.__dataclass_fields__:
        cp = dataclasses.replace(cp, needs_layout_passes=False)
    return mesh, cp


def _sc_logits(asrc, adst, src, dst):
    mesh, cp = _sc_mesh_and_params()

    @functools.partial(
        pl.kernel,
        compiler_params=cp,
        out_type=[
            jax.ShapeDtypeStruct((NW, 1, EPW), jnp.float32),
            jax.ShapeDtypeStruct((NW, 1, N), jnp.float32),
        ],
        mesh=mesh,
        scratch_types=[
            pltpu.VMEM((N,), jnp.float32),
            pltpu.VMEM((N,), jnp.float32),
            pltpu.VMEM((1, N), jnp.float32),
            pltpu.VMEM((1, EPW), jnp.int32),
            pltpu.VMEM((1, EPW), jnp.int32),
            pltpu.VMEM((1, EPW), jnp.float32),
        ],
    )
    def k(asrc_hbm, adst_hbm, src_hbm, dst_hbm, s_hbm, den_hbm,
          asrc_v, adst_v, den_v, srcv, dstv, sv):
        cid = lax.axis_index("c")
        sid = lax.axis_index("s")
        wid = sid * NC + cid

        zero16 = jnp.zeros((16,), jnp.float32)
        zi16 = jnp.zeros((16,), jnp.int32)

        @pl.loop(0, N, step=16)
        def _(r):
            den_v[0, pl.ds(r, 16)] = zero16

        pltpu.sync_copy(asrc_hbm, asrc_v)
        pltpu.sync_copy(adst_hbm, adst_v)
        pltpu.sync_copy(src_hbm.at[wid], srcv)
        pltpu.sync_copy(dst_hbm.at[wid], dstv)

        @pl.loop(0, EPW, step=16)
        def _(i):
            si = srcv[0, pl.ds(i, 16)]
            di = dstv[0, pl.ds(i, 16)]
            al = plsc.load_gather(asrc_v, [si]) + plsc.load_gather(adst_v, [di])
            al = jnp.where(al >= 0.0, al, al * 0.2)
            sval = jnp.exp(al)
            sv[0, pl.ds(i, 16)] = sval
            plsc.addupdate_scatter(den_v, [zi16, di], sval)

        pltpu.sync_copy(sv, s_hbm.at[wid])

        pltpu.sync_copy(den_v, den_hbm.at[wid])

    return k(asrc, adst, src, dst)


def _sc_messages(h, src, dst, s):
    mesh, cp = _sc_mesh_and_params()

    @functools.partial(
        pl.kernel,
        compiler_params=cp,
        out_type=jax.ShapeDtypeStruct((NC, N, C), jnp.float32),
        mesh=mesh,
        scratch_types=[
            pltpu.VMEM((2, 1, B), jnp.int32),
            pltpu.VMEM((2, 1, B), jnp.int32),
            pltpu.VMEM((2, 1, B), jnp.float32),
            pltpu.VMEM((2, B, C), jnp.float32),
            pltpu.VMEM_SHARED((N, C), jnp.float32),
            pltpu.SemaphoreType.DMA,
            pltpu.SemaphoreType.DMA,
        ],
    )
    def k(h_hbm, src_hbm, dst_hbm, s_hbm, acc_hbm,
          srcv2, dstv2, sv2, rows2, acc_sh, sem0, sem1):
        cid = lax.axis_index("c")
        sid = lax.axis_index("s")
        wid = sid * NC + cid

        zero16 = jnp.zeros((16,), jnp.float32)
        bufs = [(srcv2.at[b], dstv2.at[b], sv2.at[b], rows2.at[b],
                 (sem0, sem1)[b]) for b in range(2)]

        ZB = 80
        zrows = rows2.at[0]

        @pl.loop(0, ZB)
        def _(r):
            for cc in range(C // 16):
                zrows[r, pl.ds(cc * 16, 16)] = zero16

        @pl.loop(0, ROWS_PER_TILE // ZB)
        def _(z):
            base = pl.multiple_of(sid * ROWS_PER_TILE + z * ZB, 8)
            pltpu.sync_copy(zrows.at[pl.ds(0, ZB)], acc_sh.at[pl.ds(base, ZB)])
        pltpu.sync_copy(zrows.at[pl.ds(0, ROWS_PER_TILE % ZB)],
                        acc_sh.at[pl.ds(pl.multiple_of(
                            sid * ROWS_PER_TILE + (ROWS_PER_TILE // ZB) * ZB, 8),
                            ROWS_PER_TILE % ZB)])

        @pl.when(sid == NS - 1)
        def _():
            pltpu.sync_copy(zrows.at[pl.ds(0, TAIL)],
                            acc_sh.at[pl.ds(TAIL_BASE, TAIL)])

        plsc.subcore_barrier()

        zi16 = jnp.zeros((16,), jnp.int32)

        def fetch(b, g):
            srcv, dstv, sv, rows, sem = bufs[b]
            row = wid * NCHUNK + g
            pltpu.sync_copy(src_hbm.at[row], srcv)
            pltpu.sync_copy(dst_hbm.at[row], dstv)
            pltpu.sync_copy(s_hbm.at[row], sv)
            pltpu.async_copy(h_hbm.at[srcv.at[0]], rows, sem)

        def process(b):
            srcv, dstv, sv, rows, sem = bufs[b]
            pltpu.make_async_copy(h_hbm.at[srcv.at[0]], rows, sem).wait()

            @pl.loop(0, B)
            def _(i):
                spl = plsc.load_gather(sv, [zi16, jnp.full((16,), i, jnp.int32)])
                for cc in range(C // 16):
                    sl = pl.ds(cc * 16, 16)
                    rows[i, sl] = rows[i, sl] * spl

            pltpu.sync_copy(rows, acc_sh.at[dstv.at[0]], add=True)

        fetch(0, 0)

        @pl.loop(0, (NCHUNK - 1) // 2)
        def _(k):
            g = k * 2
            fetch(1, g + 1)
            process(0)
            fetch(0, g + 2)
            process(1)

        process(0)

        plsc.subcore_barrier()

        base = pl.multiple_of(sid * ROWS_PER_TILE, 8)
        pltpu.sync_copy(acc_sh.at[pl.ds(base, ROWS_PER_TILE)],
                        acc_hbm.at[cid, pl.ds(base, ROWS_PER_TILE)])

        @pl.when(sid == NS - 1)
        def _():
            pltpu.sync_copy(acc_sh.at[pl.ds(TAIL_BASE, TAIL)],
                            acc_hbm.at[cid, pl.ds(TAIL_BASE, TAIL)])

    return k(h, src, dst, s)


def _tc_post_body(acc0, acc1, den_ref, h_ref, a_ref, b_ref, out_ref):
    al = a_ref[:, 0:1] + a_ref[:, 1:2]
    al = jnp.where(al >= 0.0, al, al * 0.2)
    sii = jnp.exp(al)
    num = acc0[...] + acc1[...] + sii * h_ref[...]
    den = jnp.sum(den_ref[...], axis=1, keepdims=True) + sii + 1e-16
    o = num / den + b_ref[...]
    out_ref[...] = jnp.where(o > 0.0, o, jnp.exp(o) - 1.0)


def _tc_post(acc, den, h, a, bias):
    grid = (N // _R,)
    return pl.pallas_call(
        _tc_post_body,
        grid=grid,
        in_specs=[
            pl.BlockSpec((_R, C), lambda i: (i, 0)),
            pl.BlockSpec((_R, C), lambda i: (i, 0)),
            pl.BlockSpec((_R, NW), lambda i: (i, 0)),
            pl.BlockSpec((_R, C), lambda i: (i, 0)),
            pl.BlockSpec((_R, C), lambda i: (i, 0)),
            pl.BlockSpec((1, C), lambda i: (0, 0)),
        ],
        out_specs=pl.BlockSpec((_R, C), lambda i: (i, 0)),
        out_shape=jax.ShapeDtypeStruct((N, C), jnp.float32),
    )(acc[0], acc[1], den, h, a, bias)


def kernel(x, edge_index, W, att_src, att_dst, bias):
    a2 = jnp.zeros((C, C), jnp.float32)
    a2 = a2.at[:, 0].set(att_src[0]).at[:, 1].set(att_dst[0])
    h, a = _tc_pre(x, W, a2)

    asrc = a[:, 0]
    adst = a[:, 1]
    src = edge_index[0].reshape(NW * NCHUNK, 1, B)
    dst = edge_index[1].reshape(NW * NCHUNK, 1, B)
    src_a = edge_index[0].reshape(NW, 1, EPW)
    dst_a = edge_index[1].reshape(NW, 1, EPW)

    s, den = _sc_logits(asrc, adst, src_a, dst_a)
    acc = _sc_messages(h, src, dst, s.reshape(NW * NCHUNK, 1, B))
    den_t = den.reshape(NW, N).T
    return _tc_post(acc, den_t, h, a, bias.reshape(1, C))

# --- scband reference (transcript-rebuilt; emitter-appended) ---
"""Pipeline reference for scband-gatblock-45200235823722 (READ-ONLY COPY).

The authoritative reference and input builder live on the scoring server;
editing this copy changes nothing except your own understanding.
"""

import jax, jax.numpy as jnp
import numpy as np

N = 10000
E = 320000
IN_CH = 128
OUT_CH = 128
HEADS = 1


def setup_inputs(seed: int = 0) -> dict:
    key = jax.random.key(seed)
    ks = jax.random.split(key, 6)
    x = jax.random.normal(ks[0], (N, IN_CH), dtype=jnp.float32)
    edge_index = jax.random.randint(ks[1], (2, E), 0, N, dtype=jnp.int32)
    W = jax.random.normal(ks[2], (IN_CH, HEADS * OUT_CH), dtype=jnp.float32) * (1.0 / np.sqrt(IN_CH))
    att_src = jax.random.normal(ks[3], (HEADS, OUT_CH), dtype=jnp.float32) * (1.0 / np.sqrt(OUT_CH))
    att_dst = jax.random.normal(ks[4], (HEADS, OUT_CH), dtype=jnp.float32) * (1.0 / np.sqrt(OUT_CH))
    bias = jnp.zeros((HEADS * OUT_CH,), dtype=jnp.float32)
    return {"x": x, "edge_index": edge_index, "W": W, "att_src": att_src, "att_dst": att_dst, "bias": bias}


def reference(x, edge_index, W, att_src, att_dst, bias):
    n = x.shape[0]
    H, C = att_src.shape
    # PyG GATConv default add_self_loops=True
    loops = jnp.arange(n, dtype=edge_index.dtype)
    ei = jnp.concatenate([edge_index, jnp.stack([loops, loops], axis=0)], axis=1)
    src, dst = ei[0], ei[1]
    # linear projection, reshape to heads
    h = (x @ W).reshape(n, H, C)
    # per-node attention logits
    a_src = jnp.sum(h * att_src[None, :, :], axis=-1)  # [n, H]
    a_dst = jnp.sum(h * att_dst[None, :, :], axis=-1)  # [n, H]
    alpha = a_src[src] + a_dst[dst]                    # [e, H] gather
    alpha = jax.nn.leaky_relu(alpha, negative_slope=0.2)
    # softmax over incoming edges per dst node (segment softmax)
    amax = jax.ops.segment_max(alpha, dst, num_segments=n)
    alpha = jnp.exp(alpha - amax[dst])
    denom = jax.ops.segment_sum(alpha, dst, num_segments=n)
    alpha = alpha / (denom[dst] + 1e-16)
    # message passing: weighted gather of source features, scatter-add to dst
    msg = h[src] * alpha[:, :, None]                   # [e, H, C]
    out = jax.ops.segment_sum(msg, dst, num_segments=n)  # [n, H, C]
    out = out.reshape(n, H * C) + bias
    # GATBlock: ELU then dropout (rate NONE / eval -> identity)
    return jax.nn.elu(out)

if __name__ == "__main__":
    import jax
    _d = setup_inputs()
    print(jax.jit(kernel)(*tuple(_d.values())))

</pallas_src>

<mosaic_0001>
#map = affine_map<(d0, d1) -> (0)>
#map1 = affine_map<(d0, d1) -> (0, 0, 0)>
module attributes {stable_mosaic.version = 14 : i64} {
  func.func @k(%arg0: i32, %arg1: i32, %arg2: memref<10000xf32, #tpu.memory_space<hbm>>, %arg3: memref<10000xf32, #tpu.memory_space<hbm>>, %arg4: memref<32x1x10000xi32, #tpu.memory_space<hbm>>, %arg5: memref<32x1x10000xi32, #tpu.memory_space<hbm>>, %arg6: memref<32x1x10000xf32, #tpu.memory_space<hbm>>, %arg7: memref<32x1x10000xf32, #tpu.memory_space<hbm>>, %arg8: memref<10000xf32, #tpu.memory_space<vmem>>, %arg9: memref<10000xf32, #tpu.memory_space<vmem>>, %arg10: memref<1x10000xf32, #tpu.memory_space<vmem>>, %arg11: memref<1x10000xi32, #tpu.memory_space<vmem>>, %arg12: memref<1x10000xi32, #tpu.memory_space<vmem>>, %arg13: memref<1x10000xf32, #tpu.memory_space<vmem>>) attributes {dimension_semantics = [#tpu.dimension_semantics<core_parallel>, #tpu.dimension_semantics<subcore_parallel>], iteration_bounds = array<i64: 2, 16>, scalar_prefetch = 0 : i64, scratch_operands = 6 : i64, tpu.core_type = #tpu.core_type<sc_vector_subcore>, window_params = [{transform_indices = #map}, {transform_indices = #map}, {transform_indices = #map1}, {transform_indices = #map1}, {transform_indices = #map1}, {transform_indices = #map1}]} {
    %mul3A = arith.constant 2 : i32
    %mul3A_0 = arith.muli %arg1, %mul3A : i32
    %add3A = arith.addi %mul3A_0, %arg0 : i32
    %broadcast_in_dim3A = arith.constant 0.000000e+00 : f32
    %broadcast_in_dim3A_1 = vector.broadcast %broadcast_in_dim3A : f32 to vector<16xf32>
    %broadcast_in_dim3A_2 = arith.constant 0 : i32
    %broadcast_in_dim3A_3 = vector.broadcast %broadcast_in_dim3A_2 : i32 to vector<16xi32>
    %scan3A = arith.constant 0 : i32
    %scan3A_4 = arith.constant 625 : i32
    %scan3A_5 = arith.addi %scan3A, %scan3A_4 : i32
    %scan3A_6 = arith.constant 1 : i32
    scf.for %scan3A_13 = %scan3A to %scan3A_5 step %scan3A_6  : i32 {
      %mul3A_14 = arith.constant 16 : i32
      %mul3A_15 = arith.muli %scan3A_13, %mul3A_14 : i32
      %add3A_16 = arith.constant 0 : i32
      %add3A_17 = arith.addi %add3A_16, %mul3A_15 : i32
      %swap3A = arith.constant 0 : i32
      %swap3A_18 = arith.index_cast %swap3A : i32 to index
      %swap3A_19 = arith.index_cast %add3A_17 : i32 to index
      %swap3A_20 = tpu.vector_load %arg10[%swap3A_18, %swap3A_19] {strides = array<i32>} : memref<1x10000xf32, #tpu.memory_space<vmem>>, vector<16xf32>,
      tpu.vector_store %arg10[%swap3A_18, %swap3A_19], %broadcast_in_dim3A_1 {strides = array<i32>} : memref<1x10000xf32, #tpu.memory_space<vmem>>, vector<16xf32>,
    }
    %scan3A_7 = arith.constant 625 : i32
    "tpu.region"() ({
      %run_scoped3A = tpu.sem_alloc : memref<!tpu.dma_semaphore, #tpu.memory_space<semaphore_mem>>
      tpu.enqueue_dma source(%arg2 : memref<10000xf32, #tpu.memory_space<hbm>>) target(%arg8 : memref<10000xf32, #tpu.memory_space<vmem>>) target_semaphore(%run_scoped3A : memref<!tpu.dma_semaphore, #tpu.memory_space<semaphore_mem>>)
      tpu.wait_dma2 semaphore(%run_scoped3A : memref<!tpu.dma_semaphore, #tpu.memory_space<semaphore_mem>>) src(%arg2 : memref<10000xf32, #tpu.memory_space<hbm>>) dst(%arg8 : memref<10000xf32, #tpu.memory_space<vmem>>)
      tpu.yield
    }) : () -> ()
    "tpu.region"() ({
      %run_scoped3A = tpu.sem_alloc : memref<!tpu.dma_semaphore, #tpu.memory_space<semaphore_mem>>
      tpu.enqueue_dma source(%arg3 : memref<10000xf32, #tpu.memory_space<hbm>>) target(%arg9 : memref<10000xf32, #tpu.memory_space<vmem>>) target_semaphore(%run_scoped3A : memref<!tpu.dma_semaphore, #tpu.memory_space<semaphore_mem>>)
      tpu.wait_dma2 semaphore(%run_scoped3A : memref<!tpu.dma_semaphore, #tpu.memory_space<semaphore_mem>>) src(%arg3 : memref<10000xf32, #tpu.memory_space<hbm>>) dst(%arg9 : memref<10000xf32, #tpu.memory_space<vmem>>)
      tpu.yield
    }) : () -> ()
    "tpu.region"() ({
      %run_scoped3A = tpu.sem_alloc : memref<!tpu.dma_semaphore, #tpu.memory_space<semaphore_mem>>
      %dma_start3A = arith.constant 0 : i32
      %dma_start3A_13 = arith.constant 0 : i32
      %dma_start3A_14 = tpu.memref_slice %arg4[%add3A, %dma_start3A, %dma_start3A_13] : memref<32x1x10000xi32, #tpu.memory_space<hbm>> -> memref<1x1x10000xi32, #tpu.memory_space<hbm>>
      %dma_start3A_15 = tpu.memref_squeeze %dma_start3A_14 : memref<1x1x10000xi32, #tpu.memory_space<hbm>> -> memref<1x10000xi32, #tpu.memory_space<hbm>>
      %dma_start3A_16 = arith.constant 0 : i32
      %dma_start3A_17 = arith.constant 0 : i32
      %dma_start3A_18 = tpu.memref_slice %arg4[%add3A, %dma_start3A_16, %dma_start3A_17] : memref<32x1x10000xi32, #tpu.memory_space<hbm>> -> memref<1x1x10000xi32, #tpu.memory_space<hbm>>
      %dma_start3A_19 = tpu.memref_squeeze %dma_start3A_18 : memref<1x1x10000xi32, #tpu.memory_space<hbm>> -> memref<1x10000xi32, #tpu.memory_space<hbm>>
      tpu.enqueue_dma source(%dma_start3A_19 : memref<1x10000xi32, #tpu.memory_space<hbm>>) target(%arg11 : memref<1x10000xi32, #tpu.memory_space<vmem>>) target_semaphore(%run_scoped3A : memref<!tpu.dma_semaphore, #tpu.memory_space<semaphore_mem>>)
      %dma_wait3A = arith.constant 0 : i32
      %dma_wait3A_20 = arith.constant 0 : i32
      %dma_wait3A_21 = tpu.memref_slice %arg4[%add3A, %dma_wait3A, %dma_wait3A_20] : memref<32x1x10000xi32, #tpu.memory_space<hbm>> -> memref<1x1x10000xi32, #tpu.memory_space<hbm>>
      %dma_wait3A_22 = tpu.memref_squeeze %dma_wait3A_21 : memref<1x1x10000xi32, #tpu.memory_space<hbm>> -> memref<1x10000xi32, #tpu.memory_space<hbm>>
      %dma_wait3A_23 = arith.constant 0 : i32
      %dma_wait3A_24 = arith.constant 0 : i32
      %dma_wait3A_25 = tpu.memref_slice %arg4[%add3A, %dma_wait3A_23, %dma_wait3A_24] : memref<32x1x10000xi32, #tpu.memory_space<hbm>> -> memref<1x1x10000xi32, #tpu.memory_space<hbm>>
      %dma_wait3A_26 = tpu.memref_squeeze %dma_wait3A_25 : memref<1x1x10000xi32, #tpu.memory_space<hbm>> -> memref<1x10000xi32, #tpu.memory_space<hbm>>
      tpu.wait_dma2 semaphore(%run_scoped3A : memref<!tpu.dma_semaphore, #tpu.memory_space<semaphore_mem>>) src(%dma_wait3A_26 : memref<1x10000xi32, #tpu.memory_space<hbm>>) dst(%arg11 : memref<1x10000xi32, #tpu.memory_space<vmem>>)
      tpu.yield
    }) : () -> ()
    "tpu.region"() ({
      %run_scoped3A = tpu.sem_alloc : memref<!tpu.dma_semaphore, #tpu.memory_space<semaphore_mem>>
      %dma_start3A = arith.constant 0 : i32
      %dma_start3A_13 = arith.constant 0 : i32
      %dma_start3A_14 = tpu.memref_slice %arg5[%add3A, %dma_start3A, %dma_start3A_13] : memref<32x1x10000xi32, #tpu.memory_space<hbm>> -> memref<1x1x10000xi32, #tpu.memory_space<hbm>>
      %dma_start3A_15 = tpu.memref_squeeze %dma_start3A_14 : memref<1x1x10000xi32, #tpu.memory_space<hbm>> -> memref<1x10000xi32, #tpu.memory_space<hbm>>
      %dma_start3A_16 = arith.constant 0 : i32
      %dma_start3A_17 = arith.constant 0 : i32
      %dma_start3A_18 = tpu.memref_slice %arg5[%add3A, %dma_start3A_16, %dma_start3A_17] : memref<32x1x10000xi32, #tpu.memory_space<hbm>> -> memref<1x1x10000xi32, #tpu.memory_space<hbm>>
      %dma_start3A_19 = tpu.memref_squeeze %dma_start3A_18 : memref<1x1x10000xi32, #tpu.memory_space<hbm>> -> memref<1x10000xi32, #tpu.memory_space<hbm>>
      tpu.enqueue_dma source(%dma_start3A_19 : memref<1x10000xi32, #tpu.memory_space<hbm>>) target(%arg12 : memref<1x10000xi32, #tpu.memory_space<vmem>>) target_semaphore(%run_scoped3A : memref<!tpu.dma_semaphore, #tpu.memory_space<semaphore_mem>>)
      %dma_wait3A = arith.constant 0 : i32
      %dma_wait3A_20 = arith.constant 0 : i32
      %dma_wait3A_21 = tpu.memref_slice %arg5[%add3A, %dma_wait3A, %dma_wait3A_20] : memref<32x1x10000xi32, #tpu.memory_space<hbm>> -> memref<1x1x10000xi32, #tpu.memory_space<hbm>>
      %dma_wait3A_22 = tpu.memref_squeeze %dma_wait3A_21 : memref<1x1x10000xi32, #tpu.memory_space<hbm>> -> memref<1x10000xi32, #tpu.memory_space<hbm>>
      %dma_wait3A_23 = arith.constant 0 : i32
      %dma_wait3A_24 = arith.constant 0 : i32
      %dma_wait3A_25 = tpu.memref_slice %arg5[%add3A, %dma_wait3A_23, %dma_wait3A_24] : memref<32x1x10000xi32, #tpu.memory_space<hbm>> -> memref<1x1x10000xi32, #tpu.memory_space<hbm>>
      %dma_wait3A_26 = tpu.memref_squeeze %dma_wait3A_25 : memref<1x1x10000xi32, #tpu.memory_space<hbm>> -> memref<1x10000xi32, #tpu.memory_space<hbm>>
      tpu.wait_dma2 semaphore(%run_scoped3A : memref<!tpu.dma_semaphore, #tpu.memory_space<semaphore_mem>>) src(%dma_wait3A_26 : memref<1x10000xi32, #tpu.memory_space<hbm>>) dst(%arg12 : memref<1x10000xi32, #tpu.memory_space<vmem>>)
      tpu.yield
    }) : () -> ()
    %scan3A_8 = arith.constant 0 : i32
    %scan3A_9 = arith.constant 625 : i32
    %scan3A_10 = arith.addi %scan3A_8, %scan3A_9 : i32
    %scan3A_11 = arith.constant 1 : i32
    scf.for %scan3A_13 = %scan3A_8 to %scan3A_10 step %scan3A_11  : i32 {
      %mul3A_14 = arith.constant 16 : i32
      %mul3A_15 = arith.muli %scan3A_13, %mul3A_14 : i32
      %add3A_16 = arith.constant 0 : i32
      %add3A_17 = arith.addi %add3A_16, %mul3A_15 : i32
      %get3A = arith.constant 0 : i32
      %get3A_18 = arith.index_cast %get3A : i32 to index
      %get3A_19 = arith.index_cast %add3A_17 : i32 to index
      %get3A_20 = tpu.vector_load %arg11[%get3A_18, %get3A_19] {strides = array<i32>} : memref<1x10000xi32, #tpu.memory_space<vmem>>, vector<16xi32>,
      %get3A_21 = arith.constant 0 : i32
      %get3A_22 = arith.index_cast %get3A_21 : i32 to index
      %get3A_23 = arith.index_cast %add3A_17 : i32 to index
      %get3A_24 = tpu.vector_load %arg12[%get3A_22, %get3A_23] {strides = array<i32>} : memref<1x10000xi32, #tpu.memory_space<vmem>>, vector<16xi32>,
      %gather3A = tpu.vector_load_idx %arg8[%get3A_20] : memref<10000xf32, #tpu.memory_space<vmem>>[vector<16xi32>], vector<16xf32>,
      %gather3A_25 = tpu.vector_load_idx %arg9[%get3A_24] : memref<10000xf32, #tpu.memory_space<vmem>>[vector<16xi32>], vector<16xf32>,
      %add3A_26 = arith.addf %gather3A, %gather3A_25 : vector<16xf32>
      %ge3A = arith.constant 0.000000e+00 : f32
      %ge3A_27 = vector.broadcast %ge3A : f32 to vector<16xf32>
      %ge3A_28 = arith.cmpf oge, %add3A_26, %ge3A_27 : vector<16xf32>
      %mul3A_29 = arith.constant 2.000000e-01 : f32
      %mul3A_30 = vector.broadcast %mul3A_29 : f32 to vector<16xf32>
      %mul3A_31 = arith.mulf %add3A_26, %mul3A_30 : vector<16xf32>
      %select_n3A = arith.select %ge3A_28, %add3A_26, %mul3A_31 : vector<16xi1>, vector<16xf32>
      %exp3A = math.exp %select_n3A : vector<16xf32>
      %swap3A = arith.constant 0 : i32
      %swap3A_32 = arith.index_cast %swap3A : i32 to index
      %swap3A_33 = arith.index_cast %add3A_17 : i32 to index
      %swap3A_34 = tpu.vector_load %arg13[%swap3A_32, %swap3A_33] {strides = array<i32>} : memref<1x10000xf32, #tpu.memory_space<vmem>>, vector<16xf32>,
      tpu.vector_store %arg13[%swap3A_32, %swap3A_33], %exp3A {strides = array<i32>} : memref<1x10000xf32, #tpu.memory_space<vmem>>, vector<16xf32>,
      tpu.vector_store_idx %arg10[%broadcast_in_dim3A_3, %get3A_24], %exp3A {add = true} : memref<1x10000xf32, #tpu.memory_space<vmem>>[vector<16xi32>, vector<16xi32>], vector<16xf32>,
    }
    %scan3A_12 = arith.constant 625 : i32
    "tpu.region"() ({
      %run_scoped3A = tpu.sem_alloc : memref<!tpu.dma_semaphore, #tpu.memory_space<semaphore_mem>>
      %dma_start3A = arith.constant 0 : i32
      %dma_start3A_13 = arith.constant 0 : i32
      %dma_start3A_14 = tpu.memref_slice %arg6[%add3A, %dma_start3A, %dma_start3A_13] : memref<32x1x10000xf32, #tpu.memory_space<hbm>> -> memref<1x1x10000xf32, #tpu.memory_space<hbm>>
      %dma_start3A_15 = tpu.memref_squeeze %dma_start3A_14 : memref<1x1x10000xf32, #tpu.memory_space<hbm>> -> memref<1x10000xf32, #tpu.memory_space<hbm>>
      %dma_start3A_16 = arith.constant 0 : i32
      %dma_start3A_17 = arith.constant 0 : i32
      %dma_start3A_18 = tpu.memref_slice %arg6[%add3A, %dma_start3A_16, %dma_start3A_17] : memref<32x1x10000xf32, #tpu.memory_space<hbm>> -> memref<1x1x10000xf32, #tpu.memory_space<hbm>>
      %dma_start3A_19 = tpu.memref_squeeze %dma_start3A_18 : memref<1x1x10000xf32, #tpu.memory_space<hbm>> -> memref<1x10000xf32, #tpu.memory_space<hbm>>
      tpu.enqueue_dma source(%arg13 : memref<1x10000xf32, #tpu.memory_space<vmem>>) target(%dma_start3A_19 : memref<1x10000xf32, #tpu.memory_space<hbm>>) target_semaphore(%run_scoped3A : memref<!tpu.dma_semaphore, #tpu.memory_space<semaphore_mem>>)
      %dma_wait3A = arith.constant 0 : i32
      %dma_wait3A_20 = arith.constant 0 : i32
      %dma_wait3A_21 = tpu.memref_slice %arg6[%add3A, %dma_wait3A, %dma_wait3A_20] : memref<32x1x10000xf32, #tpu.memory_space<hbm>> -> memref<1x1x10000xf32, #tpu.memory_space<hbm>>
      %dma_wait3A_22 = tpu.memref_squeeze %dma_wait3A_21 : memref<1x1x10000xf32, #tpu.memory_space<hbm>> -> memref<1x10000xf32, #tpu.memory_space<hbm>>
      %dma_wait3A_23 = arith.constant 0 : i32
      %dma_wait3A_24 = arith.constant 0 : i32
      %dma_wait3A_25 = tpu.memref_slice %arg6[%add3A, %dma_wait3A_23, %dma_wait3A_24] : memref<32x1x10000xf32, #tpu.memory_space<hbm>> -> memref<1x1x10000xf32, #tpu.memory_space<hbm>>
      %dma_wait3A_26 = tpu.memref_squeeze %dma_wait3A_25 : memref<1x1x10000xf32, #tpu.memory_space<hbm>> -> memref<1x10000xf32, #tpu.memory_space<hbm>>
      tpu.wait_dma2 semaphore(%run_scoped3A : memref<!tpu.dma_semaphore, #tpu.memory_space<semaphore_mem>>) src(%arg13 : memref<1x10000xf32, #tpu.memory_space<vmem>>) dst(%dma_wait3A_26 : memref<1x10000xf32, #tpu.memory_space<hbm>>)
      tpu.yield
    }) : () -> ()
    "tpu.region"() ({
      %run_scoped3A = tpu.sem_alloc : memref<!tpu.dma_semaphore, #tpu.memory_space<semaphore_mem>>
      %dma_start3A = arith.constant 0 : i32
      %dma_start3A_13 = arith.constant 0 : i32
      %dma_start3A_14 = tpu.memref_slice %arg7[%add3A, %dma_start3A, %dma_start3A_13] : memref<32x1x10000xf32, #tpu.memory_space<hbm>> -> memref<1x1x10000xf32, #tpu.memory_space<hbm>>
      %dma_start3A_15 = tpu.memref_squeeze %dma_start3A_14 : memref<1x1x10000xf32, #tpu.memory_space<hbm>> -> memref<1x10000xf32, #tpu.memory_space<hbm>>
      %dma_start3A_16 = arith.constant 0 : i32
      %dma_start3A_17 = arith.constant 0 : i32
      %dma_start3A_18 = tpu.memref_slice %arg7[%add3A, %dma_start3A_16, %dma_start3A_17] : memref<32x1x10000xf32, #tpu.memory_space<hbm>> -> memref<1x1x10000xf32, #tpu.memory_space<hbm>>
      %dma_start3A_19 = tpu.memref_squeeze %dma_start3A_18 : memref<1x1x10000xf32, #tpu.memory_space<hbm>> -> memref<1x10000xf32, #tpu.memory_space<hbm>>
      tpu.enqueue_dma source(%arg10 : memref<1x10000xf32, #tpu.memory_space<vmem>>) target(%dma_start3A_19 : memref<1x10000xf32, #tpu.memory_space<hbm>>) target_semaphore(%run_scoped3A : memref<!tpu.dma_semaphore, #tpu.memory_space<semaphore_mem>>)
      %dma_wait3A = arith.constant 0 : i32
      %dma_wait3A_20 = arith.constant 0 : i32
      %dma_wait3A_21 = tpu.memref_slice %arg7[%add3A, %dma_wait3A, %dma_wait3A_20] : memref<32x1x10000xf32, #tpu.memory_space<hbm>> -> memref<1x1x10000xf32, #tpu.memory_space<hbm>>
      %dma_wait3A_22 = tpu.memref_squeeze %dma_wait3A_21 : memref<1x1x10000xf32, #tpu.memory_space<hbm>> -> memref<1x10000xf32, #tpu.memory_space<hbm>>
      %dma_wait3A_23 = arith.constant 0 : i32
      %dma_wait3A_24 = arith.constant 0 : i32
      %dma_wait3A_25 = tpu.memref_slice %arg7[%add3A, %dma_wait3A_23, %dma_wait3A_24] : memref<32x1x10000xf32, #tpu.memory_space<hbm>> -> memref<1x1x10000xf32, #tpu.memory_space<hbm>>
      %dma_wait3A_26 = tpu.memref_squeeze %dma_wait3A_25 : memref<1x1x10000xf32, #tpu.memory_space<hbm>> -> memref<1x10000xf32, #tpu.memory_space<hbm>>
      tpu.wait_dma2 semaphore(%run_scoped3A : memref<!tpu.dma_semaphore, #tpu.memory_space<semaphore_mem>>) src(%arg10 : memref<1x10000xf32, #tpu.memory_space<vmem>>) dst(%dma_wait3A_26 : memref<1x10000xf32, #tpu.memory_space<hbm>>)
      tpu.yield
    }) : () -> ()
    return
  }
}

#map = affine_map<(d0, d1) -> (0, 0)>
#map1 = affine_map<(d0, d1) -> (0, 0, 0)>
module attributes {stable_mosaic.version = 14 : i64} {
  func.func @k(%arg0: i32, %arg1: i32, %arg2: memref<10000x128xf32, #tpu.memory_space<hbm>>, %arg3: memref<4000x1x80xi32, #tpu.memory_space<hbm>>, %arg4: memref<4000x1x80xi32, #tpu.memory_space<hbm>>, %arg5: memref<4000x1x80xf32, #tpu.memory_space<hbm>>, %arg6: memref<2x10000x128xf32, #tpu.memory_space<hbm>>, %arg7: memref<2x1x80xi32, #tpu.memory_space<vmem>>, %arg8: memref<2x1x80xi32, #tpu.memory_space<vmem>>, %arg9: memref<2x1x80xf32, #tpu.memory_space<vmem>>, %arg10: memref<2x80x128xf32, #tpu.memory_space<vmem>>, %arg11: memref<10000x128xf32, #tpu.memory_space<vmem_shared>>, %arg12: memref<!tpu.dma_semaphore, #tpu.memory_space<semaphore_mem>>, %arg13: memref<!tpu.dma_semaphore, #tpu.memory_space<semaphore_mem>>) attributes {dimension_semantics = [#tpu.dimension_semantics<core_parallel>, #tpu.dimension_semantics<subcore_parallel>], iteration_bounds = array<i64: 2, 16>, scalar_prefetch = 0 : i64, scratch_operands = 7 : i64, tpu.core_type = #tpu.core_type<sc_vector_subcore>, window_params = [{transform_indices = #map}, {transform_indices = #map1}, {transform_indices = #map1}, {transform_indices = #map1}, {transform_indices = #map1}]} {
    %mul3A = arith.constant 2 : i32
    %mul3A_0 = arith.muli %arg1, %mul3A : i32
    %add3A = arith.addi %mul3A_0, %arg0 : i32
    %broadcast_in_dim3A = arith.constant 0.000000e+00 : f32
    %broadcast_in_dim3A_1 = vector.broadcast %broadcast_in_dim3A : f32 to vector<16xf32>
    %scan3A = arith.constant 0 : i32
    %scan3A_2 = arith.constant 0 : i32
    %scan3A_3 = arith.constant 80 : i32
    %scan3A_4 = arith.addi %scan3A_2, %scan3A_3 : i32
    %scan3A_5 = arith.constant 1 : i32
    scf.for %scan3A_93 = %scan3A_2 to %scan3A_4 step %scan3A_5  : i32 {
      %mul3A_94 = arith.constant 1 : i32
      %mul3A_95 = arith.muli %scan3A_93, %mul3A_94 : i32
      %add3A_96 = arith.constant 0 : i32
      %add3A_97 = arith.addi %add3A_96, %mul3A_95 : i32
      %swap3A = arith.constant 0 : i32
      %swap3A_98 = arith.constant 0 : i32
      %swap3A_99 = tpu.memref_slice %arg10[%scan3A, %swap3A, %swap3A_98] : memref<2x80x128xf32, #tpu.memory_space<vmem>> -> memref<1x80x128xf32, #tpu.memory_space<vmem>>
      %swap3A_100 = tpu.memref_squeeze %swap3A_99 : memref<1x80x128xf32, #tpu.memory_space<vmem>> -> memref<80x128xf32, #tpu.memory_space<vmem>>
      %swap3A_101 = arith.index_cast %add3A_97 : i32 to index
      %swap3A_102 = arith.constant 0 : index
      %swap3A_103 = tpu.vector_load %swap3A_100[%swap3A_101, %swap3A_102] {strides = array<i32>} : memref<80x128xf32, #tpu.memory_space<vmem>>, vector<16xf32>,
      tpu.vector_store %swap3A_100[%swap3A_101, %swap3A_102], %broadcast_in_dim3A_1 {strides = array<i32>} : memref<80x128xf32, #tpu.memory_space<vmem>>, vector<16xf32>,
      %swap3A_104 = arith.constant 0 : i32
      %swap3A_105 = arith.constant 0 : i32
      %swap3A_106 = tpu.memref_slice %arg10[%scan3A, %swap3A_104, %swap3A_105] : memref<2x80x128xf32, #tpu.memory_space<vmem>> -> memref<1x80x128xf32, #tpu.memory_space<vmem>>
      %swap3A_107 = tpu.memref_squeeze %swap3A_106 : memref<1x80x128xf32, #tpu.memory_space<vmem>> -> memref<80x128xf32, #tpu.memory_space<vmem>>
      %swap3A_108 = arith.index_cast %add3A_97 : i32 to index
      %swap3A_109 = arith.constant 16 : index
      %swap3A_110 = tpu.vector_load %swap3A_107[%swap3A_108, %swap3A_109] {strides = array<i32>} : memref<80x128xf32, #tpu.memory_space<vmem>>, vector<16xf32>,
      tpu.vector_store %swap3A_107[%swap3A_108, %swap3A_109], %broadcast_in_dim3A_1 {strides = array<i32>} : memref<80x128xf32, #tpu.memory_space<vmem>>, vector<16xf32>,
      %swap3A_111 = arith.constant 0 : i32
      %swap3A_112 = arith.constant 0 : i32
      %swap3A_113 = tpu.memref_slice %arg10[%scan3A, %swap3A_111, %swap3A_112] : memref<2x80x128xf32, #tpu.memory_space<vmem>> -> memref<1x80x128xf32, #tpu.memory_space<vmem>>
      %swap3A_114 = tpu.memref_squeeze %swap3A_113 : memref<1x80x128xf32, #tpu.memory_space<vmem>> -> memref<80x128xf32, #tpu.memory_space<vmem>>
      %swap3A_115 = arith.index_cast %add3A_97 : i32 to index
      %swap3A_116 = arith.constant 32 : index
      %swap3A_117 = tpu.vector_load %swap3A_114[%swap3A_115, %swap3A_116] {strides = array<i32>} : memref<80x128xf32, #tpu.memory_space<vmem>>, vector<16xf32>,
      tpu.vector_store %swap3A_114[%swap3A_115, %swap3A_116], %broadcast_in_dim3A_1 {strides = array<i32>} : memref<80x128xf32, #tpu.memory_space<vmem>>, vector<16xf32>,
      %swap3A_118 = arith.constant 0 : i32
      %swap3A_119 = arith.constant 0 : i32
      %swap3A_120 = tpu.memref_slice %arg10[%scan3A, %swap3A_118, %swap3A_119] : memref<2x80x128xf32, #tpu.memory_space<vmem>> -> memref<1x80x128xf32, #tpu.memory_space<vmem>>
      %swap3A_121 = tpu.memref_squeeze %swap3A_120 : memref<1x80x128xf32, #tpu.memory_space<vmem>> -> memref<80x128xf32, #tpu.memory_space<vmem>>
      %swap3A_122 = arith.index_cast %add3A_97 : i32 to index
      %swap3A_123 = arith.constant 48 : index
      %swap3A_124 = tpu.vector_load %swap3A_121[%swap3A_122, %swap3A_123] {strides = array<i32>} : memref<80x128xf32, #tpu.memory_space<vmem>>, vector<16xf32>,
      tpu.vector_store %swap3A_121[%swap3A_122, %swap3A_123], %broadcast_in_dim3A_1 {strides = array<i32>} : memref<80x128xf32, #tpu.memory_space<vmem>>, vector<16xf32>,
      %swap3A_125 = arith.constant 0 : i32
      %swap3A_126 = arith.constant 0 : i32
      %swap3A_127 = tpu.memref_slice %arg10[%scan3A, %swap3A_125, %swap3A_126] : memref<2x80x128xf32, #tpu.memory_space<vmem>> -> memref<1x80x128xf32, #tpu.memory_space<vmem>>
      %swap3A_128 = tpu.memref_squeeze %swap3A_127 : memref<1x80x128xf32, #tpu.memory_space<vmem>> -> memref<80x128xf32, #tpu.memory_space<vmem>>
      %swap3A_129 = arith.index_cast %add3A_97 : i32 to index
      %swap3A_130 = arith.constant 64 : index
      %swap3A_131 = tpu.vector_load %swap3A_128[%swap3A_129, %swap3A_130] {strides = array<i32>} : memref<80x128xf32, #tpu.memory_space<vmem>>, vector<16xf32>,
      tpu.vector_store %swap3A_128[%swap3A_129, %swap3A_130], %broadcast_in_dim3A_1 {strides = array<i32>} : memref<80x128xf32, #tpu.memory_space<vmem>>, vector<16xf32>,
      %swap3A_132 = arith.constant 0 : i32
      %swap3A_133 = arith.constant 0 : i32
      %swap3A_134 = tpu.memref_slice %arg10[%scan3A, %swap3A_132, %swap3A_133] : memref<2x80x128xf32, #tpu.memory_space<vmem>> -> memref<1x80x128xf32, #tpu.memory_space<vmem>>
      %swap3A_135 = tpu.memref_squeeze %swap3A_134 : memref<1x80x128xf32, #tpu.memory_space<vmem>> -> memref<80x128xf32, #tpu.memory_space<vmem>>
      %swap3A_136 = arith.index_cast %add3A_97 : i32 to index
      %swap3A_137 = arith.constant 80 : index
      %swap3A_138 = tpu.vector_load %swap3A_135[%swap3A_136, %swap3A_137] {strides = array<i32>} : memref<80x128xf32, #tpu.memory_space<vmem>>, vector<16xf32>,
      tpu.vector_store %swap3A_135[%swap3A_136, %swap3A_137], %broadcast_in_dim3A_1 {strides = array<i32>} : memref<80x128xf32, #tpu.memory_space<vmem>>, vector<16xf32>,
      %swap3A_139 = arith.constant 0 : i32
      %swap3A_140 = arith.constant 0 : i32
      %swap3A_141 = tpu.memref_slice %arg10[%scan3A, %swap3A_139, %swap3A_140] : memref<2x80x128xf32, #tpu.memory_space<vmem>> -> memref<1x80x128xf32, #tpu.memory_space<vmem>>
      %swap3A_142 = tpu.memref_squeeze %swap3A_141 : memref<1x80x128xf32, #tpu.memory_space<vmem>> -> memref<80x128xf32, #tpu.memory_space<vmem>>
      %swap3A_143 = arith.index_cast %add3A_97 : i32 to index
      %swap3A_144 = arith.constant 96 : index
      %swap3A_145 = tpu.vector_load %swap3A_142[%swap3A_143, %swap3A_144] {strides = array<i32>} : memref<80x128xf32, #tpu.memory_space<vmem>>, vector<16xf32>,
      tpu.vector_store %swap3A_142[%swap3A_143, %swap3A_144], %broadcast_in_dim3A_1 {strides = array<i32>} : memref<80x128xf32, #tpu.memory_space<vmem>>, vector<16xf32>,
      %swap3A_146 = arith.constant 0 : i32
      %swap3A_147 = arith.constant 0 : i32
      %swap3A_148 = tpu.memref_slice %arg10[%scan3A, %swap3A_146, %swap3A_147] : memref<2x80x128xf32, #tpu.memory_space<vmem>> -> memref<1x80x128xf32, #tpu.memory_space<vmem>>
      %swap3A_149 = tpu.memref_squeeze %swap3A_148 : memref<1x80x128xf32, #tpu.memory_space<vmem>> -> memref<80x128xf32, #tpu.memory_space<vmem>>
      %swap3A_150 = arith.index_cast %add3A_97 : i32 to index
      %swap3A_151 = arith.constant 112 : index
      %swap3A_152 = tpu.vector_load %swap3A_149[%swap3A_150, %swap3A_151] {strides = array<i32>} : memref<80x128xf32, #tpu.memory_space<vmem>>, vector<16xf32>,
      tpu.vector_store %swap3A_149[%swap3A_150, %swap3A_151], %broadcast_in_dim3A_1 {strides = array<i32>} : memref<80x128xf32, #tpu.memory_space<vmem>>, vector<16xf32>,
    }
    %scan3A_6 = arith.constant 80 : i32
    %scan3A_7 = arith.constant 0 : i32
    %scan3A_8 = arith.constant 0 : i32
    %scan3A_9 = arith.constant 7 : i32
    %scan3A_10 = arith.addi %scan3A_8, %scan3A_9 : i32
    %scan3A_11 = arith.constant 1 : i32
    scf.for %scan3A_93 = %scan3A_8 to %scan3A_10 step %scan3A_11  : i32 {
      %mul3A_94 = arith.constant 1 : i32
      %mul3A_95 = arith.muli %scan3A_93, %mul3A_94 : i32
      %add3A_96 = arith.constant 0 : i32
      %add3A_97 = arith.addi %add3A_96, %mul3A_95 : i32
      %mul3A_98 = arith.constant 624 : i32
      %mul3A_99 = arith.muli %arg1, %mul3A_98 : i32
      %mul3A_100 = arith.constant 80 : i32
      %mul3A_101 = arith.muli %add3A_97, %mul3A_100 : i32
      %add3A_102 = arith.addi %mul3A_99, %mul3A_101 : i32
      %multiple_of3A_103 = tpu.assume_multiple %add3A_102, 8 : i32
      "tpu.region"() ({
        %run_scoped3A_104 = tpu.sem_alloc : memref<!tpu.dma_semaphore, #tpu.memory_space<semaphore_mem>>
        %dma_start3A_105 = arith.constant 0 : i32
        %dma_start3A_106 = arith.constant 0 : i32
        %dma_start3A_107 = tpu.memref_slice %arg10[%scan3A_7, %dma_start3A_105, %dma_start3A_106] : memref<2x80x128xf32, #tpu.memory_space<vmem>> -> memref<1x80x128xf32, #tpu.memory_space<vmem>>
        %dma_start3A_108 = tpu.memref_squeeze %dma_start3A_107 : memref<1x80x128xf32, #tpu.memory_space<vmem>> -> memref<80x128xf32, #tpu.memory_space<vmem>>
        %dma_start3A_109 = arith.constant 0 : i32
        %dma_start3A_110 = arith.constant 0 : i32
        %dma_start3A_111 = tpu.memref_slice %dma_start3A_108[%dma_start3A_109, %dma_start3A_110] : memref<80x128xf32, #tpu.memory_space<vmem>> -> memref<80x128xf32, #tpu.memory_space<vmem>>
        %dma_start3A_112 = arith.constant 0 : i32
        %dma_start3A_113 = tpu.memref_slice %arg11[%multiple_of3A_103, %dma_start3A_112] : memref<10000x128xf32, #tpu.memory_space<vmem_shared>> -> memref<80x128xf32, #tpu.memory_space<vmem_shared>>
        %dma_start3A_114 = arith.constant 0 : i32
        %dma_start3A_115 = tpu.memref_slice %arg11[%multiple_of3A_103, %dma_start3A_114] : memref<10000x128xf32, #tpu.memory_space<vmem_shared>> -> memref<80x128xf32, #tpu.memory_space<vmem_shared>>
        %dma_start3A_116 = arith.constant 0 : i32
        %dma_start3A_117 = arith.constant 0 : i32
        %dma_start3A_118 = tpu.memref_slice %arg10[%scan3A_7, %dma_start3A_116, %dma_start3A_117] : memref<2x80x128xf32, #tpu.memory_space<vmem>> -> memref<1x80x128xf32, #tpu.memory_space<vmem>>
        %dma_start3A_119 = tpu.memref_squeeze %dma_start3A_118 : memref<1x80x128xf32, #tpu.memory_space<vmem>> -> memref<80x128xf32, #tpu.memory_space<vmem>>
        %dma_start3A_120 = arith.constant 0 : i32
        %dma_start3A_121 = arith.constant 0 : i32
        %dma_start3A_122 = tpu.memref_slice %dma_start3A_119[%dma_start3A_120, %dma_start3A_121] : memref<80x128xf32, #tpu.memory_space<vmem>> -> memref<80x128xf32, #tpu.memory_space<vmem>>
        tpu.enqueue_dma source(%dma_start3A_122 : memref<80x128xf32, #tpu.memory_space<vmem>>) target(%dma_start3A_115 : memref<80x128xf32, #tpu.memory_space<vmem_shared>>) target_semaphore(%run_scoped3A_104 : memref<!tpu.dma_semaphore, #tpu.memory_space<semaphore_mem>>)
        %dma_wait3A_123 = arith.constant 0 : i32
        %dma_wait3A_124 = arith.constant 0 : i32
        %dma_wait3A_125 = tpu.memref_slice %arg10[%scan3A_7, %dma_wait3A_123, %dma_wait3A_124] : memref<2x80x128xf32, #tpu.memory_space<vmem>> -> memref<1x80x128xf32, #tpu.memory_space<vmem>>
        %dma_wait3A_126 = tpu.memref_squeeze %dma_wait3A_125 : memref<1x80x128xf32, #tpu.memory_space<vmem>> -> memref<80x128xf32, #tpu.memory_space<vmem>>
        %dma_wait3A_127 = arith.constant 0 : i32
        %dma_wait3A_128 = arith.constant 0 : i32
        %dma_wait3A_129 = tpu.memref_slice %dma_wait3A_126[%dma_wait3A_127, %dma_wait3A_128] : memref<80x128xf32, #tpu.memory_space<vmem>> -> memref<80x128xf32, #tpu.memory_space<vmem>>
        %dma_wait3A_130 = arith.constant 0 : i32
        %dma_wait3A_131 = tpu.memref_slice %arg11[%multiple_of3A_103, %dma_wait3A_130] : memref<10000x128xf32, #tpu.memory_space<vmem_shared>> -> memref<80x128xf32, #tpu.memory_space<vmem_shared>>
        %dma_wait3A_132 = arith.constant 0 : i32
        %dma_wait3A_133 = tpu.memref_slice %arg11[%multiple_of3A_103, %dma_wait3A_132] : memref<10000x128xf32, #tpu.memory_space<vmem_shared>> -> memref<80x128xf32, #tpu.memory_space<vmem_shared>>
        %dma_wait3A_134 = arith.constant 0 : i32
        %dma_wait3A_135 = arith.constant 0 : i32
        %dma_wait3A_136 = tpu.memref_slice %arg10[%scan3A_7, %dma_wait3A_134, %dma_wait3A_135] : memref<2x80x128xf32, #tpu.memory_space<vmem>> -> memref<1x80x128xf32, #tpu.memory_space<vmem>>
        %dma_wait3A_137 = tpu.memref_squeeze %dma_wait3A_136 : memref<1x80x128xf32, #tpu.memory_space<vmem>> -> memref<80x128xf32, #tpu.memory_space<vmem>>
        %dma_wait3A_138 = arith.constant 0 : i32
        %dma_wait3A_139 = arith.constant 0 : i32
        %dma_wait3A_140 = tpu.memref_slice %dma_wait3A_137[%dma_wait3A_138, %dma_wait3A_139] : memref<80x128xf32, #tpu.memory_space<vmem>> -> memref<80x128xf32, #tpu.memory_space<vmem>>
        tpu.wait_dma2 semaphore(%run_scoped3A_104 : memref<!tpu.dma_semaphore, #tpu.memory_space<semaphore_mem>>) src(%dma_wait3A_140 : memref<80x128xf32, #tpu.memory_space<vmem>>) dst(%dma_wait3A_133 : memref<80x128xf32, #tpu.memory_space<vmem_shared>>)
        tpu.yield
      }) : () -> ()
    }
    %scan3A_12 = arith.constant 7 : i32
    %mul3A_13 = arith.constant 624 : i32
    %mul3A_14 = arith.muli %arg1, %mul3A_13 : i32
    %add3A_15 = arith.constant 560 : i32
    %add3A_16 = arith.addi %mul3A_14, %add3A_15 : i32
    %multiple_of3A = tpu.assume_multiple %add3A_16, 8 : i32
    %run_scoped3A = arith.constant 0 : i32
    "tpu.region"() ({
      %run_scoped3A_93 = tpu.sem_alloc : memref<!tpu.dma_semaphore, #tpu.memory_space<semaphore_mem>>
      %dma_start3A_94 = arith.constant 0 : i32
      %dma_start3A_95 = arith.constant 0 : i32
      %dma_start3A_96 = tpu.memref_slice %arg10[%run_scoped3A, %dma_start3A_94, %dma_start3A_95] : memref<2x80x128xf32, #tpu.memory_space<vmem>> -> memref<1x80x128xf32, #tpu.memory_space<vmem>>
      %dma_start3A_97 = tpu.memref_squeeze %dma_start3A_96 : memref<1x80x128xf32, #tpu.memory_space<vmem>> -> memref<80x128xf32, #tpu.memory_space<vmem>>
      %dma_start3A_98 = arith.constant 0 : i32
      %dma_start3A_99 = arith.constant 0 : i32
      %dma_start3A_100 = tpu.memref_slice %dma_start3A_97[%dma_start3A_98, %dma_start3A_99] : memref<80x128xf32, #tpu.memory_space<vmem>> -> memref<64x128xf32, #tpu.memory_space<vmem>>
      %dma_start3A_101 = arith.constant 0 : i32
      %dma_start3A_102 = tpu.memref_slice %arg11[%multiple_of3A, %dma_start3A_101] : memref<10000x128xf32, #tpu.memory_space<vmem_shared>> -> memref<64x128xf32, #tpu.memory_space<vmem_shared>>
      %dma_start3A_103 = arith.constant 0 : i32
      %dma_start3A_104 = tpu.memref_slice %arg11[%multiple_of3A, %dma_start3A_103] : memref<10000x128xf32, #tpu.memory_space<vmem_shared>> -> memref<64x128xf32, #tpu.memory_space<vmem_shared>>
      %dma_start3A_105 = arith.constant 0 : i32
      %dma_start3A_106 = arith.constant 0 : i32
      %dma_start3A_107 = tpu.memref_slice %arg10[%run_scoped3A, %dma_start3A_105, %dma_start3A_106] : memref<2x80x128xf32, #tpu.memory_space<vmem>> -> memref<1x80x128xf32, #tpu.memory_space<vmem>>
      %dma_start3A_108 = tpu.memref_squeeze %dma_start3A_107 : memref<1x80x128xf32, #tpu.memory_space<vmem>> -> memref<80x128xf32, #tpu.memory_space<vmem>>
      %dma_start3A_109 = arith.constant 0 : i32
      %dma_start3A_110 = arith.constant 0 : i32
      %dma_start3A_111 = tpu.memref_slice %dma_start3A_108[%dma_start3A_109, %dma_start3A_110] : memref<80x128xf32, #tpu.memory_space<vmem>> -> memref<64x128xf32, #tpu.memory_space<vmem>>
      tpu.enqueue_dma source(%dma_start3A_111 : memref<64x128xf32, #tpu.memory_space<vmem>>) target(%dma_start3A_104 : memref<64x128xf32, #tpu.memory_space<vmem_shared>>) target_semaphore(%run_scoped3A_93 : memref<!tpu.dma_semaphore, #tpu.memory_space<semaphore_mem>>)
      %dma_wait3A_112 = arith.constant 0 : i32
      %dma_wait3A_113 = arith.constant 0 : i32
      %dma_wait3A_114 = tpu.memref_slice %arg10[%run_scoped3A, %dma_wait3A_112, %dma_wait3A_113] : memref<2x80x128xf32, #tpu.memory_space<vmem>> -> memref<1x80x128xf32, #tpu.memory_space<vmem>>
      %dma_wait3A_115 = tpu.memref_squeeze %dma_wait3A_114 : memref<1x80x128xf32, #tpu.memory_space<vmem>> -> memref<80x128xf32, #tpu.memory_space<vmem>>
      %dma_wait3A_116 = arith.constant 0 : i32
      %dma_wait3A_117 = arith.constant 0 : i32
      %dma_wait3A_118 = tpu.memref_slice %dma_wait3A_115[%dma_wait3A_116, %dma_wait3A_117] : memref<80x128xf32, #tpu.memory_space<vmem>> -> memref<64x128xf32, #tpu.memory_space<vmem>>
      %dma_wait3A_119 = arith.constant 0 : i32
      %dma_wait3A_120 = tpu.memref_slice %arg11[%multiple_of3A, %dma_wait3A_119] : memref<10000x128xf32, #tpu.memory_space<vmem_shared>> -> memref<64x128xf32, #tpu.memory_space<vmem_shared>>
      %dma_wait3A_121 = arith.constant 0 : i32
      %dma_wait3A_122 = tpu.memref_slice %arg11[%multiple_of3A, %dma_wait3A_121] : memref<10000x128xf32, #tpu.memory_space<vmem_shared>> -> memref<64x128xf32, #tpu.memory_space<vmem_shared>>
      %dma_wait3A_123 = arith.constant 0 : i32
      %dma_wait3A_124 = arith.constant 0 : i32
      %dma_wait3A_125 = tpu.memref_slice %arg10[%run_scoped3A, %dma_wait3A_123, %dma_wait3A_124] : memref<2x80x128xf32, #tpu.memory_space<vmem>> -> memref<1x80x128xf32, #tpu.memory_space<vmem>>
      %dma_wait3A_126 = tpu.memref_squeeze %dma_wait3A_125 : memref<1x80x128xf32, #tpu.memory_space<vmem>> -> memref<80x128xf32, #tpu.memory_space<vmem>>
      %dma_wait3A_127 = arith.constant 0 : i32
      %dma_wait3A_128 = arith.constant 0 : i32
      %dma_wait3A_129 = tpu.memref_slice %dma_wait3A_126[%dma_wait3A_127, %dma_wait3A_128] : memref<80x128xf32, #tpu.memory_space<vmem>> -> memref<64x128xf32, #tpu.memory_space<vmem>>
      tpu.wait_dma2 semaphore(%run_scoped3A_93 : memref<!tpu.dma_semaphore, #tpu.memory_space<semaphore_mem>>) src(%dma_wait3A_129 : memref<64x128xf32, #tpu.memory_space<vmem>>) dst(%dma_wait3A_122 : memref<64x128xf32, #tpu.memory_space<vmem_shared>>)
      tpu.yield
    }) : () -> ()
    %eq3A = arith.constant 15 : i32
    %eq3A_17 = arith.cmpi eq, %arg1, %eq3A : i32
    %convert_element_type3A = arith.extui %eq3A_17 : i1 to i32
    %cond3A = arith.constant 0 : i32
    %cond3A_18 = arith.constant 0 : i32
    %cond3A_19 = arith.cmpi ne, %convert_element_type3A, %cond3A_18 : i32
    scf.if %cond3A_19 {
      "tpu.region"() ({
        %run_scoped3A_93 = tpu.sem_alloc : memref<!tpu.dma_semaphore, #tpu.memory_space<semaphore_mem>>
        %dma_start3A_94 = arith.constant 0 : i32
        %dma_start3A_95 = arith.constant 0 : i32
        %dma_start3A_96 = tpu.memref_slice %arg10[%cond3A, %dma_start3A_94, %dma_start3A_95] : memref<2x80x128xf32, #tpu.memory_space<vmem>> -> memref<1x80x128xf32, #tpu.memory_space<vmem>>
        %dma_start3A_97 = tpu.memref_squeeze %dma_start3A_96 : memref<1x80x128xf32, #tpu.memory_space<vmem>> -> memref<80x128xf32, #tpu.memory_space<vmem>>
        %dma_start3A_98 = arith.constant 0 : i32
        %dma_start3A_99 = arith.constant 0 : i32
        %dma_start3A_100 = tpu.memref_slice %dma_start3A_97[%dma_start3A_98, %dma_start3A_99] : memref<80x128xf32, #tpu.memory_space<vmem>> -> memref<16x128xf32, #tpu.memory_space<vmem>>
        %dma_start3A_101 = arith.constant 9984 : i32
        %dma_start3A_102 = arith.constant 0 : i32
        %dma_start3A_103 = tpu.memref_slice %arg11[%dma_start3A_101, %dma_start3A_102] : memref<10000x128xf32, #tpu.memory_space<vmem_shared>> -> memref<16x128xf32, #tpu.memory_space<vmem_shared>>
        %dma_start3A_104 = arith.constant 9984 : i32
        %dma_start3A_105 = arith.constant 0 : i32
        %dma_start3A_106 = tpu.memref_slice %arg11[%dma_start3A_104, %dma_start3A_105] : memref<10000x128xf32, #tpu.memory_space<vmem_shared>> -> memref<16x128xf32, #tpu.memory_space<vmem_shared>>
        %dma_start3A_107 = arith.constant 0 : i32
        %dma_start3A_108 = arith.constant 0 : i32
        %dma_start3A_109 = tpu.memref_slice %arg10[%cond3A, %dma_start3A_107, %dma_start3A_108] : memref<2x80x128xf32, #tpu.memory_space<vmem>> -> memref<1x80x128xf32, #tpu.memory_space<vmem>>
        %dma_start3A_110 = tpu.memref_squeeze %dma_start3A_109 : memref<1x80x128xf32, #tpu.memory_space<vmem>> -> memref<80x128xf32, #tpu.memory_space<vmem>>
        %dma_start3A_111 = arith.constant 0 : i32
        %dma_start3A_112 = arith.constant 0 : i32
        %dma_start3A_113 = tpu.memref_slice %dma_start3A_110[%dma_start3A_111, %dma_start3A_112] : memref<80x128xf32, #tpu.memory_space<vmem>> -> memref<16x128xf32, #tpu.memory_space<vmem>>
        tpu.enqueue_dma source(%dma_start3A_113 : memref<16x128xf32, #tpu.memory_space<vmem>>) target(%dma_start3A_106 : memref<16x128xf32, #tpu.memory_space<vmem_shared>>) target_semaphore(%run_scoped3A_93 : memref<!tpu.dma_semaphore, #tpu.memory_space<semaphore_mem>>)
        %dma_wait3A_114 = arith.constant 0 : i32
        %dma_wait3A_115 = arith.constant 0 : i32
        %dma_wait3A_116 = tpu.memref_slice %arg10[%cond3A, %dma_wait3A_114, %dma_wait3A_115] : memref<2x80x128xf32, #tpu.memory_space<vmem>> -> memref<1x80x128xf32, #tpu.memory_space<vmem>>
        %dma_wait3A_117 = tpu.memref_squeeze %dma_wait3A_116 : memref<1x80x128xf32, #tpu.memory_space<vmem>> -> memref<80x128xf32, #tpu.memory_space<vmem>>
        %dma_wait3A_118 = arith.constant 0 : i32
        %dma_wait3A_119 = arith.constant 0 : i32
        %dma_wait3A_120 = tpu.memref_slice %dma_wait3A_117[%dma_wait3A_118, %dma_wait3A_119] : memref<80x128xf32, #tpu.memory_space<vmem>> -> memref<16x128xf32, #tpu.memory_space<vmem>>
        %dma_wait3A_121 = arith.constant 9984 : i32
        %dma_wait3A_122 = arith.constant 0 : i32
        %dma_wait3A_123 = tpu.memref_slice %arg11[%dma_wait3A_121, %dma_wait3A_122] : memref<10000x128xf32, #tpu.memory_space<vmem_shared>> -> memref<16x128xf32, #tpu.memory_space<vmem_shared>>
        %dma_wait3A_124 = arith.constant 9984 : i32
        %dma_wait3A_125 = arith.constant 0 : i32
        %dma_wait3A_126 = tpu.memref_slice %arg11[%dma_wait3A_124, %dma_wait3A_125] : memref<10000x128xf32, #tpu.memory_space<vmem_shared>> -> memref<16x128xf32, #tpu.memory_space<vmem_shared>>
        %dma_wait3A_127 = arith.constant 0 : i32
        %dma_wait3A_128 = arith.constant 0 : i32
        %dma_wait3A_129 = tpu.memref_slice %arg10[%cond3A, %dma_wait3A_127, %dma_wait3A_128] : memref<2x80x128xf32, #tpu.memory_space<vmem>> -> memref<1x80x128xf32, #tpu.memory_space<vmem>>
        %dma_wait3A_130 = tpu.memref_squeeze %dma_wait3A_129 : memref<1x80x128xf32, #tpu.memory_space<vmem>> -> memref<80x128xf32, #tpu.memory_space<vmem>>
        %dma_wait3A_131 = arith.constant 0 : i32
        %dma_wait3A_132 = arith.constant 0 : i32
        %dma_wait3A_133 = tpu.memref_slice %dma_wait3A_130[%dma_wait3A_131, %dma_wait3A_132] : memref<80x128xf32, #tpu.memory_space<vmem>> -> memref<16x128xf32, #tpu.memory_space<vmem>>
        tpu.wait_dma2 semaphore(%run_scoped3A_93 : memref<!tpu.dma_semaphore, #tpu.memory_space<semaphore_mem>>) src(%dma_wait3A_133 : memref<16x128xf32, #tpu.memory_space<vmem>>) dst(%dma_wait3A_126 : memref<16x128xf32, #tpu.memory_space<vmem_shared>>)
        tpu.yield
      }) : () -> ()
    } else {
    }
    %barrier3A = arith.constant 0 : index
    tpu.barrier barrier_id(%barrier3A)
    %broadcast_in_dim3A_20 = arith.constant 0 : i32
    %broadcast_in_dim3A_21 = vector.broadcast %broadcast_in_dim3A_20 : i32 to vector<16xi32>
    %mul3A_22 = arith.constant 125 : i32
    %mul3A_23 = arith.muli %add3A, %mul3A_22 : i32
    %add3A_24 = arith.constant 0 : i32
    %add3A_25 = arith.addi %mul3A_23, %add3A_24 : i32
    %run_scoped3A_26 = arith.constant 0 : i32
    "tpu.region"() ({
      %run_scoped3A_93 = tpu.sem_alloc : memref<!tpu.dma_semaphore, #tpu.memory_space<semaphore_mem>>
      %dma_start3A_94 = arith.constant 0 : i32
      %dma_start3A_95 = arith.constant 0 : i32
      %dma_start3A_96 = tpu.memref_slice %arg7[%run_scoped3A_26, %dma_start3A_94, %dma_start3A_95] : memref<2x1x80xi32, #tpu.memory_space<vmem>> -> memref<1x1x80xi32, #tpu.memory_space<vmem>>
      %dma_start3A_97 = tpu.memref_squeeze %dma_start3A_96 : memref<1x1x80xi32, #tpu.memory_space<vmem>> -> memref<1x80xi32, #tpu.memory_space<vmem>>
      %dma_start3A_98 = arith.constant 0 : i32
      %dma_start3A_99 = arith.constant 0 : i32
      %dma_start3A_100 = tpu.memref_slice %arg3[%add3A_25, %dma_start3A_98, %dma_start3A_99] : memref<4000x1x80xi32, #tpu.memory_space<hbm>> -> memref<1x1x80xi32, #tpu.memory_space<hbm>>
      %dma_start3A_101 = tpu.memref_squeeze %dma_start3A_100 : memref<1x1x80xi32, #tpu.memory_space<hbm>> -> memref<1x80xi32, #tpu.memory_space<hbm>>
      %dma_start3A_102 = arith.constant 0 : i32
      %dma_start3A_103 = arith.constant 0 : i32
      %dma_start3A_104 = tpu.memref_slice %arg7[%run_scoped3A_26, %dma_start3A_102, %dma_start3A_103] : memref<2x1x80xi32, #tpu.memory_space<vmem>> -> memref<1x1x80xi32, #tpu.memory_space<vmem>>
      %dma_start3A_105 = tpu.memref_squeeze %dma_start3A_104 : memref<1x1x80xi32, #tpu.memory_space<vmem>> -> memref<1x80xi32, #tpu.memory_space<vmem>>
      %dma_start3A_106 = arith.constant 0 : i32
      %dma_start3A_107 = arith.constant 0 : i32
      %dma_start3A_108 = tpu.memref_slice %arg3[%add3A_25, %dma_start3A_106, %dma_start3A_107] : memref<4000x1x80xi32, #tpu.memory_space<hbm>> -> memref<1x1x80xi32, #tpu.memory_space<hbm>>
      %dma_start3A_109 = tpu.memref_squeeze %dma_start3A_108 : memref<1x1x80xi32, #tpu.memory_space<hbm>> -> memref<1x80xi32, #tpu.memory_space<hbm>>
      tpu.enqueue_dma source(%dma_start3A_109 : memref<1x80xi32, #tpu.memory_space<hbm>>) target(%dma_start3A_105 : memref<1x80xi32, #tpu.memory_space<vmem>>) target_semaphore(%run_scoped3A_93 : memref<!tpu.dma_semaphore, #tpu.memory_space<semaphore_mem>>)
      %dma_wait3A_110 = arith.constant 0 : i32
      %dma_wait3A_111 = arith.constant 0 : i32
      %dma_wait3A_112 = tpu.memref_slice %arg7[%run_scoped3A_26, %dma_wait3A_110, %dma_wait3A_111] : memref<2x1x80xi32, #tpu.memory_space<vmem>> -> memref<1x1x80xi32, #tpu.memory_space<vmem>>
      %dma_wait3A_113 = tpu.memref_squeeze %dma_wait3A_112 : memref<1x1x80xi32, #tpu.memory_space<vmem>> -> memref<1x80xi32, #tpu.memory_space<vmem>>
      %dma_wait3A_114 = arith.constant 0 : i32
      %dma_wait3A_115 = arith.constant 0 : i32
      %dma_wait3A_116 = tpu.memref_slice %arg3[%add3A_25, %dma_wait3A_114, %dma_wait3A_115] : memref<4000x1x80xi32, #tpu.memory_space<hbm>> -> memref<1x1x80xi32, #tpu.memory_space<hbm>>
      %dma_wait3A_117 = tpu.memref_squeeze %dma_wait3A_116 : memref<1x1x80xi32, #tpu.memory_space<hbm>> -> memref<1x80xi32, #tpu.memory_space<hbm>>
      %dma_wait3A_118 = arith.constant 0 : i32
      %dma_wait3A_119 = arith.constant 0 : i32
      %dma_wait3A_120 = tpu.memref_slice %arg7[%run_scoped3A_26, %dma_wait3A_118, %dma_wait3A_119] : memref<2x1x80xi32, #tpu.memory_space<vmem>> -> memref<1x1x80xi32, #tpu.memory_space<vmem>>
      %dma_wait3A_121 = tpu.memref_squeeze %dma_wait3A_120 : memref<1x1x80xi32, #tpu.memory_space<vmem>> -> memref<1x80xi32, #tpu.memory_space<vmem>>
      %dma_wait3A_122 = arith.constant 0 : i32
      %dma_wait3A_123 = arith.constant 0 : i32
      %dma_wait3A_124 = tpu.memref_slice %arg3[%add3A_25, %dma_wait3A_122, %dma_wait3A_123] : memref<4000x1x80xi32, #tpu.memory_space<hbm>> -> memref<1x1x80xi32, #tpu.memory_space<hbm>>
      %dma_wait3A_125 = tpu.memref_squeeze %dma_wait3A_124 : memref<1x1x80xi32, #tpu.memory_space<hbm>> -> memref<1x80xi32, #tpu.memory_space<hbm>>
      tpu.wait_dma2 semaphore(%run_scoped3A_93 : memref<!tpu.dma_semaphore, #tpu.memory_space<semaphore_mem>>) src(%dma_wait3A_125 : memref<1x80xi32, #tpu.memory_space<hbm>>) dst(%dma_wait3A_121 : memref<1x80xi32, #tpu.memory_space<vmem>>)
      tpu.yield
    }) : () -> ()
    %run_scoped3A_27 = arith.constant 0 : i32
    "tpu.region"() ({
      %run_scoped3A_93 = tpu.sem_alloc : memref<!tpu.dma_semaphore, #tpu.memory_space<semaphore_mem>>
      %dma_start3A_94 = arith.constant 0 : i32
      %dma_start3A_95 = arith.constant 0 : i32
      %dma_start3A_96 = tpu.memref_slice %arg8[%run_scoped3A_27, %dma_start3A_94, %dma_start3A_95] : memref<2x1x80xi32, #tpu.memory_space<vmem>> -> memref<1x1x80xi32, #tpu.memory_space<vmem>>
      %dma_start3A_97 = tpu.memref_squeeze %dma_start3A_96 : memref<1x1x80xi32, #tpu.memory_space<vmem>> -> memref<1x80xi32, #tpu.memory_space<vmem>>
      %dma_start3A_98 = arith.constant 0 : i32
      %dma_start3A_99 = arith.constant 0 : i32
      %dma_start3A_100 = tpu.memref_slice %arg4[%add3A_25, %dma_start3A_98, %dma_start3A_99] : memref<4000x1x80xi32, #tpu.memory_space<hbm>> -> memref<1x1x80xi32, #tpu.memory_space<hbm>>
      %dma_start3A_101 = tpu.memref_squeeze %dma_start3A_100 : memref<1x1x80xi32, #tpu.memory_space<hbm>> -> memref<1x80xi32, #tpu.memory_space<hbm>>
      %dma_start3A_102 = arith.constant 0 : i32
      %dma_start3A_103 = arith.constant 0 : i32
      %dma_start3A_104 = tpu.memref_slice %arg8[%run_scoped3A_27, %dma_start3A_102, %dma_start3A_103] : memref<2x1x80xi32, #tpu.memory_space<vmem>> -> memref<1x1x80xi32, #tpu.memory_space<vmem>>
      %dma_start3A_105 = tpu.memref_squeeze %dma_start3A_104 : memref<1x1x80xi32, #tpu.memory_space<vmem>> -> memref<1x80xi32, #tpu.memory_space<vmem>>
      %dma_start3A_106 = arith.constant 0 : i32
      %dma_start3A_107 = arith.constant 0 : i32
      %dma_start3A_108 = tpu.memref_slice %arg4[%add3A_25, %dma_start3A_106, %dma_start3A_107] : memref<4000x1x80xi32, #tpu.memory_space<hbm>> -> memref<1x1x80xi32, #tpu.memory_space<hbm>>
      %dma_start3A_109 = tpu.memref_squeeze %dma_start3A_108 : memref<1x1x80xi32, #tpu.memory_space<hbm>> -> memref<1x80xi32, #tpu.memory_space<hbm>>
      tpu.enqueue_dma source(%dma_start3A_109 : memref<1x80xi32, #tpu.memory_space<hbm>>) target(%dma_start3A_105 : memref<1x80xi32, #tpu.memory_space<vmem>>) target_semaphore(%run_scoped3A_93 : memref<!tpu.dma_semaphore, #tpu.memory_space<semaphore_mem>>)
      %dma_wait3A_110 = arith.constant 0 : i32
      %dma_wait3A_111 = arith.constant 0 : i32
      %dma_wait3A_112 = tpu.memref_slice %arg8[%run_scoped3A_27, %dma_wait3A_110, %dma_wait3A_111] : memref<2x1x80xi32, #tpu.memory_space<vmem>> -> memref<1x1x80xi32, #tpu.memory_space<vmem>>
      %dma_wait3A_113 = tpu.memref_squeeze %dma_wait3A_112 : memref<1x1x80xi32, #tpu.memory_space<vmem>> -> memref<1x80xi32, #tpu.memory_space<vmem>>
      %dma_wait3A_114 = arith.constant 0 : i32
      %dma_wait3A_115 = arith.constant 0 : i32
      %dma_wait3A_116 = tpu.memref_slice %arg4[%add3A_25, %dma_wait3A_114, %dma_wait3A_115] : memref<4000x1x80xi32, #tpu.memory_space<hbm>> -> memref<1x1x80xi32, #tpu.memory_space<hbm>>
      %dma_wait3A_117 = tpu.memref_squeeze %dma_wait3A_116 : memref<1x1x80xi32, #tpu.memory_space<hbm>> -> memref<1x80xi32, #tpu.memory_space<hbm>>
      %dma_wait3A_118 = arith.constant 0 : i32
      %dma_wait3A_119 = arith.constant 0 : i32
      %dma_wait3A_120 = tpu.memref_slice %arg8[%run_scoped3A_27, %dma_wait3A_118, %dma_wait3A_119] : memref<2x1x80xi32, #tpu.memory_space<vmem>> -> memref<1x1x80xi32, #tpu.memory_space<vmem>>
      %dma_wait3A_121 = tpu.memref_squeeze %dma_wait3A_120 : memref<1x1x80xi32, #tpu.memory_space<vmem>> -> memref<1x80xi32, #tpu.memory_space<vmem>>
      %dma_wait3A_122 = arith.constant 0 : i32
      %dma_wait3A_123 = arith.constant 0 : i32
      %dma_wait3A_124 = tpu.memref_slice %arg4[%add3A_25, %dma_wait3A_122, %dma_wait3A_123] : memref<4000x1x80xi32, #tpu.memory_space<hbm>> -> memref<1x1x80xi32, #tpu.memory_space<hbm>>
      %dma_wait3A_125 = tpu.memref_squeeze %dma_wait3A_124 : memref<1x1x80xi32, #tpu.memory_space<hbm>> -> memref<1x80xi32, #tpu.memory_space<hbm>>
      tpu.wait_dma2 semaphore(%run_scoped3A_93 : memref<!tpu.dma_semaphore, #tpu.memory_space<semaphore_mem>>) src(%dma_wait3A_125 : memref<1x80xi32, #tpu.memory_space<hbm>>) dst(%dma_wait3A_121 : memref<1x80xi32, #tpu.memory_space<vmem>>)
      tpu.yield
    }) : () -> ()
    %run_scoped3A_28 = arith.constant 0 : i32
    "tpu.region"() ({
      %run_scoped3A_93 = tpu.sem_alloc : memref<!tpu.dma_semaphore, #tpu.memory_space<semaphore_mem>>
      %dma_start3A_94 = arith.constant 0 : i32
      %dma_start3A_95 = arith.constant 0 : i32
      %dma_start3A_96 = tpu.memref_slice %arg9[%run_scoped3A_28, %dma_start3A_94, %dma_start3A_95] : memref<2x1x80xf32, #tpu.memory_space<vmem>> -> memref<1x1x80xf32, #tpu.memory_space<vmem>>
      %dma_start3A_97 = tpu.memref_squeeze %dma_start3A_96 : memref<1x1x80xf32, #tpu.memory_space<vmem>> -> memref<1x80xf32, #tpu.memory_space<vmem>>
      %dma_start3A_98 = arith.constant 0 : i32
      %dma_start3A_99 = arith.constant 0 : i32
      %dma_start3A_100 = tpu.memref_slice %arg5[%add3A_25, %dma_start3A_98, %dma_start3A_99] : memref<4000x1x80xf32, #tpu.memory_space<hbm>> -> memref<1x1x80xf32, #tpu.memory_space<hbm>>
      %dma_start3A_101 = tpu.memref_squeeze %dma_start3A_100 : memref<1x1x80xf32, #tpu.memory_space<hbm>> -> memref<1x80xf32, #tpu.memory_space<hbm>>
      %dma_start3A_102 = arith.constant 0 : i32
      %dma_start3A_103 = arith.constant 0 : i32
      %dma_start3A_104 = tpu.memref_slice %arg9[%run_scoped3A_28, %dma_start3A_102, %dma_start3A_103] : memref<2x1x80xf32, #tpu.memory_space<vmem>> -> memref<1x1x80xf32, #tpu.memory_space<vmem>>
      %dma_start3A_105 = tpu.memref_squeeze %dma_start3A_104 : memref<1x1x80xf32, #tpu.memory_space<vmem>> -> memref<1x80xf32, #tpu.memory_space<vmem>>
      %dma_start3A_106 = arith.constant 0 : i32
      %dma_start3A_107 = arith.constant 0 : i32
      %dma_start3A_108 = tpu.memref_slice %arg5[%add3A_25, %dma_start3A_106, %dma_start3A_107] : memref<4000x1x80xf32, #tpu.memory_space<hbm>> -> memref<1x1x80xf32, #tpu.memory_space<hbm>>
      %dma_start3A_109 = tpu.memref_squeeze %dma_start3A_108 : memref<1x1x80xf32, #tpu.memory_space<hbm>> -> memref<1x80xf32, #tpu.memory_space<hbm>>
      tpu.enqueue_dma source(%dma_start3A_109 : memref<1x80xf32, #tpu.memory_space<hbm>>) target(%dma_start3A_105 : memref<1x80xf32, #tpu.memory_space<vmem>>) target_semaphore(%run_scoped3A_93 : memref<!tpu.dma_semaphore, #tpu.memory_space<semaphore_mem>>)
      %dma_wait3A_110 = arith.constant 0 : i32
      %dma_wait3A_111 = arith.constant 0 : i32
      %dma_wait3A_112 = tpu.memref_slice %arg9[%run_scoped3A_28, %dma_wait3A_110, %dma_wait3A_111] : memref<2x1x80xf32, #tpu.memory_space<vmem>> -> memref<1x1x80xf32, #tpu.memory_space<vmem>>
      %dma_wait3A_113 = tpu.memref_squeeze %dma_wait3A_112 : memref<1x1x80xf32, #tpu.memory_space<vmem>> -> memref<1x80xf32, #tpu.memory_space<vmem>>
      %dma_wait3A_114 = arith.constant 0 : i32
      %dma_wait3A_115 = arith.constant 0 : i32
      %dma_wait3A_116 = tpu.memref_slice %arg5[%add3A_25, %dma_wait3A_114, %dma_wait3A_115] : memref<4000x1x80xf32, #tpu.memory_space<hbm>> -> memref<1x1x80xf32, #tpu.memory_space<hbm>>
      %dma_wait3A_117 = tpu.memref_squeeze %dma_wait3A_116 : memref<1x1x80xf32, #tpu.memory_space<hbm>> -> memref<1x80xf32, #tpu.memory_space<hbm>>
      %dma_wait3A_118 = arith.constant 0 : i32
      %dma_wait3A_119 = arith.constant 0 : i32
      %dma_wait3A_120 = tpu.memref_slice %arg9[%run_scoped3A_28, %dma_wait3A_118, %dma_wait3A_119] : memref<2x1x80xf32, #tpu.memory_space<vmem>> -> memref<1x1x80xf32, #tpu.memory_space<vmem>>
      %dma_wait3A_121 = tpu.memref_squeeze %dma_wait3A_120 : memref<1x1x80xf32, #tpu.memory_space<vmem>> -> memref<1x80xf32, #tpu.memory_space<vmem>>
      %dma_wait3A_122 = arith.constant 0 : i32
      %dma_wait3A_123 = arith.constant 0 : i32
      %dma_wait3A_124 = tpu.memref_slice %arg5[%add3A_25, %dma_wait3A_122, %dma_wait3A_123] : memref<4000x1x80xf32, #tpu.memory_space<hbm>> -> memref<1x1x80xf32, #tpu.memory_space<hbm>>
      %dma_wait3A_125 = tpu.memref_squeeze %dma_wait3A_124 : memref<1x1x80xf32, #tpu.memory_space<hbm>> -> memref<1x80xf32, #tpu.memory_space<hbm>>
      tpu.wait_dma2 semaphore(%run_scoped3A_93 : memref<!tpu.dma_semaphore, #tpu.memory_space<semaphore_mem>>) src(%dma_wait3A_125 : memref<1x80xf32, #tpu.memory_space<hbm>>) dst(%dma_wait3A_121 : memref<1x80xf32, #tpu.memory_space<vmem>>)
      tpu.yield
    }) : () -> ()
    %dma_start3A = arith.constant 0 : i32
    %dma_start3A_29 = arith.constant 0 : i32
    %dma_start3A_30 = arith.constant 0 : i32
    %dma_start3A_31 = arith.constant 0 : i32
    %dma_start3A_32 = arith.constant 0 : i32
    %dma_start3A_33 = tpu.memref_slice %arg10[%dma_start3A_30, %dma_start3A_31, %dma_start3A_32] : memref<2x80x128xf32, #tpu.memory_space<vmem>> -> memref<1x80x128xf32, #tpu.memory_space<vmem>>
    %dma_start3A_34 = tpu.memref_squeeze %dma_start3A_33 : memref<1x80x128xf32, #tpu.memory_space<vmem>> -> memref<80x128xf32, #tpu.memory_space<vmem>>
    %dma_start3A_35 = arith.constant 0 : i32
    %dma_start3A_36 = arith.constant 0 : i32
    %dma_start3A_37 = tpu.memref_slice %arg7[%dma_start3A, %dma_start3A_35, %dma_start3A_36] : memref<2x1x80xi32, #tpu.memory_space<vmem>> -> memref<1x1x80xi32, #tpu.memory_space<vmem>>
    %dma_start3A_38 = tpu.memref_squeeze %dma_start3A_37 : memref<1x1x80xi32, #tpu.memory_space<vmem>> -> memref<1x80xi32, #tpu.memory_space<vmem>>
    %dma_start3A_39 = arith.constant 0 : i32
    %dma_start3A_40 = tpu.memref_slice %dma_start3A_38[%dma_start3A_29, %dma_start3A_39] : memref<1x80xi32, #tpu.memory_space<vmem>> -> memref<1x80xi32, #tpu.memory_space<vmem>>
    %dma_start3A_41 = tpu.memref_squeeze %dma_start3A_40 : memref<1x80xi32, #tpu.memory_space<vmem>> -> memref<80xi32, #tpu.memory_space<vmem>>
    %dma_start3A_42 = arith.constant 0 : i32
    %dma_start3A_43 = arith.constant 0 : i32
    %dma_start3A_44 = tpu.memref_slice %arg2[%dma_start3A_42, %dma_start3A_43] : memref<10000x128xf32, #tpu.memory_space<hbm>> -> memref<10000x128xf32, #tpu.memory_space<hbm>>
    tpu.enqueue_indirect_dma source(%dma_start3A_44 : memref<10000x128xf32, #tpu.memory_space<hbm>>) target(%dma_start3A_34 : memref<80x128xf32, #tpu.memory_space<vmem>>) offsets(%dma_start3A_41 : memref<80xi32, #tpu.memory_space<vmem>>) semaphore(%arg12 : memref<!tpu.dma_semaphore, #tpu.memory_space<semaphore_mem>>)
    %scan3A_45 = arith.constant 1 : i32
    %scan3A_46 = arith.constant 1 : i32
    %scan3A_47 = arith.constant 1 : i32
    %scan3A_48 = arith.constant 1 : i32
    %scan3A_49 = arith.constant 0 : i32
    %scan3A_50 = arith.constant 0 : i32
    %scan3A_51 = arith.constant 0 : i32
    %scan3A_52 = arith.constant 0 : i32
    %scan3A_53 = arith.constant 0 : i32
    %scan3A_54 = arith.constant 62 : i32
    %scan3A_55 = arith.addi %scan3A_53, %scan3A_54 : i32
    %scan3A_56 = arith.constant 1 : i32
    scf.for %scan3A_93 = %scan3A_53 to %scan3A_55 step %scan3A_56  : i32 {
      %mul3A_94 = arith.constant 1 : i32
      %mul3A_95 = arith.muli %scan3A_93, %mul3A_94 : i32
      %add3A_96 = arith.constant 0 : i32
      %add3A_97 = arith.addi %add3A_96, %mul3A_95 : i32
      %mul3A_98 = arith.constant 2 : i32
      %mul3A_99 = arith.muli %add3A_97, %mul3A_98 : i32
      %add3A_100 = arith.constant 1 : i32
      %add3A_101 = arith.addi %mul3A_99, %add3A_100 : i32
      %mul3A_102 = arith.constant 125 : i32
      %mul3A_103 = arith.muli %add3A, %mul3A_102 : i32
      %add3A_104 = arith.addi %mul3A_103, %add3A_101 : i32
      "tpu.region"() ({
        %run_scoped3A_182 = tpu.sem_alloc : memref<!tpu.dma_semaphore, #tpu.memory_space<semaphore_mem>>
        %dma_start3A_183 = arith.constant 0 : i32
        %dma_start3A_184 = arith.constant 0 : i32
        %dma_start3A_185 = tpu.memref_slice %arg7[%scan3A_45, %dma_start3A_183, %dma_start3A_184] : memref<2x1x80xi32, #tpu.memory_space<vmem>> -> memref<1x1x80xi32, #tpu.memory_space<vmem>>
        %dma_start3A_186 = tpu.memref_squeeze %dma_start3A_185 : memref<1x1x80xi32, #tpu.memory_space<vmem>> -> memref<1x80xi32, #tpu.memory_space<vmem>>
        %dma_start3A_187 = arith.constant 0 : i32
        %dma_start3A_188 = arith.constant 0 : i32
        %dma_start3A_189 = tpu.memref_slice %arg3[%add3A_104, %dma_start3A_187, %dma_start3A_188] : memref<4000x1x80xi32, #tpu.memory_space<hbm>> -> memref<1x1x80xi32, #tpu.memory_space<hbm>>
        %dma_start3A_190 = tpu.memref_squeeze %dma_start3A_189 : memref<1x1x80xi32, #tpu.memory_space<hbm>> -> memref<1x80xi32, #tpu.memory_space<hbm>>
        %dma_start3A_191 = arith.constant 0 : i32
        %dma_start3A_192 = arith.constant 0 : i32
        %dma_start3A_193 = tpu.memref_slice %arg7[%scan3A_45, %dma_start3A_191, %dma_start3A_192] : memref<2x1x80xi32, #tpu.memory_space<vmem>> -> memref<1x1x80xi32, #tpu.memory_space<vmem>>
        %dma_start3A_194 = tpu.memref_squeeze %dma_start3A_193 : memref<1x1x80xi32, #tpu.memory_space<vmem>> -> memref<1x80xi32, #tpu.memory_space<vmem>>
        %dma_start3A_195 = arith.constant 0 : i32
        %dma_start3A_196 = arith.constant 0 : i32
        %dma_start3A_197 = tpu.memref_slice %arg3[%add3A_104, %dma_start3A_195, %dma_start3A_196] : memref<4000x1x80xi32, #tpu.memory_space<hbm>> -> memref<1x1x80xi32, #tpu.memory_space<hbm>>
        %dma_start3A_198 = tpu.memref_squeeze %dma_start3A_197 : memref<1x1x80xi32, #tpu.memory_space<hbm>> -> memref<1x80xi32, #tpu.memory_space<hbm>>
        tpu.enqueue_dma source(%dma_start3A_198 : memref<1x80xi32, #tpu.memory_space<hbm>>) target(%dma_start3A_194 : memref<1x80xi32, #tpu.memory_space<vmem>>) target_semaphore(%run_scoped3A_182 : memref<!tpu.dma_semaphore, #tpu.memory_space<semaphore_mem>>)
        %dma_wait3A_199 = arith.constant 0 : i32
        %dma_wait3A_200 = arith.constant 0 : i32
        %dma_wait3A_201 = tpu.memref_slice %arg7[%scan3A_45, %dma_wait3A_199, %dma_wait3A_200] : memref<2x1x80xi32, #tpu.memory_space<vmem>> -> memref<1x1x80xi32, #tpu.memory_space<vmem>>
        %dma_wait3A_202 = tpu.memref_squeeze %dma_wait3A_201 : memref<1x1x80xi32, #tpu.memory_space<vmem>> -> memref<1x80xi32, #tpu.memory_space<vmem>>
        %dma_wait3A_203 = arith.constant 0 : i32
        %dma_wait3A_204 = arith.constant 0 : i32
        %dma_wait3A_205 = tpu.memref_slice %arg3[%add3A_104, %dma_wait3A_203, %dma_wait3A_204] : memref<4000x1x80xi32, #tpu.memory_space<hbm>> -> memref<1x1x80xi32, #tpu.memory_space<hbm>>
        %dma_wait3A_206 = tpu.memref_squeeze %dma_wait3A_205 : memref<1x1x80xi32, #tpu.memory_space<hbm>> -> memref<1x80xi32, #tpu.memory_space<hbm>>
        %dma_wait3A_207 = arith.constant 0 : i32
        %dma_wait3A_208 = arith.constant 0 : i32
        %dma_wait3A_209 = tpu.memref_slice %arg7[%scan3A_45, %dma_wait3A_207, %dma_wait3A_208] : memref<2x1x80xi32, #tpu.memory_space<vmem>> -> memref<1x1x80xi32, #tpu.memory_space<vmem>>
        %dma_wait3A_210 = tpu.memref_squeeze %dma_wait3A_209 : memref<1x1x80xi32, #tpu.memory_space<vmem>> -> memref<1x80xi32, #tpu.memory_space<vmem>>
        %dma_wait3A_211 = arith.constant 0 : i32
        %dma_wait3A_212 = arith.constant 0 : i32
        %dma_wait3A_213 = tpu.memref_slice %arg3[%add3A_104, %dma_wait3A_211, %dma_wait3A_212] : memref<4000x1x80xi32, #tpu.memory_space<hbm>> -> memref<1x1x80xi32, #tpu.memory_space<hbm>>
        %dma_wait3A_214 = tpu.memref_squeeze %dma_wait3A_213 : memref<1x1x80xi32, #tpu.memory_space<hbm>> -> memref<1x80xi32, #tpu.memory_space<hbm>>
        tpu.wait_dma2 semaphore(%run_scoped3A_182 : memref<!tpu.dma_semaphore, #tpu.memory_space<semaphore_mem>>) src(%dma_wait3A_214 : memref<1x80xi32, #tpu.memory_space<hbm>>) dst(%dma_wait3A_210 : memref<1x80xi32, #tpu.memory_space<vmem>>)
        tpu.yield
      }) : () -> ()
      "tpu.region"() ({
        %run_scoped3A_182 = tpu.sem_alloc : memref<!tpu.dma_semaphore, #tpu.memory_space<semaphore_mem>>
        %dma_start3A_183 = arith.constant 0 : i32
        %dma_start3A_184 = arith.constant 0 : i32
        %dma_start3A_185 = tpu.memref_slice %arg8[%scan3A_46, %dma_start3A_183, %dma_start3A_184] : memref<2x1x80xi32, #tpu.memory_space<vmem>> -> memref<1x1x80xi32, #tpu.memory_space<vmem>>
        %dma_start3A_186 = tpu.memref_squeeze %dma_start3A_185 : memref<1x1x80xi32, #tpu.memory_space<vmem>> -> memref<1x80xi32, #tpu.memory_space<vmem>>
        %dma_start3A_187 = arith.constant 0 : i32
        %dma_start3A_188 = arith.constant 0 : i32
        %dma_start3A_189 = tpu.memref_slice %arg4[%add3A_104, %dma_start3A_187, %dma_start3A_188] : memref<4000x1x80xi32, #tpu.memory_space<hbm>> -> memref<1x1x80xi32, #tpu.memory_space<hbm>>
        %dma_start3A_190 = tpu.memref_squeeze %dma_start3A_189 : memref<1x1x80xi32, #tpu.memory_space<hbm>> -> memref<1x80xi32, #tpu.memory_space<hbm>>
        %dma_start3A_191 = arith.constant 0 : i32
        %dma_start3A_192 = arith.constant 0 : i32
        %dma_start3A_193 = tpu.memref_slice %arg8[%scan3A_46, %dma_start3A_191, %dma_start3A_192] : memref<2x1x80xi32, #tpu.memory_space<vmem>> -> memref<1x1x80xi32, #tpu.memory_space<vmem>>
        %dma_start3A_194 = tpu.memref_squeeze %dma_start3A_193 : memref<1x1x80xi32, #tpu.memory_space<vmem>> -> memref<1x80xi32, #tpu.memory_space<vmem>>
        %dma_start3A_195 = arith.constant 0 : i32
        %dma_start3A_196 = arith.constant 0 : i32
        %dma_start3A_197 = tpu.memref_slice %arg4[%add3A_104, %dma_start3A_195, %dma_start3A_196] : memref<4000x1x80xi32, #tpu.memory_space<hbm>> -> memref<1x1x80xi32, #tpu.memory_space<hbm>>
        %dma_start3A_198 = tpu.memref_squeeze %dma_start3A_197 : memref<1x1x80xi32, #tpu.memory_space<hbm>> -> memref<1x80xi32, #tpu.memory_space<hbm>>
        tpu.enqueue_dma source(%dma_start3A_198 : memref<1x80xi32, #tpu.memory_space<hbm>>) target(%dma_start3A_194 : memref<1x80xi32, #tpu.memory_space<vmem>>) target_semaphore(%run_scoped3A_182 : memref<!tpu.dma_semaphore, #tpu.memory_space<semaphore_mem>>)
        %dma_wait3A_199 = arith.constant 0 : i32
        %dma_wait3A_200 = arith.constant 0 : i32
        %dma_wait3A_201 = tpu.memref_slice %arg8[%scan3A_46, %dma_wait3A_199, %dma_wait3A_200] : memref<2x1x80xi32, #tpu.memory_space<vmem>> -> memref<1x1x80xi32, #tpu.memory_space<vmem>>
        %dma_wait3A_202 = tpu.memref_squeeze %dma_wait3A_201 : memref<1x1x80xi32, #tpu.memory_space<vmem>> -> memref<1x80xi32, #tpu.memory_space<vmem>>
        %dma_wait3A_203 = arith.constant 0 : i32
        %dma_wait3A_204 = arith.constant 0 : i32
        %dma_wait3A_205 = tpu.memref_slice %arg4[%add3A_104, %dma_wait3A_203, %dma_wait3A_204] : memref<4000x1x80xi32, #tpu.memory_space<hbm>> -> memref<1x1x80xi32, #tpu.memory_space<hbm>>
        %dma_wait3A_206 = tpu.memref_squeeze %dma_wait3A_205 : memref<1x1x80xi32, #tpu.memory_space<hbm>> -> memref<1x80xi32, #tpu.memory_space<hbm>>
        %dma_wait3A_207 = arith.constant 0 : i32
        %dma_wait3A_208 = arith.constant 0 : i32
        %dma_wait3A_209 = tpu.memref_slice %arg8[%scan3A_46, %dma_wait3A_207, %dma_wait3A_208] : memref<2x1x80xi32, #tpu.memory_space<vmem>> -> memref<1x1x80xi32, #tpu.memory_space<vmem>>
        %dma_wait3A_210 = tpu.memref_squeeze %dma_wait3A_209 : memref<1x1x80xi32, #tpu.memory_space<vmem>> -> memref<1x80xi32, #tpu.memory_space<vmem>>
        %dma_wait3A_211 = arith.constant 0 : i32
        %dma_wait3A_212 = arith.constant 0 : i32
        %dma_wait3A_213 = tpu.memref_slice %arg4[%add3A_104, %dma_wait3A_211, %dma_wait3A_212] : memref<4000x1x80xi32, #tpu.memory_space<hbm>> -> memref<1x1x80xi32, #tpu.memory_space<hbm>>
        %dma_wait3A_214 = tpu.memref_squeeze %dma_wait3A_213 : memref<1x1x80xi32, #tpu.memory_space<hbm>> -> memref<1x80xi32, #tpu.memory_space<hbm>>
        tpu.wait_dma2 semaphore(%run_scoped3A_182 : memref<!tpu.dma_semaphore, #tpu.memory_space<semaphore_mem>>) src(%dma_wait3A_214 : memref<1x80xi32, #tpu.memory_space<hbm>>) dst(%dma_wait3A_210 : memref<1x80xi32, #tpu.memory_space<vmem>>)
        tpu.yield
      }) : () -> ()
      "tpu.region"() ({
        %run_scoped3A_182 = tpu.sem_alloc : memref<!tpu.dma_semaphore, #tpu.memory_space<semaphore_mem>>
        %dma_start3A_183 = arith.constant 0 : i32
        %dma_start3A_184 = arith.constant 0 : i32
        %dma_start3A_185 = tpu.memref_slice %arg9[%scan3A_47, %dma_start3A_183, %dma_start3A_184] : memref<2x1x80xf32, #tpu.memory_space<vmem>> -> memref<1x1x80xf32, #tpu.memory_space<vmem>>
        %dma_start3A_186 = tpu.memref_squeeze %dma_start3A_185 : memref<1x1x80xf32, #tpu.memory_space<vmem>> -> memref<1x80xf32, #tpu.memory_space<vmem>>
        %dma_start3A_187 = arith.constant 0 : i32
        %dma_start3A_188 = arith.constant 0 : i32
        %dma_start3A_189 = tpu.memref_slice %arg5[%add3A_104, %dma_start3A_187, %dma_start3A_188] : memref<4000x1x80xf32, #tpu.memory_space<hbm>> -> memref<1x1x80xf32, #tpu.memory_space<hbm>>
        %dma_start3A_190 = tpu.memref_squeeze %dma_start3A_189 : memref<1x1x80xf32, #tpu.memory_space<hbm>> -> memref<1x80xf32, #tpu.memory_space<hbm>>
        %dma_start3A_191 = arith.constant 0 : i32
        %dma_start3A_192 = arith.constant 0 : i32
        %dma_start3A_193 = tpu.memref_slice %arg9[%scan3A_47, %dma_start3A_191, %dma_start3A_192] : memref<2x1x80xf32, #tpu.memory_space<vmem>> -> memref<1x1x80xf32, #tpu.memory_space<vmem>>
        %dma_start3A_194 = tpu.memref_squeeze %dma_start3A_193 : memref<1x1x80xf32, #tpu.memory_space<vmem>> -> memref<1x80xf32, #tpu.memory_space<vmem>>
        %dma_start3A_195 = arith.constant 0 : i32
        %dma_start3A_196 = arith.constant 0 : i32
        %dma_start3A_197 = tpu.memref_slice %arg5[%add3A_104, %dma_start3A_195, %dma_start3A_196] : memref<4000x1x80xf32, #tpu.memory_space<hbm>> -> memref<1x1x80xf32, #tpu.memory_space<hbm>>
        %dma_start3A_198 = tpu.memref_squeeze %dma_start3A_197 : memref<1x1x80xf32, #tpu.memory_space<hbm>> -> memref<1x80xf32, #tpu.memory_space<hbm>>
        tpu.enqueue_dma source(%dma_start3A_198 : memref<1x80xf32, #tpu.memory_space<hbm>>) target(%dma_start3A_194 : memref<1x80xf32, #tpu.memory_space<vmem>>) target_semaphore(%run_scoped3A_182 : memref<!tpu.dma_semaphore, #tpu.memory_space<semaphore_mem>>)
        %dma_wait3A_199 = arith.constant 0 : i32
        %dma_wait3A_200 = arith.constant 0 : i32
        %dma_wait3A_201 = tpu.memref_slice %arg9[%scan3A_47, %dma_wait3A_199, %dma_wait3A_200] : memref<2x1x80xf32, #tpu.memory_space<vmem>> -> memref<1x1x80xf32, #tpu.memory_space<vmem>>
        %dma_wait3A_202 = tpu.memref_squeeze %dma_wait3A_201 : memref<1x1x80xf32, #tpu.memory_space<vmem>> -> memref<1x80xf32, #tpu.memory_space<vmem>>
        %dma_wait3A_203 = arith.constant 0 : i32
        %dma_wait3A_204 = arith.constant 0 : i32
        %dma_wait3A_205 = tpu.memref_slice %arg5[%add3A_104, %dma_wait3A_203, %dma_wait3A_204] : memref<4000x1x80xf32, #tpu.memory_space<hbm>> -> memref<1x1x80xf32, #tpu.memory_space<hbm>>
        %dma_wait3A_206 = tpu.memref_squeeze %dma_wait3A_205 : memref<1x1x80xf32, #tpu.memory_space<hbm>> -> memref<1x80xf32, #tpu.memory_space<hbm>>
        %dma_wait3A_207 = arith.constant 0 : i32
        %dma_wait3A_208 = arith.constant 0 : i32
        %dma_wait3A_209 = tpu.memref_slice %arg9[%scan3A_47, %dma_wait3A_207, %dma_wait3A_208] : memref<2x1x80xf32, #tpu.memory_space<vmem>> -> memref<1x1x80xf32, #tpu.memory_space<vmem>>
        %dma_wait3A_210 = tpu.memref_squeeze %dma_wait3A_209 : memref<1x1x80xf32, #tpu.memory_space<vmem>> -> memref<1x80xf32, #tpu.memory_space<vmem>>
        %dma_wait3A_211 = arith.constant 0 : i32
        %dma_wait3A_212 = arith.constant 0 : i32
        %dma_wait3A_213 = tpu.memref_slice %arg5[%add3A_104, %dma_wait3A_211, %dma_wait3A_212] : memref<4000x1x80xf32, #tpu.memory_space<hbm>> -> memref<1x1x80xf32, #tpu.memory_space<hbm>>
        %dma_wait3A_214 = tpu.memref_squeeze %dma_wait3A_213 : memref<1x1x80xf32, #tpu.memory_space<hbm>> -> memref<1x80xf32, #tpu.memory_space<hbm>>
        tpu.wait_dma2 semaphore(%run_scoped3A_182 : memref<!tpu.dma_semaphore, #tpu.memory_space<semaphore_mem>>) src(%dma_wait3A_214 : memref<1x80xf32, #tpu.memory_space<hbm>>) dst(%dma_wait3A_210 : memref<1x80xf32, #tpu.memory_space<vmem>>)
        tpu.yield
      }) : () -> ()
      %dma_start3A_105 = arith.constant 0 : i32
      %dma_start3A_106 = arith.constant 0 : i32
      %dma_start3A_107 = arith.constant 0 : i32
      %dma_start3A_108 = tpu.memref_slice %arg10[%scan3A_48, %dma_start3A_106, %dma_start3A_107] : memref<2x80x128xf32, #tpu.memory_space<vmem>> -> memref<1x80x128xf32, #tpu.memory_space<vmem>>
      %dma_start3A_109 = tpu.memref_squeeze %dma_start3A_108 : memref<1x80x128xf32, #tpu.memory_space<vmem>> -> memref<80x128xf32, #tpu.memory_space<vmem>>
      %dma_start3A_110 = arith.constant 0 : i32
      %dma_start3A_111 = arith.constant 0 : i32
      %dma_start3A_112 = tpu.memref_slice %arg7[%scan3A_45, %dma_start3A_110, %dma_start3A_111] : memref<2x1x80xi32, #tpu.memory_space<vmem>> -> memref<1x1x80xi32, #tpu.memory_space<vmem>>
      %dma_start3A_113 = tpu.memref_squeeze %dma_start3A_112 : memref<1x1x80xi32, #tpu.memory_space<vmem>> -> memref<1x80xi32, #tpu.memory_space<vmem>>
      %dma_start3A_114 = arith.constant 0 : i32
      %dma_start3A_115 = tpu.memref_slice %dma_start3A_113[%dma_start3A_105, %dma_start3A_114] : memref<1x80xi32, #tpu.memory_space<vmem>> -> memref<1x80xi32, #tpu.memory_space<vmem>>
      %dma_start3A_116 = tpu.memref_squeeze %dma_start3A_115 : memref<1x80xi32, #tpu.memory_space<vmem>> -> memref<80xi32, #tpu.memory_space<vmem>>
      %dma_start3A_117 = arith.constant 0 : i32
      %dma_start3A_118 = arith.constant 0 : i32
      %dma_start3A_119 = tpu.memref_slice %arg2[%dma_start3A_117, %dma_start3A_118] : memref<10000x128xf32, #tpu.memory_space<hbm>> -> memref<10000x128xf32, #tpu.memory_space<hbm>>
      tpu.enqueue_indirect_dma source(%dma_start3A_119 : memref<10000x128xf32, #tpu.memory_space<hbm>>) target(%dma_start3A_109 : memref<80x128xf32, #tpu.memory_space<vmem>>) offsets(%dma_start3A_116 : memref<80xi32, #tpu.memory_space<vmem>>) semaphore(%arg13 : memref<!tpu.dma_semaphore, #tpu.memory_space<semaphore_mem>>)
      %dma_wait3A_120 = arith.constant 0 : i32
      %dma_wait3A_121 = arith.constant 0 : i32
      %dma_wait3A_122 = arith.constant 0 : i32
      %dma_wait3A_123 = tpu.memref_slice %arg10[%scan3A_50, %dma_wait3A_121, %dma_wait3A_122] : memref<2x80x128xf32, #tpu.memory_space<vmem>> -> memref<1x80x128xf32, #tpu.memory_space<vmem>>
      %dma_wait3A_124 = tpu.memref_squeeze %dma_wait3A_123 : memref<1x80x128xf32, #tpu.memory_space<vmem>> -> memref<80x128xf32, #tpu.memory_space<vmem>>
      %dma_wait3A_125 = arith.constant 0 : i32
      %dma_wait3A_126 = arith.constant 0 : i32
      %dma_wait3A_127 = tpu.memref_slice %arg7[%scan3A_49, %dma_wait3A_125, %dma_wait3A_126] : memref<2x1x80xi32, #tpu.memory_space<vmem>> -> memref<1x1x80xi32, #tpu.memory_space<vmem>>
      %dma_wait3A_128 = tpu.memref_squeeze %dma_wait3A_127 : memref<1x1x80xi32, #tpu.memory_space<vmem>> -> memref<1x80xi32, #tpu.memory_space<vmem>>
      %dma_wait3A_129 = arith.constant 0 : i32
      %dma_wait3A_130 = tpu.memref_slice %dma_wait3A_128[%dma_wait3A_120, %dma_wait3A_129] : memref<1x80xi32, #tpu.memory_space<vmem>> -> memref<1x80xi32, #tpu.memory_space<vmem>>
      %dma_wait3A_131 = tpu.memref_squeeze %dma_wait3A_130 : memref<1x80xi32, #tpu.memory_space<vmem>> -> memref<80xi32, #tpu.memory_space<vmem>>
      %dma_wait3A_132 = arith.constant 0 : i32
      %dma_wait3A_133 = arith.constant 0 : i32
      %dma_wait3A_134 = tpu.memref_slice %arg2[%dma_wait3A_132, %dma_wait3A_133] : memref<10000x128xf32, #tpu.memory_space<hbm>> -> memref<10000x128xf32, #tpu.memory_space<hbm>>
      tpu.wait_indirect_dma semaphore(%arg12 : memref<!tpu.dma_semaphore, #tpu.memory_space<semaphore_mem>>) src(%dma_wait3A_134 : memref<10000x128xf32, #tpu.memory_space<hbm>>) dst(%dma_wait3A_124 : memref<80x128xf32, #tpu.memory_space<vmem>>)
      %scan3A_135 = arith.constant 0 : i32
      %scan3A_136 = arith.constant 80 : i32
      %scan3A_137 = arith.addi %scan3A_135, %scan3A_136 : i32
      %scan3A_138 = arith.constant 1 : i32
      scf.for %scan3A_182 = %scan3A_135 to %scan3A_137 step %scan3A_138  : i32 {
        %mul3A_183 = arith.constant 1 : i32
        %mul3A_184 = arith.muli %scan3A_182, %mul3A_183 : i32
        %add3A_185 = arith.constant 0 : i32
        %add3A_186 = arith.addi %add3A_185, %mul3A_184 : i32
        %broadcast_in_dim3A_187 = vector.broadcast %add3A_186 : i32 to vector<16xi32>
        %gather3A = arith.constant 0 : i32
        %gather3A_188 = arith.constant 0 : i32
        %gather3A_189 = tpu.memref_slice %arg9[%scan3A_51, %gather3A, %gather3A_188] : memref<2x1x80xf32, #tpu.memory_space<vmem>> -> memref<1x1x80xf32, #tpu.memory_space<vmem>>
        %gather3A_190 = tpu.memref_squeeze %gather3A_189 : memref<1x1x80xf32, #tpu.memory_space<vmem>> -> memref<1x80xf32, #tpu.memory_space<vmem>>
        %gather3A_191 = tpu.vector_load_idx %gather3A_190[%broadcast_in_dim3A_21, %broadcast_in_dim3A_187] : memref<1x80xf32, #tpu.memory_space<vmem>>[vector<16xi32>, vector<16xi32>], vector<16xf32>,
        %get3A = arith.constant 0 : i32
        %get3A_192 = arith.constant 0 : i32
        %get3A_193 = tpu.memref_slice %arg10[%scan3A_50, %get3A, %get3A_192] : memref<2x80x128xf32, #tpu.memory_space<vmem>> -> memref<1x80x128xf32, #tpu.memory_space<vmem>>
        %get3A_194 = tpu.memref_squeeze %get3A_193 : memref<1x80x128xf32, #tpu.memory_space<vmem>> -> memref<80x128xf32, #tpu.memory_space<vmem>>
        %get3A_195 = arith.index_cast %add3A_186 : i32 to index
        %get3A_196 = arith.constant 0 : index
        %get3A_197 = tpu.vector_load %get3A_194[%get3A_195, %get3A_196] {strides = array<i32>} : memref<80x128xf32, #tpu.memory_space<vmem>>, vector<16xf32>,
        %mul3A_198 = arith.mulf %get3A_197, %gather3A_191 : vector<16xf32>
        %swap3A = arith.constant 0 : i32
        %swap3A_199 = arith.constant 0 : i32
        %swap3A_200 = tpu.memref_slice %arg10[%scan3A_50, %swap3A, %swap3A_199] : memref<2x80x128xf32, #tpu.memory_space<vmem>> -> memref<1x80x128xf32, #tpu.memory_space<vmem>>
        %swap3A_201 = tpu.memref_squeeze %swap3A_200 : memref<1x80x128xf32, #tpu.memory_space<vmem>> -> memref<80x128xf32, #tpu.memory_space<vmem>>
        %swap3A_202 = arith.index_cast %add3A_186 : i32 to index
        %swap3A_203 = arith.constant 0 : index
        %swap3A_204 = tpu.vector_load %swap3A_201[%swap3A_202, %swap3A_203] {strides = array<i32>} : memref<80x128xf32, #tpu.memory_space<vmem>>, vector<16xf32>,
        tpu.vector_store %swap3A_201[%swap3A_202, %swap3A_203], %mul3A_198 {strides = array<i32>} : memref<80x128xf32, #tpu.memory_space<vmem>>, vector<16xf32>,
        %get3A_205 = arith.constant 0 : i32
        %get3A_206 = arith.constant 0 : i32
        %get3A_207 = tpu.memref_slice %arg10[%scan3A_50, %get3A_205, %get3A_206] : memref<2x80x128xf32, #tpu.memory_space<vmem>> -> memref<1x80x128xf32, #tpu.memory_space<vmem>>
        %get3A_208 = tpu.memref_squeeze %get3A_207 : memref<1x80x128xf32, #tpu.memory_space<vmem>> -> memref<80x128xf32, #tpu.memory_space<vmem>>
        %get3A_209 = arith.index_cast %add3A_186 : i32 to index
        %get3A_210 = arith.constant 16 : index
        %get3A_211 = tpu.vector_load %get3A_208[%get3A_209, %get3A_210] {strides = array<i32>} : memref<80x128xf32, #tpu.memory_space<vmem>>, vector<16xf32>,
        %mul3A_212 = arith.mulf %get3A_211, %gather3A_191 : vector<16xf32>
        %swap3A_213 = arith.constant 0 : i32
        %swap3A_214 = arith.constant 0 : i32
        %swap3A_215 = tpu.memref_slice %arg10[%scan3A_50, %swap3A_213, %swap3A_214] : memref<2x80x128xf32, #tpu.memory_space<vmem>> -> memref<1x80x128xf32, #tpu.memory_space<vmem>>
        %swap3A_216 = tpu.memref_squeeze %swap3A_215 : memref<1x80x128xf32, #tpu.memory_space<vmem>> -> memref<80x128xf32, #tpu.memory_space<vmem>>
        %swap3A_217 = arith.index_cast %add3A_186 : i32 to index
        %swap3A_218 = arith.constant 16 : index
        %swap3A_219 = tpu.vector_load %swap3A_216[%swap3A_217, %swap3A_218] {strides = array<i32>} : memref<80x128xf32, #tpu.memory_space<vmem>>, vector<16xf32>,
        tpu.vector_store %swap3A_216[%swap3A_217, %swap3A_218], %mul3A_212 {strides = array<i32>} : memref<80x128xf32, #tpu.memory_space<vmem>>, vector<16xf32>,
        %get3A_220 = arith.constant 0 : i32
        %get3A_221 = arith.constant 0 : i32
        %get3A_222 = tpu.memref_slice %arg10[%scan3A_50, %get3A_220, %get3A_221] : memref<2x80x128xf32, #tpu.memory_space<vmem>> -> memref<1x80x128xf32, #tpu.memory_space<vmem>>
        %get3A_223 = tpu.memref_squeeze %get3A_222 : memref<1x80x128xf32, #tpu.memory_space<vmem>> -> memref<80x128xf32, #tpu.memory_space<vmem>>
        %get3A_224 = arith.index_cast %add3A_186 : i32 to index
        %get3A_225 = arith.constant 32 : index
        %get3A_226 = tpu.vector_load %get3A_223[%get3A_224, %get3A_225] {strides = array<i32>} : memref<80x128xf32, #tpu.memory_space<vmem>>, vector<16xf32>,
        %mul3A_227 = arith.mulf %get3A_226, %gather3A_191 : vector<16xf32>
        %swap3A_228 = arith.constant 0 : i32
        %swap3A_229 = arith.constant 0 : i32
        %swap3A_230 = tpu.memref_slice %arg10[%scan3A_50, %swap3A_228, %swap3A_229] : memref<2x80x128xf32, #tpu.memory_space<vmem>> -> memref<1x80x128xf32, #tpu.memory_space<vmem>>
        %swap3A_231 = tpu.memref_squeeze %swap3A_230 : memref<1x80x128xf32, #tpu.memory_space<vmem>> -> memref<80x128xf32, #tpu.memory_space<vmem>>
        %swap3A_232 = arith.index_cast %add3A_186 : i32 to index
        %swap3A_233 = arith.constant 32 : index
        %swap3A_234 = tpu.vector_load %swap3A_231[%swap3A_232, %swap3A_233] {strides = array<i32>} : memref<80x128xf32, #tpu.memory_space<vmem>>, vector<16xf32>,
        tpu.vector_store %swap3A_231[%swap3A_232, %swap3A_233], %mul3A_227 {strides = array<i32>} : memref<80x128xf32, #tpu.memory_space<vmem>>, vector<16xf32>,
        %get3A_235 = arith.constant 0 : i32
        %get3A_236 = arith.constant 0 : i32
        %get3A_237 = tpu.memref_slice %arg10[%scan3A_50, %get3A_235, %get3A_236] : memref<2x80x128xf32, #tpu.memory_space<vmem>> -> memref<1x80x128xf32, #tpu.memory_space<vmem>>
        %get3A_238 = tpu.memref_squeeze %get3A_237 : memref<1x80x128xf32, #tpu.memory_space<vmem>> -> memref<80x128xf32, #tpu.memory_space<vmem>>
        %get3A_239 = arith.index_cast %add3A_186 : i32 to index
        %get3A_240 = arith.constant 48 : index
        %get3A_241 = tpu.vector_load %get3A_238[%get3A_239, %get3A_240] {strides = array<i32>} : memref<80x128xf32, #tpu.memory_space<vmem>>, vector<16xf32>,
        %mul3A_242 = arith.mulf %get3A_241, %gather3A_191 : vector<16xf32>
        %swap3A_243 = arith.constant 0 : i32
        %swap3A_244 = arith.constant 0 : i32
        %swap3A_245 = tpu.memref_slice %arg10[%scan3A_50, %swap3A_243, %swap3A_244] : memref<2x80x128xf32, #tpu.memory_space<vmem>> -> memref<1x80x128xf32, #tpu.memory_space<vmem>>
        %swap3A_246 = tpu.memref_squeeze %swap3A_245 : memref<1x80x128xf32, #tpu.memory_space<vmem>> -> memref<80x128xf32, #tpu.memory_space<vmem>>
        %swap3A_247 = arith.index_cast %add3A_186 : i32 to index
        %swap3A_248 = arith.constant 48 : index
        %swap3A_249 = tpu.vector_load %swap3A_246[%swap3A_247, %swap3A_248] {strides = array<i32>} : memref<80x128xf32, #tpu.memory_space<vmem>>, vector<16xf32>,
        tpu.vector_store %swap3A_246[%swap3A_247, %swap3A_248], %mul3A_242 {strides = array<i32>} : memref<80x128xf32, #tpu.memory_space<vmem>>, vector<16xf32>,
        %get3A_250 = arith.constant 0 : i32
        %get3A_251 = arith.constant 0 : i32
        %get3A_252 = tpu.memref_slice %arg10[%scan3A_50, %get3A_250, %get3A_251] : memref<2x80x128xf32, #tpu.memory_space<vmem>> -> memref<1x80x128xf32, #tpu.memory_space<vmem>>
        %get3A_253 = tpu.memref_squeeze %get3A_252 : memref<1x80x128xf32, #tpu.memory_space<vmem>> -> memref<80x128xf32, #tpu.memory_space<vmem>>
        %get3A_254 = arith.index_cast %add3A_186 : i32 to index
        %get3A_255 = arith.constant 64 : index
        %get3A_256 = tpu.vector_load %get3A_253[%get3A_254, %get3A_255] {strides = array<i32>} : memref<80x128xf32, #tpu.memory_space<vmem>>, vector<16xf32>,
        %mul3A_257 = arith.mulf %get3A_256, %gather3A_191 : vector<16xf32>
        %swap3A_258 = arith.constant 0 : i32
        %swap3A_259 = arith.constant 0 : i32
        %swap3A_260 = tpu.memref_slice %arg10[%scan3A_50, %swap3A_258, %swap3A_259] : memref<2x80x128xf32, #tpu.memory_space<vmem>> -> memref<1x80x128xf32, #tpu.memory_space<vmem>>
        %swap3A_261 = tpu.memref_squeeze %swap3A_260 : memref<1x80x128xf32, #tpu.memory_space<vmem>> -> memref<80x128xf32, #tpu.memory_space<vmem>>
        %swap3A_262 = arith.index_cast %add3A_186 : i32 to index
        %swap3A_263 = arith.constant 64 : index
        %swap3A_264 = tpu.vector_load %swap3A_261[%swap3A_262, %swap3A_263] {strides = array<i32>} : memref<80x128xf32, #tpu.memory_space<vmem>>, vector<16xf32>,
        tpu.vector_store %swap3A_261[%swap3A_262, %swap3A_263], %mul3A_257 {strides = array<i32>} : memref<80x128xf32, #tpu.memory_space<vmem>>, vector<16xf32>,
        %get3A_265 = arith.constant 0 : i32
        %get3A_266 = arith.constant 0 : i32
        %get3A_267 = tpu.memref_slice %arg10[%scan3A_50, %get3A_265, %get3A_266] : memref<2x80x128xf32, #tpu.memory_space<vmem>> -> memref<1x80x128xf32, #tpu.memory_space<vmem>>
        %get3A_268 = tpu.memref_squeeze %get3A_267 : memref<1x80x128xf32, #tpu.memory_space<vmem>> -> memref<80x128xf32, #tpu.memory_space<vmem>>
        %get3A_269 = arith.index_cast %add3A_186 : i32 to index
        %get3A_270 = arith.constant 80 : index
        %get3A_271 = tpu.vector_load %get3A_268[%get3A_269, %get3A_270] {strides = array<i32>} : memref<80x128xf32, #tpu.memory_space<vmem>>, vector<16xf32>,
        %mul3A_272 = arith.mulf %get3A_271, %gather3A_191 : vector<16xf32>
        %swap3A_273 = arith.constant 0 : i32
        %swap3A_274 = arith.constant 0 : i32
        %swap3A_275 = tpu.memref_slice %arg10[%scan3A_50, %swap3A_273, %swap3A_274] : memref<2x80x128xf32, #tpu.memory_space<vmem>> -> memref<1x80x128xf32, #tpu.memory_space<vmem>>
        %swap3A_276 = tpu.memref_squeeze %swap3A_275 : memref<1x80x128xf32, #tpu.memory_space<vmem>> -> memref<80x128xf32, #tpu.memory_space<vmem>>
        %swap3A_277 = arith.index_cast %add3A_186 : i32 to index
        %swap3A_278 = arith.constant 80 : index
        %swap3A_279 = tpu.vector_load %swap3A_276[%swap3A_277, %swap3A_278] {strides = array<i32>} : memref<80x128xf32, #tpu.memory_space<vmem>>, vector<16xf32>,
        tpu.vector_store %swap3A_276[%swap3A_277, %swap3A_278], %mul3A_272 {strides = array<i32>} : memref<80x128xf32, #tpu.memory_space<vmem>>, vector<16xf32>,
        %get3A_280 = arith.constant 0 : i32
        %get3A_281 = arith.constant 0 : i32
        %get3A_282 = tpu.memref_slice %arg10[%scan3A_50, %get3A_280, %get3A_281] : memref<2x80x128xf32, #tpu.memory_space<vmem>> -> memref<1x80x128xf32, #tpu.memory_space<vmem>>
        %get3A_283 = tpu.memref_squeeze %get3A_282 : memref<1x80x128xf32, #tpu.memory_space<vmem>> -> memref<80x128xf32, #tpu.memory_space<vmem>>
        %get3A_284 = arith.index_cast %add3A_186 : i32 to index
        %get3A_285 = arith.constant 96 : index
        %get3A_286 = tpu.vector_load %get3A_283[%get3A_284, %get3A_285] {strides = array<i32>} : memref<80x128xf32, #tpu.memory_space<vmem>>, vector<16xf32>,
        %mul3A_287 = arith.mulf %get3A_286, %gather3A_191 : vector<16xf32>
        %swap3A_288 = arith.constant 0 : i32
        %swap3A_289 = arith.constant 0 : i32
        %swap3A_290 = tpu.memref_slice %arg10[%scan3A_50, %swap3A_288, %swap3A_289] : memref<2x80x128xf32, #tpu.memory_space<vmem>> -> memref<1x80x128xf32, #tpu.memory_space<vmem>>
        %swap3A_291 = tpu.memref_squeeze %swap3A_290 : memref<1x80x128xf32, #tpu.memory_space<vmem>> -> memref<80x128xf32, #tpu.memory_space<vmem>>
        %swap3A_292 = arith.index_cast %add3A_186 : i32 to index
        %swap3A_293 = arith.constant 96 : index
        %swap3A_294 = tpu.vector_load %swap3A_291[%swap3A_292, %swap3A_293] {strides = array<i32>} : memref<80x128xf32, #tpu.memory_space<vmem>>, vector<16xf32>,
        tpu.vector_store %swap3A_291[%swap3A_292, %swap3A_293], %mul3A_287 {strides = array<i32>} : memref<80x128xf32, #tpu.memory_space<vmem>>, vector<16xf32>,
        %get3A_295 = arith.constant 0 : i32
        %get3A_296 = arith.constant 0 : i32
        %get3A_297 = tpu.memref_slice %arg10[%scan3A_50, %get3A_295, %get3A_296] : memref<2x80x128xf32, #tpu.memory_space<vmem>> -> memref<1x80x128xf32, #tpu.memory_space<vmem>>
        %get3A_298 = tpu.memref_squeeze %get3A_297 : memref<1x80x128xf32, #tpu.memory_space<vmem>> -> memref<80x128xf32, #tpu.memory_space<vmem>>
        %get3A_299 = arith.index_cast %add3A_186 : i32 to index
        %get3A_300 = arith.constant 112 : index
        %get3A_301 = tpu.vector_load %get3A_298[%get3A_299, %get3A_300] {strides = array<i32>} : memref<80x128xf32, #tpu.memory_space<vmem>>, vector<16xf32>,
        %mul3A_302 = arith.mulf %get3A_301, %gather3A_191 : vector<16xf32>
        %swap3A_303 = arith.constant 0 : i32
        %swap3A_304 = arith.constant 0 : i32
        %swap3A_305 = tpu.memref_slice %arg10[%scan3A_50, %swap3A_303, %swap3A_304] : memref<2x80x128xf32, #tpu.memory_space<vmem>> -> memref<1x80x128xf32, #tpu.memory_space<vmem>>
        %swap3A_306 = tpu.memref_squeeze %swap3A_305 : memref<1x80x128xf32, #tpu.memory_space<vmem>> -> memref<80x128xf32, #tpu.memory_space<vmem>>
        %swap3A_307 = arith.index_cast %add3A_186 : i32 to index
        %swap3A_308 = arith.constant 112 : index
        %swap3A_309 = tpu.vector_load %swap3A_306[%swap3A_307, %swap3A_308] {strides = array<i32>} : memref<80x128xf32, #tpu.memory_space<vmem>>, vector<16xf32>,
        tpu.vector_store %swap3A_306[%swap3A_307, %swap3A_308], %mul3A_302 {strides = array<i32>} : memref<80x128xf32, #tpu.memory_space<vmem>>, vector<16xf32>,
      }
      %scan3A_139 = arith.constant 80 : i32
      %run_scoped3A_140 = arith.constant 0 : i32
      "tpu.region"() ({
        %run_scoped3A_182 = tpu.sem_alloc : memref<!tpu.dma_semaphore, #tpu.memory_space<semaphore_mem>>
        %dma_start3A_183 = arith.constant 0 : i32
        %dma_start3A_184 = arith.constant 0 : i32
        %dma_start3A_185 = tpu.memref_slice %arg10[%scan3A_50, %dma_start3A_183, %dma_start3A_184] : memref<2x80x128xf32, #tpu.memory_space<vmem>> -> memref<1x80x128xf32, #tpu.memory_space<vmem>>
        %dma_start3A_186 = tpu.memref_squeeze %dma_start3A_185 : memref<1x80x128xf32, #tpu.memory_space<vmem>> -> memref<80x128xf32, #tpu.memory_space<vmem>>
        %dma_start3A_187 = arith.constant 0 : i32
        %dma_start3A_188 = arith.constant 0 : i32
        %dma_start3A_189 = tpu.memref_slice %arg8[%scan3A_52, %dma_start3A_187, %dma_start3A_188] : memref<2x1x80xi32, #tpu.memory_space<vmem>> -> memref<1x1x80xi32, #tpu.memory_space<vmem>>
        %dma_start3A_190 = tpu.memref_squeeze %dma_start3A_189 : memref<1x1x80xi32, #tpu.memory_space<vmem>> -> memref<1x80xi32, #tpu.memory_space<vmem>>
        %dma_start3A_191 = arith.constant 0 : i32
        %dma_start3A_192 = tpu.memref_slice %dma_start3A_190[%run_scoped3A_140, %dma_start3A_191] : memref<1x80xi32, #tpu.memory_space<vmem>> -> memref<1x80xi32, #tpu.memory_space<vmem>>
        %dma_start3A_193 = tpu.memref_squeeze %dma_start3A_192 : memref<1x80xi32, #tpu.memory_space<vmem>> -> memref<80xi32, #tpu.memory_space<vmem>>
        %dma_start3A_194 = arith.constant 0 : i32
        %dma_start3A_195 = arith.constant 0 : i32
        %dma_start3A_196 = tpu.memref_slice %arg11[%dma_start3A_194, %dma_start3A_195] : memref<10000x128xf32, #tpu.memory_space<vmem_shared>> -> memref<10000x128xf32, #tpu.memory_space<vmem_shared>>
        tpu.enqueue_indirect_dma source(%dma_start3A_186 : memref<80x128xf32, #tpu.memory_space<vmem>>) target(%dma_start3A_196 : memref<10000x128xf32, #tpu.memory_space<vmem_shared>>) offsets(%dma_start3A_193 : memref<80xi32, #tpu.memory_space<vmem>>) semaphore(%run_scoped3A_182 : memref<!tpu.dma_semaphore, #tpu.memory_space<semaphore_mem>>) {add = true}
        %dma_wait3A_197 = arith.constant 0 : i32
        %dma_wait3A_198 = arith.constant 0 : i32
        %dma_wait3A_199 = tpu.memref_slice %arg10[%scan3A_50, %dma_wait3A_197, %dma_wait3A_198] : memref<2x80x128xf32, #tpu.memory_space<vmem>> -> memref<1x80x128xf32, #tpu.memory_space<vmem>>
        %dma_wait3A_200 = tpu.memref_squeeze %dma_wait3A_199 : memref<1x80x128xf32, #tpu.memory_space<vmem>> -> memref<80x128xf32, #tpu.memory_space<vmem>>
        %dma_wait3A_201 = arith.constant 0 : i32
        %dma_wait3A_202 = arith.constant 0 : i32
        %dma_wait3A_203 = tpu.memref_slice %arg8[%scan3A_52, %dma_wait3A_201, %dma_wait3A_202] : memref<2x1x80xi32, #tpu.memory_space<vmem>> -> memref<1x1x80xi32, #tpu.memory_space<vmem>>
        %dma_wait3A_204 = tpu.memref_squeeze %dma_wait3A_203 : memref<1x1x80xi32, #tpu.memory_space<vmem>> -> memref<1x80xi32, #tpu.memory_space<vmem>>
        %dma_wait3A_205 = arith.constant 0 : i32
        %dma_wait3A_206 = tpu.memref_slice %dma_wait3A_204[%run_scoped3A_140, %dma_wait3A_205] : memref<1x80xi32, #tpu.memory_space<vmem>> -> memref<1x80xi32, #tpu.memory_space<vmem>>
        %dma_wait3A_207 = tpu.memref_squeeze %dma_wait3A_206 : memref<1x80xi32, #tpu.memory_space<vmem>> -> memref<80xi32, #tpu.memory_space<vmem>>
        %dma_wait3A_208 = arith.constant 0 : i32
        %dma_wait3A_209 = arith.constant 0 : i32
        %dma_wait3A_210 = tpu.memref_slice %arg11[%dma_wait3A_208, %dma_wait3A_209] : memref<10000x128xf32, #tpu.memory_space<vmem_shared>> -> memref<10000x128xf32, #tpu.memory_space<vmem_shared>>
        tpu.wait_indirect_dma semaphore(%run_scoped3A_182 : memref<!tpu.dma_semaphore, #tpu.memory_space<semaphore_mem>>) src(%dma_wait3A_200 : memref<80x128xf32, #tpu.memory_space<vmem>>) dst(%dma_wait3A_210 : memref<10000x128xf32, #tpu.memory_space<vmem_shared>>)
        tpu.yield
      }) : () -> ()
      %add3A_141 = arith.constant 2 : i32
      %add3A_142 = arith.addi %mul3A_99, %add3A_141 : i32
      %mul3A_143 = arith.constant 125 : i32
      %mul3A_144 = arith.muli %add3A, %mul3A_143 : i32
      %add3A_145 = arith.addi %mul3A_144, %add3A_142 : i32
      "tpu.region"() ({
        %run_scoped3A_182 = tpu.sem_alloc : memref<!tpu.dma_semaphore, #tpu.memory_space<semaphore_mem>>
        %dma_start3A_183 = arith.constant 0 : i32
        %dma_start3A_184 = arith.constant 0 : i32
        %dma_start3A_185 = tpu.memref_slice %arg7[%scan3A_49, %dma_start3A_183, %dma_start3A_184] : memref<2x1x80xi32, #tpu.memory_space<vmem>> -> memref<1x1x80xi32, #tpu.memory_space<vmem>>
        %dma_start3A_186 = tpu.memref_squeeze %dma_start3A_185 : memref<1x1x80xi32, #tpu.memory_space<vmem>> -> memref<1x80xi32, #tpu.memory_space<vmem>>
        %dma_start3A_187 = arith.constant 0 : i32
        %dma_start3A_188 = arith.constant 0 : i32
        %dma_start3A_189 = tpu.memref_slice %arg3[%add3A_145, %dma_start3A_187, %dma_start3A_188] : memref<4000x1x80xi32, #tpu.memory_space<hbm>> -> memref<1x1x80xi32, #tpu.memory_space<hbm>>
        %dma_start3A_190 = tpu.memref_squeeze %dma_start3A_189 : memref<1x1x80xi32, #tpu.memory_space<hbm>> -> memref<1x80xi32, #tpu.memory_space<hbm>>
        %dma_start3A_191 = arith.constant 0 : i32
        %dma_start3A_192 = arith.constant 0 : i32
        %dma_start3A_193 = tpu.memref_slice %arg7[%scan3A_49, %dma_start3A_191, %dma_start3A_192] : memref<2x1x80xi32, #tpu.memory_space<vmem>> -> memref<1x1x80xi32, #tpu.memory_space<vmem>>
        %dma_start3A_194 = tpu.memref_squeeze %dma_start3A_193 : memref<1x1x80xi32, #tpu.memory_space<vmem>> -> memref<1x80xi32, #tpu.memory_space<vmem>>
        %dma_start3A_195 = arith.constant 0 : i32
        %dma_start3A_196 = arith.constant 0 : i32
        %dma_start3A_197 = tpu.memref_slice %arg3[%add3A_145, %dma_start3A_195, %dma_start3A_196] : memref<4000x1x80xi32, #tpu.memory_space<hbm>> -> memref<1x1x80xi32, #tpu.memory_space<hbm>>
        %dma_start3A_198 = tpu.memref_squeeze %dma_start3A_197 : memref<1x1x80xi32, #tpu.memory_space<hbm>> -> memref<1x80xi32, #tpu.memory_space<hbm>>
        tpu.enqueue_dma source(%dma_start3A_198 : memref<1x80xi32, #tpu.memory_space<hbm>>) target(%dma_start3A_194 : memref<1x80xi32, #tpu.memory_space<vmem>>) target_semaphore(%run_scoped3A_182 : memref<!tpu.dma_semaphore, #tpu.memory_space<semaphore_mem>>)
        %dma_wait3A_199 = arith.constant 0 : i32
        %dma_wait3A_200 = arith.constant 0 : i32
        %dma_wait3A_201 = tpu.memref_slice %arg7[%scan3A_49, %dma_wait3A_199, %dma_wait3A_200] : memref<2x1x80xi32, #tpu.memory_space<vmem>> -> memref<1x1x80xi32, #tpu.memory_space<vmem>>
        %dma_wait3A_202 = tpu.memref_squeeze %dma_wait3A_201 : memref<1x1x80xi32, #tpu.memory_space<vmem>> -> memref<1x80xi32, #tpu.memory_space<vmem>>
        %dma_wait3A_203 = arith.constant 0 : i32
        %dma_wait3A_204 = arith.constant 0 : i32
        %dma_wait3A_205 = tpu.memref_slice %arg3[%add3A_145, %dma_wait3A_203, %dma_wait3A_204] : memref<4000x1x80xi32, #tpu.memory_space<hbm>> -> memref<1x1x80xi32, #tpu.memory_space<hbm>>
        %dma_wait3A_206 = tpu.memref_squeeze %dma_wait3A_205 : memref<1x1x80xi32, #tpu.memory_space<hbm>> -> memref<1x80xi32, #tpu.memory_space<hbm>>
        %dma_wait3A_207 = arith.constant 0 : i32
        %dma_wait3A_208 = arith.constant 0 : i32
        %dma_wait3A_209 = tpu.memref_slice %arg7[%scan3A_49, %dma_wait3A_207, %dma_wait3A_208] : memref<2x1x80xi32, #tpu.memory_space<vmem>> -> memref<1x1x80xi32, #tpu.memory_space<vmem>>
        %dma_wait3A_210 = tpu.memref_squeeze %dma_wait3A_209 : memref<1x1x80xi32, #tpu.memory_space<vmem>> -> memref<1x80xi32, #tpu.memory_space<vmem>>
        %dma_wait3A_211 = arith.constant 0 : i32
        %dma_wait3A_212 = arith.constant 0 : i32
        %dma_wait3A_213 = tpu.memref_slice %arg3[%add3A_145, %dma_wait3A_211, %dma_wait3A_212] : memref<4000x1x80xi32, #tpu.memory_space<hbm>> -> memref<1x1x80xi32, #tpu.memory_space<hbm>>
        %dma_wait3A_214 = tpu.memref_squeeze %dma_wait3A_213 : memref<1x1x80xi32, #tpu.memory_space<hbm>> -> memref<1x80xi32, #tpu.memory_space<hbm>>
        tpu.wait_dma2 semaphore(%run_scoped3A_182 : memref<!tpu.dma_semaphore, #tpu.memory_space<semaphore_mem>>) src(%dma_wait3A_214 : memref<1x80xi32, #tpu.memory_space<hbm>>) dst(%dma_wait3A_210 : memref<1x80xi32, #tpu.memory_space<vmem>>)
        tpu.yield
      }) : () -> ()
      "tpu.region"() ({
        %run_scoped3A_182 = tpu.sem_alloc : memref<!tpu.dma_semaphore, #tpu.memory_space<semaphore_mem>>
        %dma_start3A_183 = arith.constant 0 : i32
        %dma_start3A_184 = arith.constant 0 : i32
        %dma_start3A_185 = tpu.memref_slice %arg8[%scan3A_52, %dma_start3A_183, %dma_start3A_184] : memref<2x1x80xi32, #tpu.memory_space<vmem>> -> memref<1x1x80xi32, #tpu.memory_space<vmem>>
        %dma_start3A_186 = tpu.memref_squeeze %dma_start3A_185 : memref<1x1x80xi32, #tpu.memory_space<vmem>> -> memref<1x80xi32, #tpu.memory_space<vmem>>
        %dma_start3A_187 = arith.constant 0 : i32
        %dma_start3A_188 = arith.constant 0 : i32
        %dma_start3A_189 = tpu.memref_slice %arg4[%add3A_145, %dma_start3A_187, %dma_start3A_188] : memref<4000x1x80xi32, #tpu.memory_space<hbm>> -> memref<1x1x80xi32, #tpu.memory_space<hbm>>
        %dma_start3A_190 = tpu.memref_squeeze %dma_start3A_189 : memref<1x1x80xi32, #tpu.memory_space<hbm>> -> memref<1x80xi32, #tpu.memory_space<hbm>>
        %dma_start3A_191 = arith.constant 0 : i32
        %dma_start3A_192 = arith.constant 0 : i32
        %dma_start3A_193 = tpu.memref_slice %arg8[%scan3A_52, %dma_start3A_191, %dma_start3A_192] : memref<2x1x80xi32, #tpu.memory_space<vmem>> -> memref<1x1x80xi32, #tpu.memory_space<vmem>>
        %dma_start3A_194 = tpu.memref_squeeze %dma_start3A_193 : memref<1x1x80xi32, #tpu.memory_space<vmem>> -> memref<1x80xi32, #tpu.memory_space<vmem>>
        %dma_start3A_195 = arith.constant 0 : i32
        %dma_start3A_196 = arith.constant 0 : i32
        %dma_start3A_197 = tpu.memref_slice %arg4[%add3A_145, %dma_start3A_195, %dma_start3A_196] : memref<4000x1x80xi32, #tpu.memory_space<hbm>> -> memref<1x1x80xi32, #tpu.memory_space<hbm>>
        %dma_start3A_198 = tpu.memref_squeeze %dma_start3A_197 : memref<1x1x80xi32, #tpu.memory_space<hbm>> -> memref<1x80xi32, #tpu.memory_space<hbm>>
        tpu.enqueue_dma source(%dma_start3A_198 : memref<1x80xi32, #tpu.memory_space<hbm>>) target(%dma_start3A_194 : memref<1x80xi32, #tpu.memory_space<vmem>>) target_semaphore(%run_scoped3A_182 : memref<!tpu.dma_semaphore, #tpu.memory_space<semaphore_mem>>)
        %dma_wait3A_199 = arith.constant 0 : i32
        %dma_wait3A_200 = arith.constant 0 : i32
        %dma_wait3A_201 = tpu.memref_slice %arg8[%scan3A_52, %dma_wait3A_199, %dma_wait3A_200] : memref<2x1x80xi32, #tpu.memory_space<vmem>> -> memref<1x1x80xi32, #tpu.memory_space<vmem>>
        %dma_wait3A_202 = tpu.memref_squeeze %dma_wait3A_201 : memref<1x1x80xi32, #tpu.memory_space<vmem>> -> memref<1x80xi32, #tpu.memory_space<vmem>>
        %dma_wait3A_203 = arith.constant 0 : i32
        %dma_wait3A_204 = arith.constant 0 : i32
        %dma_wait3A_205 = tpu.memref_slice %arg4[%add3A_145, %dma_wait3A_203, %dma_wait3A_204] : memref<4000x1x80xi32, #tpu.memory_space<hbm>> -> memref<1x1x80xi32, #tpu.memory_space<hbm>>
        %dma_wait3A_206 = tpu.memref_squeeze %dma_wait3A_205 : memref<1x1x80xi32, #tpu.memory_space<hbm>> -> memref<1x80xi32, #tpu.memory_space<hbm>>
        %dma_wait3A_207 = arith.constant 0 : i32
        %dma_wait3A_208 = arith.constant 0 : i32
        %dma_wait3A_209 = tpu.memref_slice %arg8[%scan3A_52, %dma_wait3A_207, %dma_wait3A_208] : memref<2x1x80xi32, #tpu.memory_space<vmem>> -> memref<1x1x80xi32, #tpu.memory_space<vmem>>
        %dma_wait3A_210 = tpu.memref_squeeze %dma_wait3A_209 : memref<1x1x80xi32, #tpu.memory_space<vmem>> -> memref<1x80xi32, #tpu.memory_space<vmem>>
        %dma_wait3A_211 = arith.constant 0 : i32
        %dma_wait3A_212 = arith.constant 0 : i32
        %dma_wait3A_213 = tpu.memref_slice %arg4[%add3A_145, %dma_wait3A_211, %dma_wait3A_212] : memref<4000x1x80xi32, #tpu.memory_space<hbm>> -> memref<1x1x80xi32, #tpu.memory_space<hbm>>
        %dma_wait3A_214 = tpu.memref_squeeze %dma_wait3A_213 : memref<1x1x80xi32, #tpu.memory_space<hbm>> -> memref<1x80xi32, #tpu.memory_space<hbm>>
        tpu.wait_dma2 semaphore(%run_scoped3A_182 : memref<!tpu.dma_semaphore, #tpu.memory_space<semaphore_mem>>) src(%dma_wait3A_214 : memref<1x80xi32, #tpu.memory_space<hbm>>) dst(%dma_wait3A_210 : memref<1x80xi32, #tpu.memory_space<vmem>>)
        tpu.yield
      }) : () -> ()
      "tpu.region"() ({
        %run_scoped3A_182 = tpu.sem_alloc : memref<!tpu.dma_semaphore, #tpu.memory_space<semaphore_mem>>
        %dma_start3A_183 = arith.constant 0 : i32
        %dma_start3A_184 = arith.constant 0 : i32
        %dma_start3A_185 = tpu.memref_slice %arg9[%scan3A_51, %dma_start3A_183, %dma_start3A_184] : memref<2x1x80xf32, #tpu.memory_space<vmem>> -> memref<1x1x80xf32, #tpu.memory_space<vmem>>
        %dma_start3A_186 = tpu.memref_squeeze %dma_start3A_185 : memref<1x1x80xf32, #tpu.memory_space<vmem>> -> memref<1x80xf32, #tpu.memory_space<vmem>>
        %dma_start3A_187 = arith.constant 0 : i32
        %dma_start3A_188 = arith.constant 0 : i32
        %dma_start3A_189 = tpu.memref_slice %arg5[%add3A_145, %dma_start3A_187, %dma_start3A_188] : memref<4000x1x80xf32, #tpu.memory_space<hbm>> -> memref<1x1x80xf32, #tpu.memory_space<hbm>>
        %dma_start3A_190 = tpu.memref_squeeze %dma_start3A_189 : memref<1x1x80xf32, #tpu.memory_space<hbm>> -> memref<1x80xf32, #tpu.memory_space<hbm>>
        %dma_start3A_191 = arith.constant 0 : i32
        %dma_start3A_192 = arith.constant 0 : i32
        %dma_start3A_193 = tpu.memref_slice %arg9[%scan3A_51, %dma_start3A_191, %dma_start3A_192] : memref<2x1x80xf32, #tpu.memory_space<vmem>> -> memref<1x1x80xf32, #tpu.memory_space<vmem>>
        %dma_start3A_194 = tpu.memref_squeeze %dma_start3A_193 : memref<1x1x80xf32, #tpu.memory_space<vmem>> -> memref<1x80xf32, #tpu.memory_space<vmem>>
        %dma_start3A_195 = arith.constant 0 : i32
        %dma_start3A_196 = arith.constant 0 : i32
        %dma_start3A_197 = tpu.memref_slice %arg5[%add3A_145, %dma_start3A_195, %dma_start3A_196] : memref<4000x1x80xf32, #tpu.memory_space<hbm>> -> memref<1x1x80xf32, #tpu.memory_space<hbm>>
        %dma_start3A_198 = tpu.memref_squeeze %dma_start3A_197 : memref<1x1x80xf32, #tpu.memory_space<hbm>> -> memref<1x80xf32, #tpu.memory_space<hbm>>
        tpu.enqueue_dma source(%dma_start3A_198 : memref<1x80xf32, #tpu.memory_space<hbm>>) target(%dma_start3A_194 : memref<1x80xf32, #tpu.memory_space<vmem>>) target_semaphore(%run_scoped3A_182 : memref<!tpu.dma_semaphore, #tpu.memory_space<semaphore_mem>>)
        %dma_wait3A_199 = arith.constant 0 : i32
        %dma_wait3A_200 = arith.constant 0 : i32
        %dma_wait3A_201 = tpu.memref_slice %arg9[%scan3A_51, %dma_wait3A_199, %dma_wait3A_200] : memref<2x1x80xf32, #tpu.memory_space<vmem>> -> memref<1x1x80xf32, #tpu.memory_space<vmem>>
        %dma_wait3A_202 = tpu.memref_squeeze %dma_wait3A_201 : memref<1x1x80xf32, #tpu.memory_space<vmem>> -> memref<1x80xf32, #tpu.memory_space<vmem>>
        %dma_wait3A_203 = arith.constant 0 : i32
        %dma_wait3A_204 = arith.constant 0 : i32
        %dma_wait3A_205 = tpu.memref_slice %arg5[%add3A_145, %dma_wait3A_203, %dma_wait3A_204] : memref<4000x1x80xf32, #tpu.memory_space<hbm>> -> memref<1x1x80xf32, #tpu.memory_space<hbm>>
        %dma_wait3A_206 = tpu.memref_squeeze %dma_wait3A_205 : memref<1x1x80xf32, #tpu.memory_space<hbm>> -> memref<1x80xf32, #tpu.memory_space<hbm>>
        %dma_wait3A_207 = arith.constant 0 : i32
        %dma_wait3A_208 = arith.constant 0 : i32
        %dma_wait3A_209 = tpu.memref_slice %arg9[%scan3A_51, %dma_wait3A_207, %dma_wait3A_208] : memref<2x1x80xf32, #tpu.memory_space<vmem>> -> memref<1x1x80xf32, #tpu.memory_space<vmem>>
        %dma_wait3A_210 = tpu.memref_squeeze %dma_wait3A_209 : memref<1x1x80xf32, #tpu.memory_space<vmem>> -> memref<1x80xf32, #tpu.memory_space<vmem>>
        %dma_wait3A_211 = arith.constant 0 : i32
        %dma_wait3A_212 = arith.constant 0 : i32
        %dma_wait3A_213 = tpu.memref_slice %arg5[%add3A_145, %dma_wait3A_211, %dma_wait3A_212] : memref<4000x1x80xf32, #tpu.memory_space<hbm>> -> memref<1x1x80xf32, #tpu.memory_space<hbm>>
        %dma_wait3A_214 = tpu.memref_squeeze %dma_wait3A_213 : memref<1x1x80xf32, #tpu.memory_space<hbm>> -> memref<1x80xf32, #tpu.memory_space<hbm>>
        tpu.wait_dma2 semaphore(%run_scoped3A_182 : memref<!tpu.dma_semaphore, #tpu.memory_space<semaphore_mem>>) src(%dma_wait3A_214 : memref<1x80xf32, #tpu.memory_space<hbm>>) dst(%dma_wait3A_210 : memref<1x80xf32, #tpu.memory_space<vmem>>)
        tpu.yield
      }) : () -> ()
      %dma_start3A_146 = arith.constant 0 : i32
      %dma_start3A_147 = arith.constant 0 : i32
      %dma_start3A_148 = arith.constant 0 : i32
      %dma_start3A_149 = tpu.memref_slice %arg10[%scan3A_50, %dma_start3A_147, %dma_start3A_148] : memref<2x80x128xf32, #tpu.memory_space<vmem>> -> memref<1x80x128xf32, #tpu.memory_space<vmem>>
      %dma_start3A_150 = tpu.memref_squeeze %dma_start3A_149 : memref<1x80x128xf32, #tpu.memory_space<vmem>> -> memref<80x128xf32, #tpu.memory_space<vmem>>
      %dma_start3A_151 = arith.constant 0 : i32
      %dma_start3A_152 = arith.constant 0 : i32
      %dma_start3A_153 = tpu.memref_slice %arg7[%scan3A_49, %dma_start3A_151, %dma_start3A_152] : memref<2x1x80xi32, #tpu.memory_space<vmem>> -> memref<1x1x80xi32, #tpu.memory_space<vmem>>
      %dma_start3A_154 = tpu.memref_squeeze %dma_start3A_153 : memref<1x1x80xi32, #tpu.memory_space<vmem>> -> memref<1x80xi32, #tpu.memory_space<vmem>>
      %dma_start3A_155 = arith.constant 0 : i32
      %dma_start3A_156 = tpu.memref_slice %dma_start3A_154[%dma_start3A_146, %dma_start3A_155] : memref<1x80xi32, #tpu.memory_space<vmem>> -> memref<1x80xi32, #tpu.memory_space<vmem>>
      %dma_start3A_157 = tpu.memref_squeeze %dma_start3A_156 : memref<1x80xi32, #tpu.memory_space<vmem>> -> memref<80xi32, #tpu.memory_space<vmem>>
      %dma_start3A_158 = arith.constant 0 : i32
      %dma_start3A_159 = arith.constant 0 : i32
      %dma_start3A_160 = tpu.memref_slice %arg2[%dma_start3A_158, %dma_start3A_159] : memref<10000x128xf32, #tpu.memory_space<hbm>> -> memref<10000x128xf32, #tpu.memory_space<hbm>>
      tpu.enqueue_indirect_dma source(%dma_start3A_160 : memref<10000x128xf32, #tpu.memory_space<hbm>>) target(%dma_start3A_150 : memref<80x128xf32, #tpu.memory_space<vmem>>) offsets(%dma_start3A_157 : memref<80xi32, #tpu.memory_space<vmem>>) semaphore(%arg12 : memref<!tpu.dma_semaphore, #tpu.memory_space<semaphore_mem>>)
      %dma_wait3A_161 = arith.constant 0 : i32
      %dma_wait3A_162 = arith.constant 0 : i32
      %dma_wait3A_163 = arith.constant 0 : i32
      %dma_wait3A_164 = tpu.memref_slice %arg10[%scan3A_48, %dma_wait3A_162, %dma_wait3A_163] : memref<2x80x128xf32, #tpu.memory_space<vmem>> -> memref<1x80x128xf32, #tpu.memory_space<vmem>>
      %dma_wait3A_165 = tpu.memref_squeeze %dma_wait3A_164 : memref<1x80x128xf32, #tpu.memory_space<vmem>> -> memref<80x128xf32, #tpu.memory_space<vmem>>
      %dma_wait3A_166 = arith.constant 0 : i32
      %dma_wait3A_167 = arith.constant 0 : i32
      %dma_wait3A_168 = tpu.memref_slice %arg7[%scan3A_45, %dma_wait3A_166, %dma_wait3A_167] : memref<2x1x80xi32, #tpu.memory_space<vmem>> -> memref<1x1x80xi32, #tpu.memory_space<vmem>>
      %dma_wait3A_169 = tpu.memref_squeeze %dma_wait3A_168 : memref<1x1x80xi32, #tpu.memory_space<vmem>> -> memref<1x80xi32, #tpu.memory_space<vmem>>
      %dma_wait3A_170 = arith.constant 0 : i32
      %dma_wait3A_171 = tpu.memref_slice %dma_wait3A_169[%dma_wait3A_161, %dma_wait3A_170] : memref<1x80xi32, #tpu.memory_space<vmem>> -> memref<1x80xi32, #tpu.memory_space<vmem>>
      %dma_wait3A_172 = tpu.memref_squeeze %dma_wait3A_171 : memref<1x80xi32, #tpu.memory_space<vmem>> -> memref<80xi32, #tpu.memory_space<vmem>>
      %dma_wait3A_173 = arith.constant 0 : i32
      %dma_wait3A_174 = arith.constant 0 : i32
      %dma_wait3A_175 = tpu.memref_slice %arg2[%dma_wait3A_173, %dma_wait3A_174] : memref<10000x128xf32, #tpu.memory_space<hbm>> -> memref<10000x128xf32, #tpu.memory_space<hbm>>
      tpu.wait_indirect_dma semaphore(%arg13 : memref<!tpu.dma_semaphore, #tpu.memory_space<semaphore_mem>>) src(%dma_wait3A_175 : memref<10000x128xf32, #tpu.memory_space<hbm>>) dst(%dma_wait3A_165 : memref<80x128xf32, #tpu.memory_space<vmem>>)
      %scan3A_176 = arith.constant 0 : i32
      %scan3A_177 = arith.constant 80 : i32
      %scan3A_178 = arith.addi %scan3A_176, %scan3A_177 : i32
      %scan3A_179 = arith.constant 1 : i32
      scf.for %scan3A_182 = %scan3A_176 to %scan3A_178 step %scan3A_179  : i32 {
        %mul3A_183 = arith.constant 1 : i32
        %mul3A_184 = arith.muli %scan3A_182, %mul3A_183 : i32
        %add3A_185 = arith.constant 0 : i32
        %add3A_186 = arith.addi %add3A_185, %mul3A_184 : i32
        %broadcast_in_dim3A_187 = vector.broadcast %add3A_186 : i32 to vector<16xi32>
        %gather3A = arith.constant 0 : i32
        %gather3A_188 = arith.constant 0 : i32
        %gather3A_189 = tpu.memref_slice %arg9[%scan3A_47, %gather3A, %gather3A_188] : memref<2x1x80xf32, #tpu.memory_space<vmem>> -> memref<1x1x80xf32, #tpu.memory_space<vmem>>
        %gather3A_190 = tpu.memref_squeeze %gather3A_189 : memref<1x1x80xf32, #tpu.memory_space<vmem>> -> memref<1x80xf32, #tpu.memory_space<vmem>>
        %gather3A_191 = tpu.vector_load_idx %gather3A_190[%broadcast_in_dim3A_21, %broadcast_in_dim3A_187] : memref<1x80xf32, #tpu.memory_space<vmem>>[vector<16xi32>, vector<16xi32>], vector<16xf32>,
        %get3A = arith.constant 0 : i32
        %get3A_192 = arith.constant 0 : i32
        %get3A_193 = tpu.memref_slice %arg10[%scan3A_48, %get3A, %get3A_192] : memref<2x80x128xf32, #tpu.memory_space<vmem>> -> memref<1x80x128xf32, #tpu.memory_space<vmem>>
        %get3A_194 = tpu.memref_squeeze %get3A_193 : memref<1x80x128xf32, #tpu.memory_space<vmem>> -> memref<80x128xf32, #tpu.memory_space<vmem>>
        %get3A_195 = arith.index_cast %add3A_186 : i32 to index
        %get3A_196 = arith.constant 0 : index
        %get3A_197 = tpu.vector_load %get3A_194[%get3A_195, %get3A_196] {strides = array<i32>} : memref<80x128xf32, #tpu.memory_space<vmem>>, vector<16xf32>,
        %mul3A_198 = arith.mulf %get3A_197, %gather3A_191 : vector<16xf32>
        %swap3A = arith.constant 0 : i32
        %swap3A_199 = arith.constant 0 : i32
        %swap3A_200 = tpu.memref_slice %arg10[%scan3A_48, %swap3A, %swap3A_199] : memref<2x80x128xf32, #tpu.memory_space<vmem>> -> memref<1x80x128xf32, #tpu.memory_space<vmem>>
        %swap3A_201 = tpu.memref_squeeze %swap3A_200 : memref<1x80x128xf32, #tpu.memory_space<vmem>> -> memref<80x128xf32, #tpu.memory_space<vmem>>
        %swap3A_202 = arith.index_cast %add3A_186 : i32 to index
        %swap3A_203 = arith.constant 0 : index
        %swap3A_204 = tpu.vector_load %swap3A_201[%swap3A_202, %swap3A_203] {strides = array<i32>} : memref<80x128xf32, #tpu.memory_space<vmem>>, vector<16xf32>,
        tpu.vector_store %swap3A_201[%swap3A_202, %swap3A_203], %mul3A_198 {strides = array<i32>} : memref<80x128xf32, #tpu.memory_space<vmem>>, vector<16xf32>,
        %get3A_205 = arith.constant 0 : i32
        %get3A_206 = arith.constant 0 : i32
        %get3A_207 = tpu.memref_slice %arg10[%scan3A_48, %get3A_205, %get3A_206] : memref<2x80x128xf32, #tpu.memory_space<vmem>> -> memref<1x80x128xf32, #tpu.memory_space<vmem>>
        %get3A_208 = tpu.memref_squeeze %get3A_207 : memref<1x80x128xf32, #tpu.memory_space<vmem>> -> memref<80x128xf32, #tpu.memory_space<vmem>>
        %get3A_209 = arith.index_cast %add3A_186 : i32 to index
        %get3A_210 = arith.constant 16 : index
        %get3A_211 = tpu.vector_load %get3A_208[%get3A_209, %get3A_210] {strides = array<i32>} : memref<80x128xf32, #tpu.memory_space<vmem>>, vector<16xf32>,
        %mul3A_212 = arith.mulf %get3A_211, %gather3A_191 : vector<16xf32>
        %swap3A_213 = arith.constant 0 : i32
        %swap3A_214 = arith.constant 0 : i32
        %swap3A_215 = tpu.memref_slice %arg10[%scan3A_48, %swap3A_213, %swap3A_214] : memref<2x80x128xf32, #tpu.memory_space<vmem>> -> memref<1x80x128xf32, #tpu.memory_space<vmem>>
        %swap3A_216 = tpu.memref_squeeze %swap3A_215 : memref<1x80x128xf32, #tpu.memory_space<vmem>> -> memref<80x128xf32, #tpu.memory_space<vmem>>
        %swap3A_217 = arith.index_cast %add3A_186 : i32 to index
        %swap3A_218 = arith.constant 16 : index
        %swap3A_219 = tpu.vector_load %swap3A_216[%swap3A_217, %swap3A_218] {strides = array<i32>} : memref<80x128xf32, #tpu.memory_space<vmem>>, vector<16xf32>,
        tpu.vector_store %swap3A_216[%swap3A_217, %swap3A_218], %mul3A_212 {strides = array<i32>} : memref<80x128xf32, #tpu.memory_space<vmem>>, vector<16xf32>,
        %get3A_220 = arith.constant 0 : i32
        %get3A_221 = arith.constant 0 : i32
        %get3A_222 = tpu.memref_slice %arg10[%scan3A_48, %get3A_220, %get3A_221] : memref<2x80x128xf32, #tpu.memory_space<vmem>> -> memref<1x80x128xf32, #tpu.memory_space<vmem>>
        %get3A_223 = tpu.memref_squeeze %get3A_222 : memref<1x80x128xf32, #tpu.memory_space<vmem>> -> memref<80x128xf32, #tpu.memory_space<vmem>>
        %get3A_224 = arith.index_cast %add3A_186 : i32 to index
        %get3A_225 = arith.constant 32 : index
        %get3A_226 = tpu.vector_load %get3A_223[%get3A_224, %get3A_225] {strides = array<i32>} : memref<80x128xf32, #tpu.memory_space<vmem>>, vector<16xf32>,
        %mul3A_227 = arith.mulf %get3A_226, %gather3A_191 : vector<16xf32>
        %swap3A_228 = arith.constant 0 : i32
        %swap3A_229 = arith.constant 0 : i32
        %swap3A_230 = tpu.memref_slice %arg10[%scan3A_48, %swap3A_228, %swap3A_229] : memref<2x80x128xf32, #tpu.memory_space<vmem>> -> memref<1x80x128xf32, #tpu.memory_space<vmem>>
        %swap3A_231 = tpu.memref_squeeze %swap3A_230 : memref<1x80x128xf32, #tpu.memory_space<vmem>> -> memref<80x128xf32, #tpu.memory_space<vmem>>
        %swap3A_232 = arith.index_cast %add3A_186 : i32 to index
        %swap3A_233 = arith.constant 32 : index
        %swap3A_234 = tpu.vector_load %swap3A_231[%swap3A_232, %swap3A_233] {strides = array<i32>} : memref<80x128xf32, #tpu.memory_space<vmem>>, vector<16xf32>,
        tpu.vector_store %swap3A_231[%swap3A_232, %swap3A_233], %mul3A_227 {strides = array<i32>} : memref<80x128xf32, #tpu.memory_space<vmem>>, vector<16xf32>,
        %get3A_235 = arith.constant 0 : i32
        %get3A_236 = arith.constant 0 : i32
        %get3A_237 = tpu.memref_slice %arg10[%scan3A_48, %get3A_235, %get3A_236] : memref<2x80x128xf32, #tpu.memory_space<vmem>> -> memref<1x80x128xf32, #tpu.memory_space<vmem>>
        %get3A_238 = tpu.memref_squeeze %get3A_237 : memref<1x80x128xf32, #tpu.memory_space<vmem>> -> memref<80x128xf32, #tpu.memory_space<vmem>>
        %get3A_239 = arith.index_cast %add3A_186 : i32 to index
        %get3A_240 = arith.constant 48 : index
        %get3A_241 = tpu.vector_load %get3A_238[%get3A_239, %get3A_240] {strides = array<i32>} : memref<80x128xf32, #tpu.memory_space<vmem>>, vector<16xf32>,
        %mul3A_242 = arith.mulf %get3A_241, %gather3A_191 : vector<16xf32>
        %swap3A_243 = arith.constant 0 : i32
        %swap3A_244 = arith.constant 0 : i32
        %swap3A_245 = tpu.memref_slice %arg10[%scan3A_48, %swap3A_243, %swap3A_244] : memref<2x80x128xf32, #tpu.memory_space<vmem>> -> memref<1x80x128xf32, #tpu.memory_space<vmem>>
        %swap3A_246 = tpu.memref_squeeze %swap3A_245 : memref<1x80x128xf32, #tpu.memory_space<vmem>> -> memref<80x128xf32, #tpu.memory_space<vmem>>
        %swap3A_247 = arith.index_cast %add3A_186 : i32 to index
        %swap3A_248 = arith.constant 48 : index
        %swap3A_249 = tpu.vector_load %swap3A_246[%swap3A_247, %swap3A_248] {strides = array<i32>} : memref<80x128xf32, #tpu.memory_space<vmem>>, vector<16xf32>,
        tpu.vector_store %swap3A_246[%swap3A_247, %swap3A_248], %mul3A_242 {strides = array<i32>} : memref<80x128xf32, #tpu.memory_space<vmem>>, vector<16xf32>,
        %get3A_250 = arith.constant 0 : i32
        %get3A_251 = arith.constant 0 : i32
        %get3A_252 = tpu.memref_slice %arg10[%scan3A_48, %get3A_250, %get3A_251] : memref<2x80x128xf32, #tpu.memory_space<vmem>> -> memref<1x80x128xf32, #tpu.memory_space<vmem>>
        %get3A_253 = tpu.memref_squeeze %get3A_252 : memref<1x80x128xf32, #tpu.memory_space<vmem>> -> memref<80x128xf32, #tpu.memory_space<vmem>>
        %get3A_254 = arith.index_cast %add3A_186 : i32 to index
        %get3A_255 = arith.constant 64 : index
        %get3A_256 = tpu.vector_load %get3A_253[%get3A_254, %get3A_255] {strides = array<i32>} : memref<80x128xf32, #tpu.memory_space<vmem>>, vector<16xf32>,
        %mul3A_257 = arith.mulf %get3A_256, %gather3A_191 : vector<16xf32>
        %swap3A_258 = arith.constant 0 : i32
        %swap3A_259 = arith.constant 0 : i32
        %swap3A_260 = tpu.memref_slice %arg10[%scan3A_48, %swap3A_258, %swap3A_259] : memref<2x80x128xf32, #tpu.memory_space<vmem>> -> memref<1x80x128xf32, #tpu.memory_space<vmem>>
        %swap3A_261 = tpu.memref_squeeze %swap3A_260 : memref<1x80x128xf32, #tpu.memory_space<vmem>> -> memref<80x128xf32, #tpu.memory_space<vmem>>
        %swap3A_262 = arith.index_cast %add3A_186 : i32 to index
        %swap3A_263 = arith.constant 64 : index
        %swap3A_264 = tpu.vector_load %swap3A_261[%swap3A_262, %swap3A_263] {strides = array<i32>} : memref<80x128xf32, #tpu.memory_space<vmem>>, vector<16xf32>,
        tpu.vector_store %swap3A_261[%swap3A_262, %swap3A_263], %mul3A_257 {strides = array<i32>} : memref<80x128xf32, #tpu.memory_space<vmem>>, vector<16xf32>,
        %get3A_265 = arith.constant 0 : i32
        %get3A_266 = arith.constant 0 : i32
        %get3A_267 = tpu.memref_slice %arg10[%scan3A_48, %get3A_265, %get3A_266] : memref<2x80x128xf32, #tpu.memory_space<vmem>> -> memref<1x80x128xf32, #tpu.memory_space<vmem>>
        %get3A_268 = tpu.memref_squeeze %get3A_267 : memref<1x80x128xf32, #tpu.memory_space<vmem>> -> memref<80x128xf32, #tpu.memory_space<vmem>>
        %get3A_269 = arith.index_cast %add3A_186 : i32 to index
        %get3A_270 = arith.constant 80 : index
        %get3A_271 = tpu.vector_load %get3A_268[%get3A_269, %get3A_270] {strides = array<i32>} : memref<80x128xf32, #tpu.memory_space<vmem>>, vector<16xf32>,
        %mul3A_272 = arith.mulf %get3A_271, %gather3A_191 : vector<16xf32>
        %swap3A_273 = arith.constant 0 : i32
        %swap3A_274 = arith.constant 0 : i32
        %swap3A_275 = tpu.memref_slice %arg10[%scan3A_48, %swap3A_273, %swap3A_274] : memref<2x80x128xf32, #tpu.memory_space<vmem>> -> memref<1x80x128xf32, #tpu.memory_space<vmem>>
        %swap3A_276 = tpu.memref_squeeze %swap3A_275 : memref<1x80x128xf32, #tpu.memory_space<vmem>> -> memref<80x128xf32, #tpu.memory_space<vmem>>
        %swap3A_277 = arith.index_cast %add3A_186 : i32 to index
        %swap3A_278 = arith.constant 80 : index
        %swap3A_279 = tpu.vector_load %swap3A_276[%swap3A_277, %swap3A_278] {strides = array<i32>} : memref<80x128xf32, #tpu.memory_space<vmem>>, vector<16xf32>,
        tpu.vector_store %swap3A_276[%swap3A_277, %swap3A_278], %mul3A_272 {strides = array<i32>} : memref<80x128xf32, #tpu.memory_space<vmem>>, vector<16xf32>,
        %get3A_280 = arith.constant 0 : i32
        %get3A_281 = arith.constant 0 : i32
        %get3A_282 = tpu.memref_slice %arg10[%scan3A_48, %get3A_280, %get3A_281] : memref<2x80x128xf32, #tpu.memory_space<vmem>> -> memref<1x80x128xf32, #tpu.memory_space<vmem>>
        %get3A_283 = tpu.memref_squeeze %get3A_282 : memref<1x80x128xf32, #tpu.memory_space<vmem>> -> memref<80x128xf32, #tpu.memory_space<vmem>>
        %get3A_284 = arith.index_cast %add3A_186 : i32 to index
        %get3A_285 = arith.constant 96 : index
        %get3A_286 = tpu.vector_load %get3A_283[%get3A_284, %get3A_285] {strides = array<i32>} : memref<80x128xf32, #tpu.memory_space<vmem>>, vector<16xf32>,
        %mul3A_287 = arith.mulf %get3A_286, %gather3A_191 : vector<16xf32>
        %swap3A_288 = arith.constant 0 : i32
        %swap3A_289 = arith.constant 0 : i32
        %swap3A_290 = tpu.memref_slice %arg10[%scan3A_48, %swap3A_288, %swap3A_289] : memref<2x80x128xf32, #tpu.memory_space<vmem>> -> memref<1x80x128xf32, #tpu.memory_space<vmem>>
        %swap3A_291 = tpu.memref_squeeze %swap3A_290 : memref<1x80x128xf32, #tpu.memory_space<vmem>> -> memref<80x128xf32, #tpu.memory_space<vmem>>
        %swap3A_292 = arith.index_cast %add3A_186 : i32 to index
        %swap3A_293 = arith.constant 96 : index
        %swap3A_294 = tpu.vector_load %swap3A_291[%swap3A_292, %swap3A_293] {strides = array<i32>} : memref<80x128xf32, #tpu.memory_space<vmem>>, vector<16xf32>,
        tpu.vector_store %swap3A_291[%swap3A_292, %swap3A_293], %mul3A_287 {strides = array<i32>} : memref<80x128xf32, #tpu.memory_space<vmem>>, vector<16xf32>,
        %get3A_295 = arith.constant 0 : i32
        %get3A_296 = arith.constant 0 : i32
        %get3A_297 = tpu.memref_slice %arg10[%scan3A_48, %get3A_295, %get3A_296] : memref<2x80x128xf32, #tpu.memory_space<vmem>> -> memref<1x80x128xf32, #tpu.memory_space<vmem>>
        %get3A_298 = tpu.memref_squeeze %get3A_297 : memref<1x80x128xf32, #tpu.memory_space<vmem>> -> memref<80x128xf32, #tpu.memory_space<vmem>>
        %get3A_299 = arith.index_cast %add3A_186 : i32 to index
        %get3A_300 = arith.constant 112 : index
        %get3A_301 = tpu.vector_load %get3A_298[%get3A_299, %get3A_300] {strides = array<i32>} : memref<80x128xf32, #tpu.memory_space<vmem>>, vector<16xf32>,
        %mul3A_302 = arith.mulf %get3A_301, %gather3A_191 : vector<16xf32>
        %swap3A_303 = arith.constant 0 : i32
        %swap3A_304 = arith.constant 0 : i32
        %swap3A_305 = tpu.memref_slice %arg10[%scan3A_48, %swap3A_303, %swap3A_304] : memref<2x80x128xf32, #tpu.memory_space<vmem>> -> memref<1x80x128xf32, #tpu.memory_space<vmem>>
        %swap3A_306 = tpu.memref_squeeze %swap3A_305 : memref<1x80x128xf32, #tpu.memory_space<vmem>> -> memref<80x128xf32, #tpu.memory_space<vmem>>
        %swap3A_307 = arith.index_cast %add3A_186 : i32 to index
        %swap3A_308 = arith.constant 112 : index
        %swap3A_309 = tpu.vector_load %swap3A_306[%swap3A_307, %swap3A_308] {strides = array<i32>} : memref<80x128xf32, #tpu.memory_space<vmem>>, vector<16xf32>,
        tpu.vector_store %swap3A_306[%swap3A_307, %swap3A_308], %mul3A_302 {strides = array<i32>} : memref<80x128xf32, #tpu.memory_space<vmem>>, vector<16xf32>,
      }
      %scan3A_180 = arith.constant 80 : i32
      %run_scoped3A_181 = arith.constant 0 : i32
      "tpu.region"() ({
        %run_scoped3A_182 = tpu.sem_alloc : memref<!tpu.dma_semaphore, #tpu.memory_space<semaphore_mem>>
        %dma_start3A_183 = arith.constant 0 : i32
        %dma_start3A_184 = arith.constant 0 : i32
        %dma_start3A_185 = tpu.memref_slice %arg10[%scan3A_48, %dma_start3A_183, %dma_start3A_184] : memref<2x80x128xf32, #tpu.memory_space<vmem>> -> memref<1x80x128xf32, #tpu.memory_space<vmem>>
        %dma_start3A_186 = tpu.memref_squeeze %dma_start3A_185 : memref<1x80x128xf32, #tpu.memory_space<vmem>> -> memref<80x128xf32, #tpu.memory_space<vmem>>
        %dma_start3A_187 = arith.constant 0 : i32
        %dma_start3A_188 = arith.constant 0 : i32
        %dma_start3A_189 = tpu.memref_slice %arg8[%scan3A_46, %dma_start3A_187, %dma_start3A_188] : memref<2x1x80xi32, #tpu.memory_space<vmem>> -> memref<1x1x80xi32, #tpu.memory_space<vmem>>
        %dma_start3A_190 = tpu.memref_squeeze %dma_start3A_189 : memref<1x1x80xi32, #tpu.memory_space<vmem>> -> memref<1x80xi32, #tpu.memory_space<vmem>>
        %dma_start3A_191 = arith.constant 0 : i32
        %dma_start3A_192 = tpu.memref_slice %dma_start3A_190[%run_scoped3A_181, %dma_start3A_191] : memref<1x80xi32, #tpu.memory_space<vmem>> -> memref<1x80xi32, #tpu.memory_space<vmem>>
        %dma_start3A_193 = tpu.memref_squeeze %dma_start3A_192 : memref<1x80xi32, #tpu.memory_space<vmem>> -> memref<80xi32, #tpu.memory_space<vmem>>
        %dma_start3A_194 = arith.constant 0 : i32
        %dma_start3A_195 = arith.constant 0 : i32
        %dma_start3A_196 = tpu.memref_slice %arg11[%dma_start3A_194, %dma_start3A_195] : memref<10000x128xf32, #tpu.memory_space<vmem_shared>> -> memref<10000x128xf32, #tpu.memory_space<vmem_shared>>
        tpu.enqueue_indirect_dma source(%dma_start3A_186 : memref<80x128xf32, #tpu.memory_space<vmem>>) target(%dma_start3A_196 : memref<10000x128xf32, #tpu.memory_space<vmem_shared>>) offsets(%dma_start3A_193 : memref<80xi32, #tpu.memory_space<vmem>>) semaphore(%run_scoped3A_182 : memref<!tpu.dma_semaphore, #tpu.memory_space<semaphore_mem>>) {add = true}
        %dma_wait3A_197 = arith.constant 0 : i32
        %dma_wait3A_198 = arith.constant 0 : i32
        %dma_wait3A_199 = tpu.memref_slice %arg10[%scan3A_48, %dma_wait3A_197, %dma_wait3A_198] : memref<2x80x128xf32, #tpu.memory_space<vmem>> -> memref<1x80x128xf32, #tpu.memory_space<vmem>>
        %dma_wait3A_200 = tpu.memref_squeeze %dma_wait3A_199 : memref<1x80x128xf32, #tpu.memory_space<vmem>> -> memref<80x128xf32, #tpu.memory_space<vmem>>
        %dma_wait3A_201 = arith.constant 0 : i32
        %dma_wait3A_202 = arith.constant 0 : i32
        %dma_wait3A_203 = tpu.memref_slice %arg8[%scan3A_46, %dma_wait3A_201, %dma_wait3A_202] : memref<2x1x80xi32, #tpu.memory_space<vmem>> -> memref<1x1x80xi32, #tpu.memory_space<vmem>>
        %dma_wait3A_204 = tpu.memref_squeeze %dma_wait3A_203 : memref<1x1x80xi32, #tpu.memory_space<vmem>> -> memref<1x80xi32, #tpu.memory_space<vmem>>
        %dma_wait3A_205 = arith.constant 0 : i32
        %dma_wait3A_206 = tpu.memref_slice %dma_wait3A_204[%run_scoped3A_181, %dma_wait3A_205] : memref<1x80xi32, #tpu.memory_space<vmem>> -> memref<1x80xi32, #tpu.memory_space<vmem>>
        %dma_wait3A_207 = tpu.memref_squeeze %dma_wait3A_206 : memref<1x80xi32, #tpu.memory_space<vmem>> -> memref<80xi32, #tpu.memory_space<vmem>>
        %dma_wait3A_208 = arith.constant 0 : i32
        %dma_wait3A_209 = arith.constant 0 : i32
        %dma_wait3A_210 = tpu.memref_slice %arg11[%dma_wait3A_208, %dma_wait3A_209] : memref<10000x128xf32, #tpu.memory_space<vmem_shared>> -> memref<10000x128xf32, #tpu.memory_space<vmem_shared>>
        tpu.wait_indirect_dma semaphore(%run_scoped3A_182 : memref<!tpu.dma_semaphore, #tpu.memory_space<semaphore_mem>>) src(%dma_wait3A_200 : memref<80x128xf32, #tpu.memory_space<vmem>>) dst(%dma_wait3A_210 : memref<10000x128xf32, #tpu.memory_space<vmem_shared>>)
        tpu.yield
      }) : () -> ()
    }
    %scan3A_57 = arith.constant 62 : i32
    %dma_wait3A = arith.constant 0 : i32
    %dma_wait3A_58 = arith.constant 0 : i32
    %dma_wait3A_59 = arith.constant 0 : i32
    %dma_wait3A_60 = arith.constant 0 : i32
    %dma_wait3A_61 = arith.constant 0 : i32
    %dma_wait3A_62 = tpu.memref_slice %arg10[%dma_wait3A_59, %dma_wait3A_60, %dma_wait3A_61] : memref<2x80x128xf32, #tpu.memory_space<vmem>> -> memref<1x80x128xf32, #tpu.memory_space<vmem>>
    %dma_wait3A_63 = tpu.memref_squeeze %dma_wait3A_62 : memref<1x80x128xf32, #tpu.memory_space<vmem>> -> memref<80x128xf32, #tpu.memory_space<vmem>>
    %dma_wait3A_64 = arith.constant 0 : i32
    %dma_wait3A_65 = arith.constant 0 : i32
    %dma_wait3A_66 = tpu.memref_slice %arg7[%dma_wait3A, %dma_wait3A_64, %dma_wait3A_65] : memref<2x1x80xi32, #tpu.memory_space<vmem>> -> memref<1x1x80xi32, #tpu.memory_space<vmem>>
    %dma_wait3A_67 = tpu.memref_squeeze %dma_wait3A_66 : memref<1x1x80xi32, #tpu.memory_space<vmem>> -> memref<1x80xi32, #tpu.memory_space<vmem>>
    %dma_wait3A_68 = arith.constant 0 : i32
    %dma_wait3A_69 = tpu.memref_slice %dma_wait3A_67[%dma_wait3A_58, %dma_wait3A_68] : memref<1x80xi32, #tpu.memory_space<vmem>> -> memref<1x80xi32, #tpu.memory_space<vmem>>
    %dma_wait3A_70 = tpu.memref_squeeze %dma_wait3A_69 : memref<1x80xi32, #tpu.memory_space<vmem>> -> memref<80xi32, #tpu.memory_space<vmem>>
    %dma_wait3A_71 = arith.constant 0 : i32
    %dma_wait3A_72 = arith.constant 0 : i32
    %dma_wait3A_73 = tpu.memref_slice %arg2[%dma_wait3A_71, %dma_wait3A_72] : memref<10000x128xf32, #tpu.memory_space<hbm>> -> memref<10000x128xf32, #tpu.memory_space<hbm>>
    tpu.wait_indirect_dma semaphore(%arg12 : memref<!tpu.dma_semaphore, #tpu.memory_space<semaphore_mem>>) src(%dma_wait3A_73 : memref<10000x128xf32, #tpu.memory_space<hbm>>) dst(%dma_wait3A_63 : memref<80x128xf32, #tpu.memory_space<vmem>>)
    %scan3A_74 = arith.constant 0 : i32
    %scan3A_75 = arith.constant 0 : i32
    %scan3A_76 = arith.constant 0 : i32
    %scan3A_77 = arith.constant 80 : i32
    %scan3A_78 = arith.addi %scan3A_76, %scan3A_77 : i32
    %scan3A_79 = arith.constant 1 : i32
    scf.for %scan3A_93 = %scan3A_76 to %scan3A_78 step %scan3A_79  : i32 {
      %mul3A_94 = arith.constant 1 : i32
      %mul3A_95 = arith.muli %scan3A_93, %mul3A_94 : i32
      %add3A_96 = arith.constant 0 : i32
      %add3A_97 = arith.addi %add3A_96, %mul3A_95 : i32
      %broadcast_in_dim3A_98 = vector.broadcast %add3A_97 : i32 to vector<16xi32>
      %gather3A = arith.constant 0 : i32
      %gather3A_99 = arith.constant 0 : i32
      %gather3A_100 = tpu.memref_slice %arg9[%scan3A_74, %gather3A, %gather3A_99] : memref<2x1x80xf32, #tpu.memory_space<vmem>> -> memref<1x1x80xf32, #tpu.memory_space<vmem>>
      %gather3A_101 = tpu.memref_squeeze %gather3A_100 : memref<1x1x80xf32, #tpu.memory_space<vmem>> -> memref<1x80xf32, #tpu.memory_space<vmem>>
      %gather3A_102 = tpu.vector_load_idx %gather3A_101[%broadcast_in_dim3A_21, %broadcast_in_dim3A_98] : memref<1x80xf32, #tpu.memory_space<vmem>>[vector<16xi32>, vector<16xi32>], vector<16xf32>,
      %get3A = arith.constant 0 : i32
      %get3A_103 = arith.constant 0 : i32
      %get3A_104 = tpu.memref_slice %arg10[%scan3A_75, %get3A, %get3A_103] : memref<2x80x128xf32, #tpu.memory_space<vmem>> -> memref<1x80x128xf32, #tpu.memory_space<vmem>>
      %get3A_105 = tpu.memref_squeeze %get3A_104 : memref<1x80x128xf32, #tpu.memory_space<vmem>> -> memref<80x128xf32, #tpu.memory_space<vmem>>
      %get3A_106 = arith.index_cast %add3A_97 : i32 to index
      %get3A_107 = arith.constant 0 : index
      %get3A_108 = tpu.vector_load %get3A_105[%get3A_106, %get3A_107] {strides = array<i32>} : memref<80x128xf32, #tpu.memory_space<vmem>>, vector<16xf32>,
      %mul3A_109 = arith.mulf %get3A_108, %gather3A_102 : vector<16xf32>
      %swap3A = arith.constant 0 : i32
      %swap3A_110 = arith.constant 0 : i32
      %swap3A_111 = tpu.memref_slice %arg10[%scan3A_75, %swap3A, %swap3A_110] : memref<2x80x128xf32, #tpu.memory_space<vmem>> -> memref<1x80x128xf32, #tpu.memory_space<vmem>>
      %swap3A_112 = tpu.memref_squeeze %swap3A_111 : memref<1x80x128xf32, #tpu.memory_space<vmem>> -> memref<80x128xf32, #tpu.memory_space<vmem>>
      %swap3A_113 = arith.index_cast %add3A_97 : i32 to index
      %swap3A_114 = arith.constant 0 : index
      %swap3A_115 = tpu.vector_load %swap3A_112[%swap3A_113, %swap3A_114] {strides = array<i32>} : memref<80x128xf32, #tpu.memory_space<vmem>>, vector<16xf32>,
      tpu.vector_store %swap3A_112[%swap3A_113, %swap3A_114], %mul3A_109 {strides = array<i32>} : memref<80x128xf32, #tpu.memory_space<vmem>>, vector<16xf32>,
      %get3A_116 = arith.constant 0 : i32
      %get3A_117 = arith.constant 0 : i32
      %get3A_118 = tpu.memref_slice %arg10[%scan3A_75, %get3A_116, %get3A_117] : memref<2x80x128xf32, #tpu.memory_space<vmem>> -> memref<1x80x128xf32, #tpu.memory_space<vmem>>
      %get3A_119 = tpu.memref_squeeze %get3A_118 : memref<1x80x128xf32, #tpu.memory_space<vmem>> -> memref<80x128xf32, #tpu.memory_space<vmem>>
      %get3A_120 = arith.index_cast %add3A_97 : i32 to index
      %get3A_121 = arith.constant 16 : index
      %get3A_122 = tpu.vector_load %get3A_119[%get3A_120, %get3A_121] {strides = array<i32>} : memref<80x128xf32, #tpu.memory_space<vmem>>, vector<16xf32>,
      %mul3A_123 = arith.mulf %get3A_122, %gather3A_102 : vector<16xf32>
      %swap3A_124 = arith.constant 0 : i32
      %swap3A_125 = arith.constant 0 : i32
      %swap3A_126 = tpu.memref_slice %arg10[%scan3A_75, %swap3A_124, %swap3A_125] : memref<2x80x128xf32, #tpu.memory_space<vmem>> -> memref<1x80x128xf32, #tpu.memory_space<vmem>>
      %swap3A_127 = tpu.memref_squeeze %swap3A_126 : memref<1x80x128xf32, #tpu.memory_space<vmem>> -> memref<80x128xf32, #tpu.memory_space<vmem>>
      %swap3A_128 = arith.index_cast %add3A_97 : i32 to index
      %swap3A_129 = arith.constant 16 : index
      %swap3A_130 = tpu.vector_load %swap3A_127[%swap3A_128, %swap3A_129] {strides = array<i32>} : memref<80x128xf32, #tpu.memory_space<vmem>>, vector<16xf32>,
      tpu.vector_store %swap3A_127[%swap3A_128, %swap3A_129], %mul3A_123 {strides = array<i32>} : memref<80x128xf32, #tpu.memory_space<vmem>>, vector<16xf32>,
      %get3A_131 = arith.constant 0 : i32
      %get3A_132 = arith.constant 0 : i32
      %get3A_133 = tpu.memref_slice %arg10[%scan3A_75, %get3A_131, %get3A_132] : memref<2x80x128xf32, #tpu.memory_space<vmem>> -> memref<1x80x128xf32, #tpu.memory_space<vmem>>
      %get3A_134 = tpu.memref_squeeze %get3A_133 : memref<1x80x128xf32, #tpu.memory_space<vmem>> -> memref<80x128xf32, #tpu.memory_space<vmem>>
      %get3A_135 = arith.index_cast %add3A_97 : i32 to index
      %get3A_136 = arith.constant 32 : index
      %get3A_137 = tpu.vector_load %get3A_134[%get3A_135, %get3A_136] {strides = array<i32>} : memref<80x128xf32, #tpu.memory_space<vmem>>, vector<16xf32>,
      %mul3A_138 = arith.mulf %get3A_137, %gather3A_102 : vector<16xf32>
      %swap3A_139 = arith.constant 0 : i32
      %swap3A_140 = arith.constant 0 : i32
      %swap3A_141 = tpu.memref_slice %arg10[%scan3A_75, %swap3A_139, %swap3A_140] : memref<2x80x128xf32, #tpu.memory_space<vmem>> -> memref<1x80x128xf32, #tpu.memory_space<vmem>>
      %swap3A_142 = tpu.memref_squeeze %swap3A_141 : memref<1x80x128xf32, #tpu.memory_space<vmem>> -> memref<80x128xf32, #tpu.memory_space<vmem>>
      %swap3A_143 = arith.index_cast %add3A_97 : i32 to index
      %swap3A_144 = arith.constant 32 : index
      %swap3A_145 = tpu.vector_load %swap3A_142[%swap3A_143, %swap3A_144] {strides = array<i32>} : memref<80x128xf32, #tpu.memory_space<vmem>>, vector<16xf32>,
      tpu.vector_store %swap3A_142[%swap3A_143, %swap3A_144], %mul3A_138 {strides = array<i32>} : memref<80x128xf32, #tpu.memory_space<vmem>>, vector<16xf32>,
      %get3A_146 = arith.constant 0 : i32
      %get3A_147 = arith.constant 0 : i32
      %get3A_148 = tpu.memref_slice %arg10[%scan3A_75, %get3A_146, %get3A_147] : memref<2x80x128xf32, #tpu.memory_space<vmem>> -> memref<1x80x128xf32, #tpu.memory_space<vmem>>
      %get3A_149 = tpu.memref_squeeze %get3A_148 : memref<1x80x128xf32, #tpu.memory_space<vmem>> -> memref<80x128xf32, #tpu.memory_space<vmem>>
      %get3A_150 = arith.index_cast %add3A_97 : i32 to index
      %get3A_151 = arith.constant 48 : index
      %get3A_152 = tpu.vector_load %get3A_149[%get3A_150, %get3A_151] {strides = array<i32>} : memref<80x128xf32, #tpu.memory_space<vmem>>, vector<16xf32>,
      %mul3A_153 = arith.mulf %get3A_152, %gather3A_102 : vector<16xf32>
      %swap3A_154 = arith.constant 0 : i32
      %swap3A_155 = arith.constant 0 : i32
      %swap3A_156 = tpu.memref_slice %arg10[%scan3A_75, %swap3A_154, %swap3A_155] : memref<2x80x128xf32, #tpu.memory_space<vmem>> -> memref<1x80x128xf32, #tpu.memory_space<vmem>>
      %swap3A_157 = tpu.memref_squeeze %swap3A_156 : memref<1x80x128xf32, #tpu.memory_space<vmem>> -> memref<80x128xf32, #tpu.memory_space<vmem>>
      %swap3A_158 = arith.index_cast %add3A_97 : i32 to index
      %swap3A_159 = arith.constant 48 : index
      %swap3A_160 = tpu.vector_load %swap3A_157[%swap3A_158, %swap3A_159] {strides = array<i32>} : memref<80x128xf32, #tpu.memory_space<vmem>>, vector<16xf32>,
      tpu.vector_store %swap3A_157[%swap3A_158, %swap3A_159], %mul3A_153 {strides = array<i32>} : memref<80x128xf32, #tpu.memory_space<vmem>>, vector<16xf32>,
      %get3A_161 = arith.constant 0 : i32
      %get3A_162 = arith.constant 0 : i32
      %get3A_163 = tpu.memref_slice %arg10[%scan3A_75, %get3A_161, %get3A_162] : memref<2x80x128xf32, #tpu.memory_space<vmem>> -> memref<1x80x128xf32, #tpu.memory_space<vmem>>
      %get3A_164 = tpu.memref_squeeze %get3A_163 : memref<1x80x128xf32, #tpu.memory_space<vmem>> -> memref<80x128xf32, #tpu.memory_space<vmem>>
      %get3A_165 = arith.index_cast %add3A_97 : i32 to index
      %get3A_166 = arith.constant 64 : index
      %get3A_167 = tpu.vector_load %get3A_164[%get3A_165, %get3A_166] {strides = array<i32>} : memref<80x128xf32, #tpu.memory_space<vmem>>, vector<16xf32>,
      %mul3A_168 = arith.mulf %get3A_167, %gather3A_102 : vector<16xf32>
      %swap3A_169 = arith.constant 0 : i32
      %swap3A_170 = arith.constant 0 : i32
      %swap3A_171 = tpu.memref_slice %arg10[%scan3A_75, %swap3A_169, %swap3A_170] : memref<2x80x128xf32, #tpu.memory_space<vmem>> -> memref<1x80x128xf32, #tpu.memory_space<vmem>>
      %swap3A_172 = tpu.memref_squeeze %swap3A_171 : memref<1x80x128xf32, #tpu.memory_space<vmem>> -> memref<80x128xf32, #tpu.memory_space<vmem>>
      %swap3A_173 = arith.index_cast %add3A_97 : i32 to index
      %swap3A_174 = arith.constant 64 : index
      %swap3A_175 = tpu.vector_load %swap3A_172[%swap3A_173, %swap3A_174] {strides = array<i32>} : memref<80x128xf32, #tpu.memory_space<vmem>>, vector<16xf32>,
      tpu.vector_store %swap3A_172[%swap3A_173, %swap3A_174], %mul3A_168 {strides = array<i32>} : memref<80x128xf32, #tpu.memory_space<vmem>>, vector<16xf32>,
      %get3A_176 = arith.constant 0 : i32
      %get3A_177 = arith.constant 0 : i32
      %get3A_178 = tpu.memref_slice %arg10[%scan3A_75, %get3A_176, %get3A_177] : memref<2x80x128xf32, #tpu.memory_space<vmem>> -> memref<1x80x128xf32, #tpu.memory_space<vmem>>
      %get3A_179 = tpu.memref_squeeze %get3A_178 : memref<1x80x128xf32, #tpu.memory_space<vmem>> -> memref<80x128xf32, #tpu.memory_space<vmem>>
      %get3A_180 = arith.index_cast %add3A_97 : i32 to index
      %get3A_181 = arith.constant 80 : index
      %get3A_182 = tpu.vector_load %get3A_179[%get3A_180, %get3A_181] {strides = array<i32>} : memref<80x128xf32, #tpu.memory_space<vmem>>, vector<16xf32>,
      %mul3A_183 = arith.mulf %get3A_182, %gather3A_102 : vector<16xf32>
      %swap3A_184 = arith.constant 0 : i32
      %swap3A_185 = arith.constant 0 : i32
      %swap3A_186 = tpu.memref_slice %arg10[%scan3A_75, %swap3A_184, %swap3A_185] : memref<2x80x128xf32, #tpu.memory_space<vmem>> -> memref<1x80x128xf32, #tpu.memory_space<vmem>>
      %swap3A_187 = tpu.memref_squeeze %swap3A_186 : memref<1x80x128xf32, #tpu.memory_space<vmem>> -> memref<80x128xf32, #tpu.memory_space<vmem>>
      %swap3A_188 = arith.index_cast %add3A_97 : i32 to index
      %swap3A_189 = arith.constant 80 : index
      %swap3A_190 = tpu.vector_load %swap3A_187[%swap3A_188, %swap3A_189] {strides = array<i32>} : memref<80x128xf32, #tpu.memory_space<vmem>>, vector<16xf32>,
      tpu.vector_store %swap3A_187[%swap3A_188, %swap3A_189], %mul3A_183 {strides = array<i32>} : memref<80x128xf32, #tpu.memory_space<vmem>>, vector<16xf32>,
      %get3A_191 = arith.constant 0 : i32
      %get3A_192 = arith.constant 0 : i32
      %get3A_193 = tpu.memref_slice %arg10[%scan3A_75, %get3A_191, %get3A_192] : memref<2x80x128xf32, #tpu.memory_space<vmem>> -> memref<1x80x128xf32, #tpu.memory_space<vmem>>
      %get3A_194 = tpu.memref_squeeze %get3A_193 : memref<1x80x128xf32, #tpu.memory_space<vmem>> -> memref<80x128xf32, #tpu.memory_space<vmem>>
      %get3A_195 = arith.index_cast %add3A_97 : i32 to index
      %get3A_196 = arith.constant 96 : index
      %get3A_197 = tpu.vector_load %get3A_194[%get3A_195, %get3A_196] {strides = array<i32>} : memref<80x128xf32, #tpu.memory_space<vmem>>, vector<16xf32>,
      %mul3A_198 = arith.mulf %get3A_197, %gather3A_102 : vector<16xf32>
      %swap3A_199 = arith.constant 0 : i32
      %swap3A_200 = arith.constant 0 : i32
      %swap3A_201 = tpu.memref_slice %arg10[%scan3A_75, %swap3A_199, %swap3A_200] : memref<2x80x128xf32, #tpu.memory_space<vmem>> -> memref<1x80x128xf32, #tpu.memory_space<vmem>>
      %swap3A_202 = tpu.memref_squeeze %swap3A_201 : memref<1x80x128xf32, #tpu.memory_space<vmem>> -> memref<80x128xf32, #tpu.memory_space<vmem>>
      %swap3A_203 = arith.index_cast %add3A_97 : i32 to index
      %swap3A_204 = arith.constant 96 : index
      %swap3A_205 = tpu.vector_load %swap3A_202[%swap3A_203, %swap3A_204] {strides = array<i32>} : memref<80x128xf32, #tpu.memory_space<vmem>>, vector<16xf32>,
      tpu.vector_store %swap3A_202[%swap3A_203, %swap3A_204], %mul3A_198 {strides = array<i32>} : memref<80x128xf32, #tpu.memory_space<vmem>>, vector<16xf32>,
      %get3A_206 = arith.constant 0 : i32
      %get3A_207 = arith.constant 0 : i32
      %get3A_208 = tpu.memref_slice %arg10[%scan3A_75, %get3A_206, %get3A_207] : memref<2x80x128xf32, #tpu.memory_space<vmem>> -> memref<1x80x128xf32, #tpu.memory_space<vmem>>
      %get3A_209 = tpu.memref_squeeze %get3A_208 : memref<1x80x128xf32, #tpu.memory_space<vmem>> -> memref<80x128xf32, #tpu.memory_space<vmem>>
      %get3A_210 = arith.index_cast %add3A_97 : i32 to index
      %get3A_211 = arith.constant 112 : index
      %get3A_212 = tpu.vector_load %get3A_209[%get3A_210, %get3A_211] {strides = array<i32>} : memref<80x128xf32, #tpu.memory_space<vmem>>, vector<16xf32>,
      %mul3A_213 = arith.mulf %get3A_212, %gather3A_102 : vector<16xf32>
      %swap3A_214 = arith.constant 0 : i32
      %swap3A_215 = arith.constant 0 : i32
      %swap3A_216 = tpu.memref_slice %arg10[%scan3A_75, %swap3A_214, %swap3A_215] : memref<2x80x128xf32, #tpu.memory_space<vmem>> -> memref<1x80x128xf32, #tpu.memory_space<vmem>>
      %swap3A_217 = tpu.memref_squeeze %swap3A_216 : memref<1x80x128xf32, #tpu.memory_space<vmem>> -> memref<80x128xf32, #tpu.memory_space<vmem>>
      %swap3A_218 = arith.index_cast %add3A_97 : i32 to index
      %swap3A_219 = arith.constant 112 : index
      %swap3A_220 = tpu.vector_load %swap3A_217[%swap3A_218, %swap3A_219] {strides = array<i32>} : memref<80x128xf32, #tpu.memory_space<vmem>>, vector<16xf32>,
      tpu.vector_store %swap3A_217[%swap3A_218, %swap3A_219], %mul3A_213 {strides = array<i32>} : memref<80x128xf32, #tpu.memory_space<vmem>>, vector<16xf32>,
    }
    %scan3A_80 = arith.constant 80 : i32
    %run_scoped3A_81 = arith.constant 0 : i32
    %run_scoped3A_82 = arith.constant 0 : i32
    %run_scoped3A_83 = arith.constant 0 : i32
    "tpu.region"() ({
      %run_scoped3A_93 = tpu.sem_alloc : memref<!tpu.dma_semaphore, #tpu.memory_space<semaphore_mem>>
      %dma_start3A_94 = arith.constant 0 : i32
      %dma_start3A_95 = arith.constant 0 : i32
      %dma_start3A_96 = tpu.memref_slice %arg10[%run_scoped3A_81, %dma_start3A_94, %dma_start3A_95] : memref<2x80x128xf32, #tpu.memory_space<vmem>> -> memref<1x80x128xf32, #tpu.memory_space<vmem>>
      %dma_start3A_97 = tpu.memref_squeeze %dma_start3A_96 : memref<1x80x128xf32, #tpu.memory_space<vmem>> -> memref<80x128xf32, #tpu.memory_space<vmem>>
      %dma_start3A_98 = arith.constant 0 : i32
      %dma_start3A_99 = arith.constant 0 : i32
      %dma_start3A_100 = tpu.memref_slice %arg8[%run_scoped3A_82, %dma_start3A_98, %dma_start3A_99] : memref<2x1x80xi32, #tpu.memory_space<vmem>> -> memref<1x1x80xi32, #tpu.memory_space<vmem>>
      %dma_start3A_101 = tpu.memref_squeeze %dma_start3A_100 : memref<1x1x80xi32, #tpu.memory_space<vmem>> -> memref<1x80xi32, #tpu.memory_space<vmem>>
      %dma_start3A_102 = arith.constant 0 : i32
      %dma_start3A_103 = tpu.memref_slice %dma_start3A_101[%run_scoped3A_83, %dma_start3A_102] : memref<1x80xi32, #tpu.memory_space<vmem>> -> memref<1x80xi32, #tpu.memory_space<vmem>>
      %dma_start3A_104 = tpu.memref_squeeze %dma_start3A_103 : memref<1x80xi32, #tpu.memory_space<vmem>> -> memref<80xi32, #tpu.memory_space<vmem>>
      %dma_start3A_105 = arith.constant 0 : i32
      %dma_start3A_106 = arith.constant 0 : i32
      %dma_start3A_107 = tpu.memref_slice %arg11[%dma_start3A_105, %dma_start3A_106] : memref<10000x128xf32, #tpu.memory_space<vmem_shared>> -> memref<10000x128xf32, #tpu.memory_space<vmem_shared>>
      tpu.enqueue_indirect_dma source(%dma_start3A_97 : memref<80x128xf32, #tpu.memory_space<vmem>>) target(%dma_start3A_107 : memref<10000x128xf32, #tpu.memory_space<vmem_shared>>) offsets(%dma_start3A_104 : memref<80xi32, #tpu.memory_space<vmem>>) semaphore(%run_scoped3A_93 : memref<!tpu.dma_semaphore, #tpu.memory_space<semaphore_mem>>) {add = true}
      %dma_wait3A_108 = arith.constant 0 : i32
      %dma_wait3A_109 = arith.constant 0 : i32
      %dma_wait3A_110 = tpu.memref_slice %arg10[%run_scoped3A_81, %dma_wait3A_108, %dma_wait3A_109] : memref<2x80x128xf32, #tpu.memory_space<vmem>> -> memref<1x80x128xf32, #tpu.memory_space<vmem>>
      %dma_wait3A_111 = tpu.memref_squeeze %dma_wait3A_110 : memref<1x80x128xf32, #tpu.memory_space<vmem>> -> memref<80x128xf32, #tpu.memory_space<vmem>>
      %dma_wait3A_112 = arith.constant 0 : i32
      %dma_wait3A_113 = arith.constant 0 : i32
      %dma_wait3A_114 = tpu.memref_slice %arg8[%run_scoped3A_82, %dma_wait3A_112, %dma_wait3A_113] : memref<2x1x80xi32, #tpu.memory_space<vmem>> -> memref<1x1x80xi32, #tpu.memory_space<vmem>>
      %dma_wait3A_115 = tpu.memref_squeeze %dma_wait3A_114 : memref<1x1x80xi32, #tpu.memory_space<vmem>> -> memref<1x80xi32, #tpu.memory_space<vmem>>
      %dma_wait3A_116 = arith.constant 0 : i32
      %dma_wait3A_117 = tpu.memref_slice %dma_wait3A_115[%run_scoped3A_83, %dma_wait3A_116] : memref<1x80xi32, #tpu.memory_space<vmem>> -> memref<1x80xi32, #tpu.memory_space<vmem>>
      %dma_wait3A_118 = tpu.memref_squeeze %dma_wait3A_117 : memref<1x80xi32, #tpu.memory_space<vmem>> -> memref<80xi32, #tpu.memory_space<vmem>>
      %dma_wait3A_119 = arith.constant 0 : i32
      %dma_wait3A_120 = arith.constant 0 : i32
      %dma_wait3A_121 = tpu.memref_slice %arg11[%dma_wait3A_119, %dma_wait3A_120] : memref<10000x128xf32, #tpu.memory_space<vmem_shared>> -> memref<10000x128xf32, #tpu.memory_space<vmem_shared>>
      tpu.wait_indirect_dma semaphore(%run_scoped3A_93 : memref<!tpu.dma_semaphore, #tpu.memory_space<semaphore_mem>>) src(%dma_wait3A_111 : memref<80x128xf32, #tpu.memory_space<vmem>>) dst(%dma_wait3A_121 : memref<10000x128xf32, #tpu.memory_space<vmem_shared>>)
      tpu.yield
    }) : () -> ()
    %barrier3A_84 = arith.constant 0 : index
    tpu.barrier barrier_id(%barrier3A_84)
    %mul3A_85 = arith.constant 624 : i32
    %mul3A_86 = arith.muli %arg1, %mul3A_85 : i32
    %multiple_of3A_87 = tpu.assume_multiple %mul3A_86, 8 : i32
    "tpu.region"() ({
      %run_scoped3A_93 = tpu.sem_alloc : memref<!tpu.dma_semaphore, #tpu.memory_space<semaphore_mem>>
      %dma_start3A_94 = arith.constant 0 : i32
      %dma_start3A_95 = tpu.memref_slice %arg6[%arg0, %multiple_of3A_87, %dma_start3A_94] : memref<2x10000x128xf32, #tpu.memory_space<hbm>> -> memref<1x624x128xf32, #tpu.memory_space<hbm>>
      %dma_start3A_96 = tpu.memref_squeeze %dma_start3A_95 : memref<1x624x128xf32, #tpu.memory_space<hbm>> -> memref<624x128xf32, #tpu.memory_space<hbm>>
      %dma_start3A_97 = arith.constant 0 : i32
      %dma_start3A_98 = tpu.memref_slice %arg11[%multiple_of3A_87, %dma_start3A_97] : memref<10000x128xf32, #tpu.memory_space<vmem_shared>> -> memref<624x128xf32, #tpu.memory_space<vmem_shared>>
      tpu.enqueue_dma source(%dma_start3A_98 : memref<624x128xf32, #tpu.memory_space<vmem_shared>>) target(%dma_start3A_96 : memref<624x128xf32, #tpu.memory_space<hbm>>) target_semaphore(%run_scoped3A_93 : memref<!tpu.dma_semaphore, #tpu.memory_space<semaphore_mem>>)
      %dma_wait3A_99 = arith.constant 0 : i32
      %dma_wait3A_100 = tpu.memref_slice %arg6[%arg0, %multiple_of3A_87, %dma_wait3A_99] : memref<2x10000x128xf32, #tpu.memory_space<hbm>> -> memref<1x624x128xf32, #tpu.memory_space<hbm>>
      %dma_wait3A_101 = tpu.memref_squeeze %dma_wait3A_100 : memref<1x624x128xf32, #tpu.memory_space<hbm>> -> memref<624x128xf32, #tpu.memory_space<hbm>>
      %dma_wait3A_102 = arith.constant 0 : i32
      %dma_wait3A_103 = tpu.memref_slice %arg11[%multiple_of3A_87, %dma_wait3A_102] : memref<10000x128xf32, #tpu.memory_space<vmem_shared>> -> memref<624x128xf32, #tpu.memory_space<vmem_shared>>
      tpu.wait_dma2 semaphore(%run_scoped3A_93 : memref<!tpu.dma_semaphore, #tpu.memory_space<semaphore_mem>>) src(%dma_wait3A_103 : memref<624x128xf32, #tpu.memory_space<vmem_shared>>) dst(%dma_wait3A_101 : memref<624x128xf32, #tpu.memory_space<hbm>>)
      tpu.yield
    }) : () -> ()
    %eq3A_88 = arith.constant 15 : i32
    %eq3A_89 = arith.cmpi eq, %arg1, %eq3A_88 : i32
    %convert_element_type3A_90 = arith.extui %eq3A_89 : i1 to i32
    %cond3A_91 = arith.constant 0 : i32
    %cond3A_92 = arith.cmpi ne, %convert_element_type3A_90, %cond3A_91 : i32
    scf.if %cond3A_92 {
      "tpu.region"() ({
        %run_scoped3A_93 = tpu.sem_alloc : memref<!tpu.dma_semaphore, #tpu.memory_space<semaphore_mem>>
        %dma_start3A_94 = arith.constant 9984 : i32
        %dma_start3A_95 = arith.constant 0 : i32
        %dma_start3A_96 = tpu.memref_slice %arg6[%arg0, %dma_start3A_94, %dma_start3A_95] : memref<2x10000x128xf32, #tpu.memory_space<hbm>> -> memref<1x16x128xf32, #tpu.memory_space<hbm>>
        %dma_start3A_97 = tpu.memref_squeeze %dma_start3A_96 : memref<1x16x128xf32, #tpu.memory_space<hbm>> -> memref<16x128xf32, #tpu.memory_space<hbm>>
        %dma_start3A_98 = arith.constant 9984 : i32
        %dma_start3A_99 = arith.constant 0 : i32
        %dma_start3A_100 = tpu.memref_slice %arg11[%dma_start3A_98, %dma_start3A_99] : memref<10000x128xf32, #tpu.memory_space<vmem_shared>> -> memref<16x128xf32, #tpu.memory_space<vmem_shared>>
        tpu.enqueue_dma source(%dma_start3A_100 : memref<16x128xf32, #tpu.memory_space<vmem_shared>>) target(%dma_start3A_97 : memref<16x128xf32, #tpu.memory_space<hbm>>) target_semaphore(%run_scoped3A_93 : memref<!tpu.dma_semaphore, #tpu.memory_space<semaphore_mem>>)
        %dma_wait3A_101 = arith.constant 9984 : i32
        %dma_wait3A_102 = arith.constant 0 : i32
        %dma_wait3A_103 = tpu.memref_slice %arg6[%arg0, %dma_wait3A_101, %dma_wait3A_102] : memref<2x10000x128xf32, #tpu.memory_space<hbm>> -> memref<1x16x128xf32, #tpu.memory_space<hbm>>
        %dma_wait3A_104 = tpu.memref_squeeze %dma_wait3A_103 : memref<1x16x128xf32, #tpu.memory_space<hbm>> -> memref<16x128xf32, #tpu.memory_space<hbm>>
        %dma_wait3A_105 = arith.constant 9984 : i32
        %dma_wait3A_106 = arith.constant 0 : i32
        %dma_wait3A_107 = tpu.memref_slice %arg11[%dma_wait3A_105, %dma_wait3A_106] : memref<10000x128xf32, #tpu.memory_space<vmem_shared>> -> memref<16x128xf32, #tpu.memory_space<vmem_shared>>
        tpu.wait_dma2 semaphore(%run_scoped3A_93 : memref<!tpu.dma_semaphore, #tpu.memory_space<semaphore_mem>>) src(%dma_wait3A_107 : memref<16x128xf32, #tpu.memory_space<vmem_shared>>) dst(%dma_wait3A_104 : memref<16x128xf32, #tpu.memory_space<hbm>>)
        tpu.yield
      }) : () -> ()
    } else {
    }
    return
  }
}

module attributes {stable_mosaic.version = 14 : i64} {
  func.func @_tc_pre_body(%arg0: i32, %arg1: memref<400x128xf32, #tpu.memory_space<vmem>>, %arg2: memref<128x128xf32, #tpu.memory_space<vmem>>, %arg3: memref<128x128xf32, #tpu.memory_space<vmem>>, %arg4: memref<400x128xf32, #tpu.memory_space<vmem>>, %arg5: memref<400x128xf32, #tpu.memory_space<vmem>>) attributes {dimension_semantics = [#tpu.dimension_semantics<arbitrary>], iteration_bounds = array<i64: 25>, scalar_prefetch = 0 : i64, scratch_operands = 0 : i64, tpu.core_type = #tpu.core_type<tc>, window_params = [{transform_indices = @transform_0, window_bounds = array<i64: 400, 128>}, {pipeline_mode = #tpu.pipeline_mode<synchronous>, transform_indices = @transform_1, window_bounds = array<i64: 128, 128>}, {pipeline_mode = #tpu.pipeline_mode<synchronous>, transform_indices = @transform_2, window_bounds = array<i64: 128, 128>}, {transform_indices = @transform_3, window_bounds = array<i64: 400, 128>}, {transform_indices = @transform_4, window_bounds = array<i64: 400, 128>}]} {
    %get3A = arith.constant 0 : index
    %get3A_0 = arith.constant 0 : index
    %get3A_1 = vector.load %arg1[%get3A, %get3A_0] : memref<400x128xf32, #tpu.memory_space<vmem>>, vector<400x128xf32>
    %get3A_2 = arith.constant 0 : index
    %get3A_3 = arith.constant 0 : index
    %get3A_4 = vector.load %arg2[%get3A_2, %get3A_3] : memref<128x128xf32, #tpu.memory_space<vmem>>, vector<128x128xf32>
    %dot_general3A = arith.constant dense<0.000000e+00> : vector<400x128xf32>
    %dot_general3A_5 = tpu.matmul %get3A_1, %get3A_4, %dot_general3A {dimension_numbers = #tpu.dot_dimension_numbers<[1], [0], [0], [1], [0, 0, 1, 1], [], []>, precision = #tpu.contract_precision<fp32>, transpose_lhs_hint = false} : vector<400x128xf32>, vector<128x128xf32>, vector<400x128xf32> -> vector<400x128xf32>
    %swap3A = arith.constant 0 : index
    %swap3A_6 = arith.constant 0 : index
    %swap3A_7 = vector.load %arg4[%swap3A, %swap3A_6] : memref<400x128xf32, #tpu.memory_space<vmem>>, vector<400x128xf32>
    tpu.vector_store %arg4[%swap3A, %swap3A_6], %dot_general3A_5 {strides = array<i32>} : memref<400x128xf32, #tpu.memory_space<vmem>>, vector<400x128xf32>,
    %get3A_8 = arith.constant 0 : index
    %get3A_9 = arith.constant 0 : index
    %get3A_10 = vector.load %arg3[%get3A_8, %get3A_9] : memref<128x128xf32, #tpu.memory_space<vmem>>, vector<128x128xf32>
    %dot_general3A_11 = arith.constant dense<0.000000e+00> : vector<400x128xf32>
    %dot_general3A_12 = tpu.matmul %dot_general3A_5, %get3A_10, %dot_general3A_11 {dimension_numbers = #tpu.dot_dimension_numbers<[1], [0], [0], [1], [0, 0, 1, 1], [], []>, precision = #tpu.contract_precision<fp32>, transpose_lhs_hint = false} : vector<400x128xf32>, vector<128x128xf32>, vector<400x128xf32> -> vector<400x128xf32>
    %swap3A_13 = arith.constant 0 : index
    %swap3A_14 = arith.constant 0 : index
    %swap3A_15 = vector.load %arg5[%swap3A_13, %swap3A_14] : memref<400x128xf32, #tpu.memory_space<vmem>>, vector<400x128xf32>
    tpu.vector_store %arg5[%swap3A_13, %swap3A_14], %dot_general3A_12 {strides = array<i32>} : memref<400x128xf32, #tpu.memory_space<vmem>>, vector<400x128xf32>,
    return
  }
  func.func @transform_0(%arg0: i32) -> (i32, i32) {
    %c0_i32 = arith.constant 0 : i32
    %c0_i32_0 = arith.constant 0 : i32
    return %arg0, %c0_i32 : i32, i32
  }
  func.func @transform_1(%arg0: i32) -> (i32, i32) {
    %c0_i32 = arith.constant 0 : i32
    %c0_i32_0 = arith.constant 0 : i32
    %c0_i32_1 = arith.constant 0 : i32
    return %c0_i32, %c0_i32_0 : i32, i32
  }
  func.func @transform_2(%arg0: i32) -> (i32, i32) {
    %c0_i32 = arith.constant 0 : i32
    %c0_i32_0 = arith.constant 0 : i32
    %c0_i32_1 = arith.constant 0 : i32
    return %c0_i32, %c0_i32_0 : i32, i32
  }
  func.func @transform_3(%arg0: i32) -> (i32, i32) {
    %c0_i32 = arith.constant 0 : i32
    %c0_i32_0 = arith.constant 0 : i32
    return %arg0, %c0_i32 : i32, i32
  }
  func.func @transform_4(%arg0: i32) -> (i32, i32) {
    %c0_i32 = arith.constant 0 : i32
    %c0_i32_0 = arith.constant 0 : i32
    return %arg0, %c0_i32 : i32, i32
  }
}

module attributes {stable_mosaic.version = 14 : i64} {
  func.func @_tc_post_body(%arg0: i32, %arg1: memref<400x128xf32, #tpu.memory_space<vmem>>, %arg2: memref<400x128xf32, #tpu.memory_space<vmem>>, %arg3: memref<400x32xf32, #tpu.memory_space<vmem>>, %arg4: memref<400x128xf32, #tpu.memory_space<vmem>>, %arg5: memref<400x128xf32, #tpu.memory_space<vmem>>, %arg6: memref<1x128xf32, #tpu.memory_space<vmem>>, %arg7: memref<400x128xf32, #tpu.memory_space<vmem>>) attributes {dimension_semantics = [#tpu.dimension_semantics<arbitrary>], iteration_bounds = array<i64: 25>, scalar_prefetch = 0 : i64, scratch_operands = 0 : i64, tpu.core_type = #tpu.core_type<tc>, window_params = [{transform_indices = @transform_0, window_bounds = array<i64: 400, 128>}, {transform_indices = @transform_1, window_bounds = array<i64: 400, 128>}, {transform_indices = @transform_2, window_bounds = array<i64: 400, 32>}, {transform_indices = @transform_3, window_bounds = array<i64: 400, 128>}, {transform_indices = @transform_4, window_bounds = array<i64: 400, 128>}, {pipeline_mode = #tpu.pipeline_mode<synchronous>, transform_indices = @transform_5, window_bounds = array<i64: 1, 128>}, {transform_indices = @transform_6, window_bounds = array<i64: 400, 128>}]} {
    %get3A = arith.constant 0 : index
    %get3A_0 = arith.constant 0 : index
    %get3A_1 = vector.load %arg5[%get3A, %get3A_0] : memref<400x128xf32, #tpu.memory_space<vmem>>, vector<400x1xf32>
    %get3A_2 = arith.constant 0 : index
    %get3A_3 = arith.constant 1 : index
    %get3A_4 = vector.load %arg5[%get3A_2, %get3A_3] : memref<400x128xf32, #tpu.memory_space<vmem>>, vector<400x1xf32>
    %add3A = arith.addf %get3A_1, %get3A_4 : vector<400x1xf32>
    %ge3A = arith.constant 0.000000e+00 : f32
    %ge3A_5 = vector.broadcast %ge3A : f32 to vector<400x1xf32>
    %ge3A_6 = arith.cmpf oge, %add3A, %ge3A_5 : vector<400x1xf32>
    %mul3A = arith.constant 2.000000e-01 : f32
    %mul3A_7 = vector.broadcast %mul3A : f32 to vector<400x1xf32>
    %mul3A_8 = arith.mulf %add3A, %mul3A_7 : vector<400x1xf32>
    %select_n3A = arith.select %ge3A_6, %add3A, %mul3A_8 : vector<400x1xi1>, vector<400x1xf32>
    %exp3A = math.exp %select_n3A : vector<400x1xf32>
    %get3A_9 = arith.constant 0 : index
    %get3A_10 = arith.constant 0 : index
    %get3A_11 = vector.load %arg1[%get3A_9, %get3A_10] : memref<400x128xf32, #tpu.memory_space<vmem>>, vector<400x128xf32>
    %get3A_12 = arith.constant 0 : index
    %get3A_13 = arith.constant 0 : index
    %get3A_14 = vector.load %arg2[%get3A_12, %get3A_13] : memref<400x128xf32, #tpu.memory_space<vmem>>, vector<400x128xf32>
    %add3A_15 = arith.addf %get3A_11, %get3A_14 : vector<400x128xf32>
    %get3A_16 = arith.constant 0 : index
    %get3A_17 = arith.constant 0 : index
    %get3A_18 = vector.load %arg4[%get3A_16, %get3A_17] : memref<400x128xf32, #tpu.memory_space<vmem>>, vector<400x128xf32>
    %mul3A_19 = vector.broadcast %exp3A : vector<400x1xf32> to vector<400x128xf32>
    %mul3A_20 = arith.mulf %mul3A_19, %get3A_18 : vector<400x128xf32>
    %add3A_21 = arith.addf %add3A_15, %mul3A_20 : vector<400x128xf32>
    %get3A_22 = arith.constant 0 : index
    %get3A_23 = arith.constant 0 : index
    %get3A_24 = vector.load %arg3[%get3A_22, %get3A_23] : memref<400x32xf32, #tpu.memory_space<vmem>>, vector<400x32xf32>
    %reduce_sum3A = arith.constant dense<0.000000e+00> : vector<400xf32>
    %reduce_sum3A_25 = vector.multi_reduction <add>, %get3A_24, %reduce_sum3A [1] : vector<400x32xf32> to vector<400xf32>
    %broadcast_in_dim3A = vector.shape_cast %reduce_sum3A_25 : vector<400xf32> to vector<400x1xf32>
    %add3A_26 = arith.addf %broadcast_in_dim3A, %exp3A : vector<400x1xf32>
    %add3A_27 = arith.constant 1.000000e-16 : f32
    %add3A_28 = vector.broadcast %add3A_27 : f32 to vector<400x1xf32>
    %add3A_29 = arith.addf %add3A_26, %add3A_28 : vector<400x1xf32>
    %div3A = vector.broadcast %add3A_29 : vector<400x1xf32> to vector<400x128xf32>
    %div3A_30 = arith.divf %add3A_21, %div3A : vector<400x128xf32>
    %get3A_31 = arith.constant 0 : index
    %get3A_32 = arith.constant 0 : index
    %get3A_33 = vector.load %arg6[%get3A_31, %get3A_32] : memref<1x128xf32, #tpu.memory_space<vmem>>, vector<1x128xf32>
    %add3A_34 = vector.broadcast %get3A_33 : vector<1x128xf32> to vector<400x128xf32>
    %add3A_35 = arith.addf %div3A_30, %add3A_34 : vector<400x128xf32>
    %gt3A = arith.constant 0.000000e+00 : f32
    %gt3A_36 = vector.broadcast %gt3A : f32 to vector<400x128xf32>
    %gt3A_37 = arith.cmpf ogt, %add3A_35, %gt3A_36 : vector<400x128xf32>
    %exp3A_38 = math.exp %add3A_35 : vector<400x128xf32>
    %sub3A = arith.constant 1.000000e+00 : f32
    %sub3A_39 = vector.broadcast %sub3A : f32 to vector<400x128xf32>
    %sub3A_40 = arith.subf %exp3A_38, %sub3A_39 : vector<400x128xf32>
    %select_n3A_41 = arith.select %gt3A_37, %add3A_35, %sub3A_40 : vector<400x128xi1>, vector<400x128xf32>
    %swap3A = arith.constant 0 : index
    %swap3A_42 = arith.constant 0 : index
    %swap3A_43 = vector.load %arg7[%swap3A, %swap3A_42] : memref<400x128xf32, #tpu.memory_space<vmem>>, vector<400x128xf32>
    tpu.vector_store %arg7[%swap3A, %swap3A_42], %select_n3A_41 {strides = array<i32>} : memref<400x128xf32, #tpu.memory_space<vmem>>, vector<400x128xf32>,
    return
  }
  func.func @transform_0(%arg0: i32) -> (i32, i32) {
    %c0_i32 = arith.constant 0 : i32
    %c0_i32_0 = arith.constant 0 : i32
    return %arg0, %c0_i32 : i32, i32
  }
  func.func @transform_1(%arg0: i32) -> (i32, i32) {
    %c0_i32 = arith.constant 0 : i32
    %c0_i32_0 = arith.constant 0 : i32
    return %arg0, %c0_i32 : i32, i32
  }
  func.func @transform_2(%arg0: i32) -> (i32, i32) {
    %c0_i32 = arith.constant 0 : i32
    %c0_i32_0 = arith.constant 0 : i32
    return %arg0, %c0_i32 : i32, i32
  }
  func.func @transform_3(%arg0: i32) -> (i32, i32) {
    %c0_i32 = arith.constant 0 : i32
    %c0_i32_0 = arith.constant 0 : i32
    return %arg0, %c0_i32 : i32, i32
  }
  func.func @transform_4(%arg0: i32) -> (i32, i32) {
    %c0_i32 = arith.constant 0 : i32
    %c0_i32_0 = arith.constant 0 : i32
    return %arg0, %c0_i32 : i32, i32
  }
  func.func @transform_5(%arg0: i32) -> (i32, i32) {
    %c0_i32 = arith.constant 0 : i32
    %c0_i32_0 = arith.constant 0 : i32
    %c0_i32_1 = arith.constant 0 : i32
    return %c0_i32, %c0_i32_0 : i32, i32
  }
  func.func @transform_6(%arg0: i32) -> (i32, i32) {
    %c0_i32 = arith.constant 0 : i32
    %c0_i32_0 = arith.constant 0 : i32
    return %arg0, %c0_i32 : i32, i32
  }
}

</mosaic_0001>

<sc_bundles>
// kernel: kernel.6.cloned.1.call-start
scs
__scs_entry_jumppad:
0x0: {  	(pc) =	sbr.rel $0x88, $3  }
0x1: {  	(tag) =	ssettag $0x0;
	lr =	simm.s32 $0x1  }
0x2: {  	[smem:$0x3F9B] =	sst lr;
	_ =	strace $0xD0000000  }
0x3: {  	_ = 	snop  }
0x4: {  	_ = 	snop  }
0x5: {  	_ = 	snop  }
0x6: {  	_ = 	snop  }
0x7: {  	_ = 	snop  }
__scs_overlays_trampoline_lowered:
0x8: {  	[smem:$0x3FAA] =	sst s0  }
0x9: {  	[smem:$0x3FAB] =	sst s1  }
0xa: {  	[smem:$0x3FAC] =	sst s2  }
0xb: {  	[smem:$0x3FAD] =	sst s3  }
0xc: {  	[smem:$0x3FAE] =	sst s4  }
0xd: {  	[smem:$0x3FAF] =	sst s5  }
0xe: {  	[smem:$0x3FB0] =	sst s6  }
0xf: {  	[smem:$0x3FB1] =	sst s7  }
0x10: {  	[smem:$0x3FB2] =	sst s8  }
0x11: {  	[smem:$0x3FB3] =	sst s9;
	s0 =	simm.s32 @!p0 $0x0  }
0x12: {  	s1 =	sld [smem:$0x3F99];
	s0 =	simm.s32 @p0 $0x1  }
0x13: {  	[smem:$0x3FB4] =	sst s0;
	s0 =	simm.s32 @!p1 $0x0  }
0x14: {  	s2 =	sld [smem:$0x3F98];
	s0 =	simm.s32 @p1 $0x1  }
0x15: {  	[smem:$0x3FB5] =	sst s0;
	s0 =	simm.s32 @!p2 $0x0  }
0x16: {  	s3 =	sld [smem:$0x3FDB];
	s0 =	simm.s32 @p2 $0x1  }
0x17: {  	s4 =	simm.s32 $0x1BF5;
	[smem:$0x3FB7] =	sst s0  }
0x18: {  	s0 =	sld [smem:$0x3F9A];
	_ =	swait.ge [sflag:s4], $0x0  }
0x19: {  	s7 =	sld [smem:$0x3F9B]  }
0x1a: {  	s8 =	sadd.s32 $0xFFFFE003, lr  }
0x1b: {  	s9 =	sadd.s32 $0xFFFFFEF7, lr;
	s5 =	simm.s32 $0xFFFFFFFF;
	p2 =	slt.u32 s8, $0xFFFFF086  }
0x1c: {  	p1 =	slt.u32 s9, $0xF7A;
	s5 =	simm.s32 @!p2 $0x0  }
0x1d: {  	s5 =	simm.s32 @p1 $0x1;
	p0 =	seq.s32 s7, s2  }
0x1e: {  	s7 =	smul.u32 @!p0 $0xF7A, s2;
	p2 =	seq.s32 @!p0 s5, $0x0  }
0x1f: {  	s9 =	smul.u32 $0xF7A, s1;
	s8 =	simm.s32 @!p0 $0x1BF5;
	p2 =	por !p2, p0  }
0x20: {  	[sflag:s8] =	ssyncset.s32 @!p0 $0xFFFFF086;
	s6 =	sadd.s32 @!p0 s3, s7;
	s7 =	simm.s32 @!p0 $0x108  }
0x21: {  	s3 =	sadd.s32 s3, s9;
	s6 =	sadd.s32 @!p0 $0x88, s6;
	s7 =	simm.s32 @p2 $0x1082  }
0x22: {  	[simem:s7], [sflag:s8] =	dma.local @!p0 [hbm:s6], $0xF7A  }
0x23: {  	s9 =	sor.u32 $0xD0000000, s2;
	s6 =	simm.s32 $0x108;
	_ =	swait.ge @!p0 [sflag:s8], $0x0  }
0x24: {  	s3 =	sadd.s32 $0x88, s3;
	s6 =	simm.s32 @!p1 $0x1082;
	[sflag:s4] =	ssyncset.s32 $0xFFFFF086  }
0x25: {  	[simem:s6], [sflag:s4] =	dma.local [hbm:s3], $0xF7A  }
0x26: {  	[smem:$0x3F9B] =	sst s1;
	(tag) =	ssettag s2;
	_ =	strace s9  }
0x27: {  	s1 =	sld [smem:$0x3FAB]  }
0x28: {  	s2 =	sld [smem:$0x3FAC]  }
0x29: {  	s4 =	sld [smem:$0x3FAE]  }
0x2a: {  	p0 =	seq.s32 s5, $0x0;
	s5 =	sld [smem:$0x3FAF]  }
0x2b: {  	s6 =	sld [smem:$0x3FB0]  }
0x2c: {  	s7 =	sld [smem:$0x3FB1]  }
0x2d: {  	s3 =	simm.s32 $0x108;
	s8 =	sld [smem:$0x3FB2]  }
0x2e: {  	s3 =	simm.s32 @!p0 $0x1082;
	s9 =	sld [smem:$0x3FB3]  }
0x2f: {  	lr =	sadd.s32 s0, s3;
	s0 =	sld [smem:$0x3FAA]  }
0x30: {  	s3 =	sld [smem:$0x3FAD]  }
0x31: {  	[smem:$0x3FB6] =	sst s10  }
0x32: {  	s10 =	sld [smem:$0x3FB4];
	_ =	sdelay $0x3  }
0x33: {  	p0 =	seq.s32 s10, $0x1;
	s10 =	sld [smem:$0x3FB6];
	_ =	sdelay $0x3  }
0x34: {  	[smem:$0x3FB6] =	sst s10  }
0x35: {  	s10 =	sld [smem:$0x3FB5];
	_ =	sdelay $0x3  }
0x36: {  	p1 =	seq.s32 s10, $0x1;
	s10 =	sld [smem:$0x3FB6];
	_ =	sdelay $0x3  }
0x37: {  	[smem:$0x3FB6] =	sst s10  }
0x38: {  	s10 =	sld [smem:$0x3FB7]  }
0x39: {  	_ = 	snop;
	(pc) =	sbr.ind lr, $3  }
0x3a: {  	_ = 	snop  }
0x3b: {  	_ = 	snop  }
0x3c: {  	p2 =	seq.s32 s10, $0x1;
	s10 =	sld [smem:$0x3FB6]  }
0x3d: {  	_ =	shalt  }
0x3e: {  	_ =	shalt  }
0x3f: {  	_ =	shalt  }
0x40: {  	_ =	shalt  }
0x41: {  	_ =	shalt  }
0x42: {  	_ =	shalt  }
0x43: {  	_ =	shalt  }
0x44: {  	_ =	shalt  }
0x45: {  	_ =	shalt  }
0x46: {  	_ =	shalt  }
0x47: {  	_ =	shalt  }
0x48: {  	_ =	shalt  }
0x49: {  	_ =	shalt  }
0x4a: {  	_ =	shalt  }
0x4b: {  	_ =	shalt  }
0x4c: {  	_ =	shalt  }
0x4d: {  	_ =	shalt  }
0x4e: {  	_ =	shalt  }
0x4f: {  	_ =	shalt  }
0x50: {  	_ =	shalt  }
0x51: {  	_ =	shalt  }
0x52: {  	_ =	shalt  }
0x53: {  	_ =	shalt  }
0x54: {  	_ =	shalt  }
0x55: {  	_ =	shalt  }
0x56: {  	_ =	shalt  }
0x57: {  	_ =	shalt  }
0x58: {  	_ =	shalt  }
0x59: {  	_ =	shalt  }
0x5a: {  	_ =	shalt  }
0x5b: {  	_ =	shalt  }
0x5c: {  	_ =	shalt  }
0x5d: {  	_ =	shalt  }
0x5e: {  	_ =	shalt  }
0x5f: {  	_ =	shalt  }
0x60: {  	_ =	shalt  }
0x61: {  	_ =	shalt  }
0x62: {  	_ =	shalt  }
0x63: {  	_ =	shalt  }
0x64: {  	_ =	shalt  }
0x65: {  	_ =	shalt  }
0x66: {  	_ =	shalt  }
0x67: {  	_ =	shalt  }
0x68: {  	_ =	shalt  }
0x69: {  	_ =	shalt  }
0x6a: {  	_ =	shalt  }
0x6b: {  	_ =	shalt  }
0x6c: {  	_ =	shalt  }
0x6d: {  	_ =	shalt  }
0x6e: {  	_ =	shalt  }
0x6f: {  	_ =	shalt  }
0x70: {  	_ =	shalt  }
0x71: {  	_ =	shalt  }
0x72: {  	_ =	shalt  }
0x73: {  	_ =	shalt  }
0x74: {  	_ =	shalt  }
0x75: {  	_ =	shalt  }
0x76: {  	_ =	shalt  }
0x77: {  	_ =	shalt  }
0x78: {  	_ =	shalt  }
0x79: {  	_ =	shalt  }
0x7a: {  	_ =	shalt  }
0x7b: {  	_ =	shalt  }
0x7c: {  	_ =	shalt  }
0x7d: {  	_ =	shalt  }
0x7e: {  	_ =	shalt  }
0x7f: {  	_ =	shalt  }
0x80: {  	_ =	shalt  }
0x81: {  	_ =	shalt  }
0x82: {  	_ =	shalt  }
0x83: {  	_ =	shalt  }
0x84: {  	_ =	shalt  }
0x85: {  	_ =	shalt  }
0x86: {  	_ =	shalt  }
0x87: {  	_ =	shalt  }
.Lfunc_end0:
.L_simem_size_0:
called_computation_lowered:
.L_overlay_start_0:
0x88: {  	s2 =	sld [smem:$0x3FD9]  }
0x89: {  	s3 =	sld [smem:$0x3FFE];
	_ =	sdelay $0x1  }
0x8a: {  	s1 =	srdreg.scid  }
0x8b: {  	s0 =	sand.u32 $0x1, s1  }
0x8c: {  	s16 =	sshll.u32 s0, $0xA;
	s2 =	sadd.s32 s3, s2  }
0x8d: {  	s2 =	sadd.s32 s2, s16  }
0x8e: {  	[smem:$0x3FC2] =	sst s2  }
0x8f: {  	_ = 	snop  }
0x90: {  	(tm) =	ssettm $0x1  }
0x91: {  	s17 =	sld [smem:$0x3FFB];
	_ =	sdelay $0x3  }
0x92: {  	_ =	strace s17  }
0x93: {  	s2 =	sld [smem:$0x3FFC];
	_ =	sdelay $0x3  }
0x94: {  	_ =	strace s2  }
0x95: {  	s2 =	sld [smem:$0x3FFD];
	_ =	sdelay $0x3  }
0x96: {  	_ =	strace s2  }
0x97: {  	_ =	strace $0x8FFFFFFF  }
0x98: {  	s18 =	sld [smem:$0x3FDB];
	_ =	sdelay $0x1  }
0x99: {  	s19 =	simm.s32 $_scs_section_size  }
0x9a: {  	s4 =	simm.s32 $_size__tile_overlayer_lowered;
	s5 =	simm.s32 $_tile_overlayer_lowered  }
0x9b: {  	s22 =	simm.s32 $0x1BFF;
	s21 =	sshll.u32 s5, $0x1;
	s2 =	sadd.s32 s19, s18  }
0x9c: {  	s6 =	simm.s32 $0x0;
	s20 =	sshll.u32 s4, $0x1;
	s4 =	sadd.s32 s21, s2  }
0x9d: {  	[timem:s6], [sflag:s22] =	dma.local [hbm:s4], s20  }
0x9e: {  	_ =	swait.ge [sflag:s22], s20  }
0x9f: {  	s3 =	ssub.s32 $0x0, s20;
	[sflag:s22] =	ssyncset.done $0x0  }
0xa0: {  	[sflag:s22] =	ssyncadd.s32 s3;
	_ =	sdelay $0x1  }
0xa1: {  	s23 =	simm.s32 $0x1B8B  }
0xa2: {  	_ =	swait.ge [sflag:s23], $0x1  }
0xa3: {  	[sflag:s23] =	ssyncset.done $0x0  }
0xa4: {  	s25 =	simm.s32 $0x1B8E;
	s24 =	sld [smem:$0x3FFE];
	[sflag:s23] =	ssyncadd.s32 $0xFFFFFFFF  }
0xa5: {  	s26 =	simm.s32 $execute0_lowered;
	[smem:$0x3FD2] =	sst s25  }
0xa6: {  	s4 =	sshll.u32 s26, $0x1;
	_ =	strace $0x80000046;
	[dreg:$0x1] =	wrdreg $0xFFFFFFFF  }
0xa7: {  	s28 =	simm.s32 $_size_execute0_lowered;
	s2 =	sadd.s32 s2, s4;
	[dreg:$0x0] =	wrdreg $0x0  }
0xa8: {  	s4 =	sshll.u32 s28, $0x1;
	[dreg:$0x2] =	wrdreg s2  }
0xa9: {  	[dreg:$0x3] =	wrdreg s4  }
0xaa: {  	[dreg:$0x4] =	wrdreg $0xC0  }
0xab: {  	_ =	task [dreg:s6], $0x5FFFF  }
0xac: {  	[dreg:$0x1] =	wrdreg $0xFFFFFFFF  }
0xad: {  	[dreg:$0x0] =	wrdreg $0x60  }
0xae: {  	[dreg:$0x2] =	wrdreg s24  }
0xaf: {  	[dreg:$0x3] =	wrdreg $0x9  }
0xb0: {  	_ =	task.clear_ibuf [dreg:s6], $0x4FFFF;
	_ =	strace $0x90000046  }
0xb1: {  	s29 =	simm.s32 $0x9;
	_ =	strace $0x80000048  }
0xb2: {  	_ =	swait.ge [sflag:s29], $0x1  }
0xb3: {  	[sflag:s29] =	ssyncadd.s32 $0xFFFFFFFF  }
0xb4: {  	_ =	strace $0x90000048  }
0xb5: {  	_ =	sfence  }
0xb6: {  	s30 =	sld [smem:$0x0];
	_ =	sdelay $0x2  }
0xb7: {  	s31 =	sshll.u32 s1, $0xD;
	s1 =	sshrl.u32 s1, $0x2  }
0xb8: {  	s3 =	sand.u32 $0x4000, s31;
	s1 =	sadd.s32 s1, s30  }
0xb9: {  	s0 =	sor.u32 s3, s0;
	s1 =	sshll.u32 s1, $0x11  }
0xba: {  	s0 =	sor.u32 s1, s0  }
0xbb: {  	s0 =	sadd.s32 $0x8F2B, s0  }
0xbc: {  	[sflag:s0] =	ssyncadd.remote.s32 $0x1  }
0xbd: {  	_ =	sfence.sel $0xFFFF  }
0xbe: {  	[dreg:$0x0] =	wrdreg $0xFFFFFFFF;
	(pc) =	sbr.abs _section_cstart, $3  }
0xbf: {  	[dreg:$0x1] =	wrdreg $0xFFFFFFFF  }
0xc0: {  	_ =	task.clear_ibuf [dreg:s6], $0x2FFFF;
	_ =	strace $0x9FFFFFFF  }
0xc1: {  	(tm) =	ssettm $0x7FFFFFFF  }
tec
execute0_lowered:
.L_overlay_start_1:
0x0: {  	(tag) =	ssettag $0x1  }
0x1: {  	s1 =	srdreg.scid;
	s0 =	stileid.u32  }
0x2: {  	s5 =	rddreg [dreg:$0x0];
	s2 =	simm.s32 $0x0;
	s11 =	simm.s32 $0x2780  }
0x3: {  	s12 =	simm.s32 $0x7680;
	s13 =	simm.s32 $0x9E00;
	s14 =	simm.s32 $0x4F00  }
0x4: {  	s15 =	simm.s32 $0xC580;
	s3 =	sand.u32 $0x1, s1;
	s4 =	sshll.u32 s0, $0x1  }
0x5: {  	s16 =	simm.s32 $0x0;
	s1 =	rddreg [dreg:$0x1];
	s4 =	sor.u32 s3, s4  }
0x6: {  	[smem:$0x7FF] =	sst s2;
	s7 =	ssub.s32 $0x2, s3;
	s6 =	smul.u32 $0x4F0, s4  }
0x7: {  	_ =	strace $0x80000047;
	s3 =	sadd.s32 $0x27A00, s5;
	s8 =	sshrl.u32 s7, $0x1  }
0x8: {  	s4 =	sadd.s32 $0x27400, s5;
	s10 =	ssub.s32 s7, s8;
	s9 =	sadd.s32 s6, s5  }
0x9: {  	s5 =	sadd.s32 $0x28000, s9;
	s6 =	sadd.s32 $0x31E00, s9;
	s7 =	sadd.s32 $0x3BC00, s9  }
0xa: {  	v0 =	vimm.f32 $0.0e+00;
	s8 =	sadd.s32 $0x45A00, s9;
	s9 =	smax.u32 s10, $0x1;
	s10 =	simm.s32 $0x1  }
.LBB2_1:
0xb: {  	s17 =	simm.s32 $0x40;
	s18 =	simm.s32 $0x0  }
.LBB2_2:
0xc: {  	p0 =	sne.s32 s17, $0x9C00;
	[tilespmem:s18+$0x4F00] =	vst v0;
	s18 =	smov.u32 s17;
	s17 =	sadd.s32 $0x40, s17  }
.Ltmp0:
0xd: {  	(pc) =	sbr.rel @p0 .LBB2_2-.Ltmp0, $2  }
0xe: {  	_ =	sdelay $0x2  }
0xf: {  	s18 =	sshra.s32 s18, $0x2  }
0x10: {  	[tilespmem:s18+$0x4F00] =	vst v0;
	s17 =	simm.s32 $0x0  }
0x11: {  	[tilespmem:s17], [sflag:$0x1] =	stream.linear.gather [hbm4b:s3+s17], $0x2780, $0x38;
	[tilespmem:$0xED00] =	vst v63  }
0x12: {  	_ =	swait.ge [sflag:s10], $0x2780  }
0x13: {  	[sflag:s10] =	ssyncset.done $0x0  }
0x14: {  	[sflag:s10] =	ssyncadd.s32 $0xFFFFD880  }
0x15: {  	[tilespmem:s11], [sflag:$0x1] =	stream.linear.gather [hbm4b:s4+s17], $0x2780, $0x38;
	[tilespmem:$0xED00] =	vst v63  }
0x16: {  	_ =	swait.ge [sflag:s10], $0x2780  }
0x17: {  	[sflag:s10] =	ssyncset.done $0x0  }
0x18: {  	[sflag:s10] =	ssyncadd.s32 $0xFFFFD880  }
0x19: {  	[tilespmem:s12], [sflag:$0x1] =	stream.linear.gather [hbm4b:s5+s17], $0x2780, $0x38;
	[tilespmem:$0xED00] =	vst v63  }
0x1a: {  	_ =	swait.ge [sflag:s10], $0x2780  }
0x1b: {  	[sflag:s10] =	ssyncset.done $0x0  }
0x1c: {  	[sflag:s10] =	ssyncadd.s32 $0xFFFFD880  }
0x1d: {  	[tilespmem:s13], [sflag:$0x1] =	stream.linear.gather [hbm4b:s6+s17], $0x2780, $0x38;
	[tilespmem:$0xED00] =	vst v63  }
0x1e: {  	_ =	swait.ge [sflag:s10], $0x2780  }
0x1f: {  	[sflag:s10] =	ssyncset.done $0x0  }
0x20: {  	s17 =	simm.s32 $0x0;
	[sflag:s10] =	ssyncadd.s32 $0xFFFFD880  }
0x21: {  	v1 =	vld [tilespmem:s17+$0x9E00]  }
0x22: {  	s18 =	simm.s32 $0x40;
	v2 =	vld [tilespmem:s17+$0x7680]  }
.LBB2_4:
0x23: {  	p0 =	sne.s32 s18, $0x9C00;
	_ =	sdelay $0x5  }
0x24: {  	v3 =	vld.idx.msk [tilespmem:v1+s11+$0x0], $0xffff  }
0x25: {  	v2 =	vld.idx.msk [tilespmem:v2+s2+$0x0], $0xffff;
	_ =	sdelay $0x5  }
0x26: {  	v2 =	vadd.f32 v3, v2;
	_ =	sdelay $0x1  }
0x27: {  	v3 =	vmul.f32 $2.000000030e-01, v2  }
0x28: {  	vm0 =	vge.f32 v2, $0.0e+00  }
0x29: {  	v2 =	vsel vm0, v2, v3  }
0x2a: {  	v2 =	vmul.f32 $1.442695020e+00, v2;
	_ =	sdelay $0x1  }
0x2b: {  	(erf) = vpow2.f32 v2;
	_ =	sdelay $0x8  }
.Ltmp1:
0x2c: {  	v2 =	vpop (erf);
	(pc) =	sbr.rel @p0 .LBB2_4-.Ltmp1, $4  }
0x2d: {  	[tilespmem:s17+$0xC580] =	vst v2  }
0x2e: {  	s17 =	sshra.s32 s18, $0x2;
	[tilespmem:v1+s14+$0x0] =	vst.idx.add.f32.msk $0xffff, v2  }
0x2f: {  	v1 =	vld [tilespmem:s17+$0x9E00]  }
0x30: {  	s18 =	sadd.s32 $0x40, s18;
	v2 =	vld [tilespmem:s17+$0x7680]  }
0x31: {  	_ =	sdelay $0x6  }
0x32: {  	v3 =	vld.idx.msk [tilespmem:v1+s11+$0x0], $0xffff  }
0x33: {  	v2 =	vld.idx.msk [tilespmem:v2+s2+$0x0], $0xffff;
	_ =	sdelay $0x4  }
0x34: {  	v2 =	vadd.f32 v3, v2;
	_ =	sdelay $0x1  }
0x35: {  	v3 =	vmul.f32 $2.000000030e-01, v2  }
0x36: {  	vm0 =	vge.f32 v2, $0.0e+00  }
0x37: {  	v2 =	vsel vm0, v2, v3  }
0x38: {  	v2 =	vmul.f32 $1.442695020e+00, v2;
	_ =	sdelay $0x1  }
0x39: {  	(erf) = vpow2.f32 v2;
	_ =	sdelay $0x8  }
0x3a: {  	v2 =	vpop (erf)  }
0x3b: {  	[tilespmem:s17+$0xC580] =	vst v2  }
0x3c: {  	[tilespmem:v1+s14+$0x0] =	vst.idx.add.f32.msk $0xffff, v2  }
0x3d: {  	[hbm4b:s7+s2] =	stream.linear.scatter [tilespmem:s15], [sflag:$0x1], $0x2780, $0x38;
	[tilespmem:$0xED00] =	vst v63  }
0x3e: {  	s16 =	sadd.s32 $0x1, s16;
	_ =	swait.ge [sflag:s10], $0x2780  }
0x3f: {  	p0 =	sne.s32 s16, s9;
	[sflag:s10] =	ssyncset.done $0x0  }
.Ltmp2:
0x40: {  	[sflag:s10] =	ssyncadd.s32 $0xFFFFD880;
	(pc) =	sbr.rel @p0 .LBB2_1-.Ltmp2, $4  }
0x41: {  	[hbm4b:s8+s2] =	stream.linear.scatter [tilespmem:s14], [sflag:$0x1], $0x2780, $0x38;
	[tilespmem:$0xED00] =	vst v63  }
0x42: {  	_ =	swait.ge [sflag:s10], $0x2780  }
0x43: {  	[sflag:s10] =	ssyncset.done $0x0  }
0x44: {  	[sflag:s10] =	ssyncadd.s32 $0xFFFFD880  }
0x45: {  	_ =	sfence.sel $0x180000  }
0x46: {  	[bflag:$0x0] =	sbarrier.arrive $0xFFFF  }
0x47: {  	p0 =	sne.s32 s0, $0x0;
	_ =	strace $0x90000047  }
0x48: {  	s0 =	sadd.s32 @!p0 $0x100000, s1;
	[bflag:$0x2] =	sbarrier.arrive $0xFFFF  }
0x49: {  	[sflag:s0] =	ssyncadd.tile.s32 @!p0 $0x1;
	_ =	shalt  }
.Lfunc_end2:
_tile_overlayer_lowered:
.L_overlay_start_2:
0x4a: {  	(tag) =	ssettag $0x2  }
0x4b: {  	s0 =	rddreg [dreg:$0x0];
	s2 =	stileid.u32  }
0x4c: {  	s1 =	rddreg [dreg:$0x1];
	p0 =	sne.s32 s2, $0x0  }
0x4d: {  	s3 =	rddreg [dreg:$0x2];
	[bflag:$0x3] =	sbarrier.arrive $0xFFFF;
	s2 =	simm.s32 @!p0 $0x1C01  }
0x4e: {  	[timem:s3], [sflag:s2] =	dma.local @!p0 [hbm:s0], s1  }
0x4f: {  	s0 =	simm.s32 @!p0 $0x1  }
0x50: {  	_ =	swait.ge @!p0 [sflag:s0], s1  }
0x51: {  	s1 =	ssub.s32 @!p0 $0x0, s1;
	[sflag:s0] =	ssyncset.done @!p0 $0x0  }
0x52: {  	[sflag:s0] =	ssyncadd.s32 @!p0 s1  }
0x53: {  	[bflag:$0x3] =	sbarrier.arrive $0xFFFF  }
0x54: {  	_ =	shalt  }

// kernel: kernel.9.cloned.1.call-start
scs
__scs_entry_jumppad:
0x0: {  	(pc) =	sbr.rel $0x88, $3  }
0x1: {  	(tag) =	ssettag $0x0;
	lr =	simm.s32 $0x1  }
0x2: {  	[smem:$0x3F9B] =	sst lr;
	_ =	strace $0xD0000000  }
0x3: {  	_ = 	snop  }
0x4: {  	_ = 	snop  }
0x5: {  	_ = 	snop  }
0x6: {  	_ = 	snop  }
0x7: {  	_ = 	snop  }
__scs_overlays_trampoline_lowered:
0x8: {  	[smem:$0x3FAA] =	sst s0  }
0x9: {  	[smem:$0x3FAB] =	sst s1  }
0xa: {  	[smem:$0x3FAC] =	sst s2  }
0xb: {  	[smem:$0x3FAD] =	sst s3  }
0xc: {  	[smem:$0x3FAE] =	sst s4  }
0xd: {  	[smem:$0x3FAF] =	sst s5  }
0xe: {  	[smem:$0x3FB0] =	sst s6  }
0xf: {  	[smem:$0x3FB1] =	sst s7  }
0x10: {  	[smem:$0x3FB2] =	sst s8  }
0x11: {  	[smem:$0x3FB3] =	sst s9;
	s0 =	simm.s32 @!p0 $0x0  }
0x12: {  	s1 =	sld [smem:$0x3F99];
	s0 =	simm.s32 @p0 $0x1  }
0x13: {  	[smem:$0x3FB4] =	sst s0;
	s0 =	simm.s32 @!p1 $0x0  }
0x14: {  	s2 =	sld [smem:$0x3F98];
	s0 =	simm.s32 @p1 $0x1  }
0x15: {  	[smem:$0x3FB5] =	sst s0;
	s0 =	simm.s32 @!p2 $0x0  }
0x16: {  	s3 =	sld [smem:$0x3FDB];
	s0 =	simm.s32 @p2 $0x1  }
0x17: {  	s4 =	simm.s32 $0x1BF5;
	[smem:$0x3FB7] =	sst s0  }
0x18: {  	s0 =	sld [smem:$0x3F9A];
	_ =	swait.ge [sflag:s4], $0x0  }
0x19: {  	s7 =	sld [smem:$0x3F9B]  }
0x1a: {  	s8 =	sadd.s32 $0xFFFFE003, lr  }
0x1b: {  	s9 =	sadd.s32 $0xFFFFFEF7, lr;
	s5 =	simm.s32 $0xFFFFFFFF;
	p2 =	slt.u32 s8, $0xFFFFF086  }
0x1c: {  	p1 =	slt.u32 s9, $0xF7A;
	s5 =	simm.s32 @!p2 $0x0  }
0x1d: {  	s5 =	simm.s32 @p1 $0x1;
	p0 =	seq.s32 s7, s2  }
0x1e: {  	s7 =	smul.u32 @!p0 $0xF7A, s2;
	p2 =	seq.s32 @!p0 s5, $0x0  }
0x1f: {  	s9 =	smul.u32 $0xF7A, s1;
	s8 =	simm.s32 @!p0 $0x1BF5;
	p2 =	por !p2, p0  }
0x20: {  	[sflag:s8] =	ssyncset.s32 @!p0 $0xFFFFF086;
	s6 =	sadd.s32 @!p0 s3, s7;
	s7 =	simm.s32 @!p0 $0x108  }
0x21: {  	s3 =	sadd.s32 s3, s9;
	s6 =	sadd.s32 @!p0 $0x88, s6;
	s7 =	simm.s32 @p2 $0x1082  }
0x22: {  	[simem:s7], [sflag:s8] =	dma.local @!p0 [hbm:s6], $0xF7A  }
0x23: {  	s9 =	sor.u32 $0xD0000000, s2;
	s6 =	simm.s32 $0x108;
	_ =	swait.ge @!p0 [sflag:s8], $0x0  }
0x24: {  	s3 =	sadd.s32 $0x88, s3;
	s6 =	simm.s32 @!p1 $0x1082;
	[sflag:s4] =	ssyncset.s32 $0xFFFFF086  }
0x25: {  	[simem:s6], [sflag:s4] =	dma.local [hbm:s3], $0xF7A  }
0x26: {  	[smem:$0x3F9B] =	sst s1;
	(tag) =	ssettag s2;
	_ =	strace s9  }
0x27: {  	s1 =	sld [smem:$0x3FAB]  }
0x28: {  	s2 =	sld [smem:$0x3FAC]  }
0x29: {  	s4 =	sld [smem:$0x3FAE]  }
0x2a: {  	p0 =	seq.s32 s5, $0x0;
	s5 =	sld [smem:$0x3FAF]  }
0x2b: {  	s6 =	sld [smem:$0x3FB0]  }
0x2c: {  	s7 =	sld [smem:$0x3FB1]  }
0x2d: {  	s3 =	simm.s32 $0x108;
	s8 =	sld [smem:$0x3FB2]  }
0x2e: {  	s3 =	simm.s32 @!p0 $0x1082;
	s9 =	sld [smem:$0x3FB3]  }
0x2f: {  	lr =	sadd.s32 s0, s3;
	s0 =	sld [smem:$0x3FAA]  }
0x30: {  	s3 =	sld [smem:$0x3FAD]  }
0x31: {  	[smem:$0x3FB6] =	sst s10  }
0x32: {  	s10 =	sld [smem:$0x3FB4];
	_ =	sdelay $0x3  }
0x33: {  	p0 =	seq.s32 s10, $0x1;
	s10 =	sld [smem:$0x3FB6];
	_ =	sdelay $0x3  }
0x34: {  	[smem:$0x3FB6] =	sst s10  }
0x35: {  	s10 =	sld [smem:$0x3FB5];
	_ =	sdelay $0x3  }
0x36: {  	p1 =	seq.s32 s10, $0x1;
	s10 =	sld [smem:$0x3FB6];
	_ =	sdelay $0x3  }
0x37: {  	[smem:$0x3FB6] =	sst s10  }
0x38: {  	s10 =	sld [smem:$0x3FB7]  }
0x39: {  	_ = 	snop;
	(pc) =	sbr.ind lr, $3  }
0x3a: {  	_ = 	snop  }
0x3b: {  	_ = 	snop  }
0x3c: {  	p2 =	seq.s32 s10, $0x1;
	s10 =	sld [smem:$0x3FB6]  }
0x3d: {  	_ =	shalt  }
0x3e: {  	_ =	shalt  }
0x3f: {  	_ =	shalt  }
0x40: {  	_ =	shalt  }
0x41: {  	_ =	shalt  }
0x42: {  	_ =	shalt  }
0x43: {  	_ =	shalt  }
0x44: {  	_ =	shalt  }
0x45: {  	_ =	shalt  }
0x46: {  	_ =	shalt  }
0x47: {  	_ =	shalt  }
0x48: {  	_ =	shalt  }
0x49: {  	_ =	shalt  }
0x4a: {  	_ =	shalt  }
0x4b: {  	_ =	shalt  }
0x4c: {  	_ =	shalt  }
0x4d: {  	_ =	shalt  }
0x4e: {  	_ =	shalt  }
0x4f: {  	_ =	shalt  }
0x50: {  	_ =	shalt  }
0x51: {  	_ =	shalt  }
0x52: {  	_ =	shalt  }
0x53: {  	_ =	shalt  }
0x54: {  	_ =	shalt  }
0x55: {  	_ =	shalt  }
0x56: {  	_ =	shalt  }
0x57: {  	_ =	shalt  }
0x58: {  	_ =	shalt  }
0x59: {  	_ =	shalt  }
0x5a: {  	_ =	shalt  }
0x5b: {  	_ =	shalt  }
0x5c: {  	_ =	shalt  }
0x5d: {  	_ =	shalt  }
0x5e: {  	_ =	shalt  }
0x5f: {  	_ =	shalt  }
0x60: {  	_ =	shalt  }
0x61: {  	_ =	shalt  }
0x62: {  	_ =	shalt  }
0x63: {  	_ =	shalt  }
0x64: {  	_ =	shalt  }
0x65: {  	_ =	shalt  }
0x66: {  	_ =	shalt  }
0x67: {  	_ =	shalt  }
0x68: {  	_ =	shalt  }
0x69: {  	_ =	shalt  }
0x6a: {  	_ =	shalt  }
0x6b: {  	_ =	shalt  }
0x6c: {  	_ =	shalt  }
0x6d: {  	_ =	shalt  }
0x6e: {  	_ =	shalt  }
0x6f: {  	_ =	shalt  }
0x70: {  	_ =	shalt  }
0x71: {  	_ =	shalt  }
0x72: {  	_ =	shalt  }
0x73: {  	_ =	shalt  }
0x74: {  	_ =	shalt  }
0x75: {  	_ =	shalt  }
0x76: {  	_ =	shalt  }
0x77: {  	_ =	shalt  }
0x78: {  	_ =	shalt  }
0x79: {  	_ =	shalt  }
0x7a: {  	_ =	shalt  }
0x7b: {  	_ =	shalt  }
0x7c: {  	_ =	shalt  }
0x7d: {  	_ =	shalt  }
0x7e: {  	_ =	shalt  }
0x7f: {  	_ =	shalt  }
0x80: {  	_ =	shalt  }
0x81: {  	_ =	shalt  }
0x82: {  	_ =	shalt  }
0x83: {  	_ =	shalt  }
0x84: {  	_ =	shalt  }
0x85: {  	_ =	shalt  }
0x86: {  	_ =	shalt  }
0x87: {  	_ =	shalt  }
.Lfunc_end0:
.L_simem_size_0:
called_computation.1_lowered:
.L_overlay_start_0:
0x88: {  	s2 =	sld [smem:$0x3FD9]  }
0x89: {  	s3 =	sld [smem:$0x3FFE];
	_ =	sdelay $0x1  }
0x8a: {  	s1 =	srdreg.scid  }
0x8b: {  	s0 =	sand.u32 $0x1, s1  }
0x8c: {  	s17 =	sshll.u32 s0, $0xA;
	s2 =	sadd.s32 s3, s2  }
0x8d: {  	s2 =	sadd.s32 s2, s17  }
0x8e: {  	[smem:$0x3FC2] =	sst s2  }
0x8f: {  	_ = 	snop  }
0x90: {  	s2 =	sld [smem:$0x3FD0];
	(tm) =	ssettm $0x1  }
0x91: {  	s18 =	sld [smem:$0x3FFB];
	_ =	sdelay $0x3  }
0x92: {  	_ =	strace s18  }
0x93: {  	s3 =	sld [smem:$0x3FFC];
	_ =	sdelay $0x3  }
0x94: {  	_ =	strace s3  }
0x95: {  	s3 =	sld [smem:$0x3FFD];
	_ =	sdelay $0x3  }
0x96: {  	_ =	strace s3  }
0x97: {  	_ =	strace $0x8FFFFFFF  }
0x98: {  	s19 =	sld [smem:$0x3FDB];
	_ =	sdelay $0x1  }
0x99: {  	s4 =	simm.s32 $_scs_section_size  }
0x9a: {  	s5 =	simm.s32 $_size__tile_overlayer_lowered;
	s6 =	simm.s32 $_tile_overlayer_lowered  }
0x9b: {  	s22 =	simm.s32 $0x1BFF;
	s21 =	sshll.u32 s6, $0x1;
	s3 =	sadd.s32 s4, s19  }
0x9c: {  	s7 =	simm.s32 $0x0;
	s20 =	sshll.u32 s5, $0x1;
	s5 =	sadd.s32 s21, s3  }
0x9d: {  	[timem:s7], [sflag:s22] =	dma.local [hbm:s5], s20  }
0x9e: {  	_ =	swait.ge [sflag:s22], s20  }
0x9f: {  	s4 =	ssub.s32 $0x0, s20;
	[sflag:s22] =	ssyncset.done $0x0  }
0xa0: {  	[sflag:s22] =	ssyncadd.s32 s4;
	_ =	sdelay $0x1  }
0xa1: {  	s23 =	simm.s32 $0x1B8B  }
0xa2: {  	_ =	swait.ge [sflag:s23], $0x1  }
0xa3: {  	[sflag:s23] =	ssyncset.done $0x0  }
0xa4: {  	s25 =	simm.s32 $0x1B8E;
	s24 =	sld [smem:$0x3FFE];
	[sflag:s23] =	ssyncadd.s32 $0xFFFFFFFF  }
0xa5: {  	s26 =	simm.s32 $execute0_lowered;
	[smem:$0x3FD2] =	sst s25  }
0xa6: {  	s5 =	sshll.u32 s26, $0x1;
	_ =	strace $0x80000049;
	[dreg:$0x1] =	wrdreg $0xFFFFFFFF  }
0xa7: {  	s28 =	simm.s32 $_size_execute0_lowered;
	s3 =	sadd.s32 s3, s5;
	[dreg:$0x0] =	wrdreg $0x0  }
0xa8: {  	s5 =	sshll.u32 s28, $0x1;
	[dreg:$0x2] =	wrdreg s3  }
0xa9: {  	[dreg:$0x3] =	wrdreg s5  }
0xaa: {  	[dreg:$0x4] =	wrdreg $0xC0  }
0xab: {  	_ =	task [dreg:s7], $0x5FFFF  }
0xac: {  	[dreg:$0x1] =	wrdreg $0xFFFFFFFF  }
0xad: {  	[dreg:$0x0] =	wrdreg $0x60  }
0xae: {  	[dreg:$0x2] =	wrdreg s2  }
0xaf: {  	[dreg:$0x3] =	wrdreg s24  }
0xb0: {  	[dreg:$0x4] =	wrdreg $0x53000  }
0xb1: {  	[dreg:$0x5] =	wrdreg $0x9  }
0xb2: {  	_ =	task.clear_ibuf [dreg:s7], $0x6FFFF;
	_ =	strace $0x90000049  }
0xb3: {  	s29 =	simm.s32 $0x9;
	_ =	strace $0x8000004B  }
0xb4: {  	_ =	swait.ge [sflag:s29], $0x1  }
0xb5: {  	[sflag:s29] =	ssyncadd.s32 $0xFFFFFFFF  }
0xb6: {  	_ =	strace $0x9000004B  }
0xb7: {  	_ =	sfence  }
0xb8: {  	s30 =	sld [smem:$0x0];
	_ =	sdelay $0x2  }
0xb9: {  	s31 =	sshll.u32 s1, $0xD;
	s1 =	sshrl.u32 s1, $0x2  }
0xba: {  	s3 =	sand.u32 $0x4000, s31;
	s1 =	sadd.s32 s1, s30  }
0xbb: {  	s0 =	sor.u32 s3, s0;
	s1 =	sshll.u32 s1, $0x11  }
0xbc: {  	s0 =	sor.u32 s1, s0  }
0xbd: {  	s0 =	sadd.s32 $0x8F2B, s0  }
0xbe: {  	[sflag:s0] =	ssyncadd.remote.s32 $0x1  }
0xbf: {  	_ =	sfence.sel $0xFFFF  }
0xc0: {  	[dreg:$0x0] =	wrdreg $0xFFFFFFFF;
	(pc) =	sbr.abs _section_cstart, $3  }
0xc1: {  	[dreg:$0x1] =	wrdreg $0xFFFFFFFF  }
0xc2: {  	_ =	task.clear_ibuf [dreg:s7], $0x2FFFF;
	_ =	strace $0x9FFFFFFF  }
0xc3: {  	(tm) =	ssettm $0x7FFFFFFF  }
tec
execute0_lowered:
.L_overlay_start_1:
0x0: {  	(tag) =	ssettag $0x1  }
0x1: {  	s1 =	rddreg [dreg:$0x0]  }
0x2: {  	s0 =	rddreg [dreg:$0x1]  }
0x3: {  	s2 =	rddreg [dreg:$0x2];
	s3 =	simm.s32 $0x0  }
0x4: {  	s4 =	srdreg.scid;
	s16 =	stileid.u32;
	s28 =	simm.s32 $0x100  }
0x5: {  	s29 =	simm.s32 $0x200;
	s30 =	simm.s32 $0x50;
	s31 =	simm.s32 $0x80  }
0x6: {  	[smem:$0x7FF] =	sst s3;
	s5 =	sadd.s32 $0x4F800, s0;
	s6 =	sadd.s32 $0x5F200, s0  }
0x7: {  	s4 =	sand.u32 $0x1, s4;
	s8 =	sshll.u32 s16, $0x1;
	s9 =	smul.u32 $0x4E000, s16  }
0x8: {  	s7 =	sadd.s32 $0x27400, s0;
	s20 =	smul.u32 $0x13800, s16;
	s8 =	sor.u32 s4, s8  }
0x9: {  	s0 =	sadd.s32 $0x6EC00, s0;
	s11 =	smul.u32 $0x7D, s8;
	s9 =	sshrl.u32 s9, $0x2  }
0xa: {  	p0 =	sne.s32 s16, $0xF;
	s13 =	smul.u32 $0x7D0, s8;
	s8 =	sadd.s32 s9, s2  }
0xb: {  	_ =	strace $0x8000004A;
	s10 =	ssub.s32 $0x2, s4;
	s9 =	sadd.s32 $0x11800, s8  }
0xc: {  	s4 =	smul.u32 $0x138800, s4;
	s14 =	sadd.s32 s5, s13;
	[dreg:$0x4] =	wrdreg s9  }
0xd: {  	s12 =	sshrl.u32 s10, $0x1;
	s21 =	sadd.s32 s6, s13;
	[dreg:$0x5] =	wrdreg s14  }
0xe: {  	s12 =	ssub.s32 s10, s12;
	s13 =	sadd.s32 s7, s13;
	[dreg:$0x6] =	wrdreg s21  }
0xf: {  	s10 =	sadd.s32 $0x138000, s2;
	s23 =	smax.u32 s12, $0x1;
	[dreg:$0x7] =	wrdreg s13  }
0x10: {  	s15 =	sadd.s32 $0x2, s11;
	s24 =	sadd.s32 $0x2800, s8;
	[dreg:$0xa] =	wrdreg s23  }
0x11: {  	s25 =	sadd.s32 $0x5000, s8;
	s26 =	sadd.s32 $0x7800, s8;
	[dreg:$0xb] =	wrdreg s24  }
0x12: {  	s12 =	simm.s32 $0x2;
	s14 =	sadd.s32 $0x1, s11;
	[dreg:$0xc] =	wrdreg s25  }
0x13: {  	s9 =	sadd.s32 s20, s4;
	s4 =	sshrl.u32 s4, $0x3;
	[dreg:$0xd] =	wrdreg s26  }
0x14: {  	s23 =	sadd.s32 $0xC800, s8;
	s24 =	sadd.s32 $0xF000, s8;
	s25 =	simm.s32 $0x300  }
0x15: {  	s26 =	simm.s32 $0x3;
	s9 =	sshrl.u32 s9, $0x3;
	s4 =	sadd.s32 s0, s4  }
0x16: {  	s11 =	simm.s32 $0x1;
	s0 =	sadd.s32 s0, s9;
	s22 =	sadd.s32 $0x27000, s4  }
0x17: {  	s4 =	simm.s32 $0x280;
	s9 =	simm.s32 $0x2B00;
	[dreg:$0x8] =	wrdreg s0  }
0x18: {  	v0 =	vimm.f32 $0.0e+00;
	[dreg:$0x9] =	wrdreg s22;
	s22 =	sadd.s32 $0xA000, s8;
	s0 =	simm.s32 $0x180  }
.LBB2_1:
0x19: {  	s13 =	simm.s32 $0x0;
	s16 =	simm.s32 $0x200  }
.LBB2_2:
0x1a: {  	p1 =	sne.s32 s16, $0x9E00;
	[tilespmem:s13+$0x370] =	vst v0  }
0x1b: {  	[tilespmem:s13+$0x300] =	vst v0  }
0x1c: {  	[tilespmem:s13+$0x310] =	vst v0  }
.Ltmp0:
0x1d: {  	[tilespmem:s13+$0x320] =	vst v0;
	(pc) =	sbr.rel @p1 .LBB2_2-.Ltmp0, $4  }
0x1e: {  	[tilespmem:s13+$0x330] =	vst v0  }
0x1f: {  	[tilespmem:s13+$0x340] =	vst v0  }
0x20: {  	[tilespmem:s13+$0x350] =	vst v0  }
0x21: {  	[tilespmem:s13+$0x360] =	vst v0;
	s13 =	sshra.s32 s16, $0x2;
	s16 =	sadd.s32 $0x200, s16  }
0x22: {  	[tilespmem:s13+$0x370] =	vst v0  }
0x23: {  	[tilespmem:s13+$0x300] =	vst v0  }
0x24: {  	[tilespmem:s13+$0x310] =	vst v0  }
0x25: {  	[tilespmem:s13+$0x320] =	vst v0  }
0x26: {  	[tilespmem:s13+$0x330] =	vst v0  }
0x27: {  	[tilespmem:s13+$0x340] =	vst v0  }
0x28: {  	[tilespmem:s13+$0x350] =	vst v0  }
0x29: {  	[tilespmem:s13+$0x360] =	vst v0  }
0x2a: {  	[spmem:s8] =	stream.linear.scatter [tilespmem:s25], [sflag:$0x3], $0x2800, $0x38;
	[tilespmem:$0x18B80] =	vst v63  }
0x2b: {  	_ =	swait.ge [sflag:s26], $0x2800  }
0x2c: {  	[sflag:s26] =	ssyncset.done $0x0  }
0x2d: {  	s16 =	rddreg [dreg:$0xb];
	[sflag:s26] =	ssyncadd.s32 $0xFFFFD800  }
0x2e: {  	[spmem:s16] =	stream.linear.scatter [tilespmem:s25], [sflag:$0x3], $0x2800, $0x38;
	[tilespmem:$0x18B80] =	vst v63  }
0x2f: {  	_ =	swait.ge [sflag:s26], $0x2800  }
0x30: {  	[sflag:s26] =	ssyncset.done $0x0  }
0x31: {  	s17 =	rddreg [dreg:$0xc];
	[sflag:s26] =	ssyncadd.s32 $0xFFFFD800  }
0x32: {  	[spmem:s17] =	stream.linear.scatter [tilespmem:s25], [sflag:$0x3], $0x2800, $0x38;
	[tilespmem:$0x18B80] =	vst v63  }
0x33: {  	_ =	swait.ge [sflag:s26], $0x2800  }
0x34: {  	[sflag:s26] =	ssyncset.done $0x0  }
0x35: {  	s18 =	rddreg [dreg:$0xd];
	[sflag:s26] =	ssyncadd.s32 $0xFFFFD800  }
0x36: {  	[spmem:s18] =	stream.linear.scatter [tilespmem:s25], [sflag:$0x3], $0x2800, $0x38;
	[tilespmem:$0x18B80] =	vst v63  }
0x37: {  	_ =	swait.ge [sflag:s26], $0x2800  }
0x38: {  	[sflag:s26] =	ssyncset.done $0x0  }
0x39: {  	[sflag:s26] =	ssyncadd.s32 $0xFFFFD800  }
0x3a: {  	[spmem:s22] =	stream.linear.scatter [tilespmem:s25], [sflag:$0x3], $0x2800, $0x38;
	[tilespmem:$0x18B80] =	vst v63  }
0x3b: {  	_ =	swait.ge [sflag:s26], $0x2800  }
0x3c: {  	[sflag:s26] =	ssyncset.done $0x0  }
0x3d: {  	[sflag:s26] =	ssyncadd.s32 $0xFFFFD800  }
0x3e: {  	[spmem:s23] =	stream.linear.scatter [tilespmem:s25], [sflag:$0x3], $0x2800, $0x38;
	[tilespmem:$0x18B80] =	vst v63  }
0x3f: {  	_ =	swait.ge [sflag:s26], $0x2800  }
0x40: {  	[sflag:s26] =	ssyncset.done $0x0  }
0x41: {  	[sflag:s26] =	ssyncadd.s32 $0xFFFFD800  }
0x42: {  	[spmem:s24] =	stream.linear.scatter [tilespmem:s25], [sflag:$0x3], $0x2800, $0x38;
	[tilespmem:$0x18B80] =	vst v63  }
0x43: {  	_ =	swait.ge [sflag:s26], $0x2800  }
0x44: {  	[sflag:s26] =	ssyncset.done $0x0  }
0x45: {  	s19 =	rddreg [dreg:$0x4];
	[sflag:s26] =	ssyncadd.s32 $0xFFFFD800  }
0x46: {  	[spmem:s19] =	stream.linear.scatter [tilespmem:s25], [sflag:$0x3], $0x2000, $0x38;
	[tilespmem:$0x18B80] =	vst v63  }
0x47: {  	_ =	swait.ge [sflag:s26], $0x2000  }
0x48: {  	[sflag:s26] =	ssyncset.done $0x0  }
0x49: {  	s13 =	simm.s32 @!p0 $0x300;
	[sflag:s26] =	ssyncadd.s32 $0xFFFFE000  }
0x4a: {  	[spmem:s10] =	stream.linear.scatter @!p0 [tilespmem:s13], [sflag:$0x3], $0x800, $0x38;
	[tilespmem:$0x18B80] =	vst v63  }
0x4b: {  	s13 =	simm.s32 @!p0 $0x3  }
0x4c: {  	_ =	swait.ge @!p0 [sflag:s13], $0x800  }
0x4d: {  	[sflag:s13] =	ssyncset.done @!p0 $0x0  }
0x4e: {  	[sflag:s13] =	ssyncadd.s32 @!p0 $0xFFFFF800  }
0x4f: {  	[bflag:$0x0] =	sbarrier.arrive $0xFFFF  }
0x50: {  	s13 =	simm.s32 $0x0;
	s16 =	rddreg [dreg:$0x5]  }
0x51: {  	[tilespmem:s13], [sflag:$0x3] =	stream.linear.gather [hbm4b:s16+s13], $0x80, $0x38;
	[tilespmem:$0x18B80] =	vst v63  }
0x52: {  	_ =	swait.ge [sflag:s26], $0x80  }
0x53: {  	[sflag:s26] =	ssyncset.done $0x0  }
0x54: {  	s20 =	rddreg [dreg:$0x6];
	[sflag:s26] =	ssyncadd.s32 $0xFFFFFF80  }
0x55: {  	[tilespmem:s28], [sflag:$0x3] =	stream.linear.gather [hbm4b:s20+s13], $0x80, $0x38;
	[tilespmem:$0x18B80] =	vst v63  }
0x56: {  	_ =	swait.ge [sflag:s26], $0x80  }
0x57: {  	[sflag:s26] =	ssyncset.done $0x0  }
0x58: {  	s21 =	rddreg [dreg:$0x7];
	[sflag:s26] =	ssyncadd.s32 $0xFFFFFF80  }
0x59: {  	[tilespmem:s29], [sflag:$0x3] =	stream.linear.gather [hbm4b:s21+s13], $0x80, $0x38;
	[tilespmem:$0x18B80] =	vst v63  }
0x5a: {  	_ =	swait.ge [sflag:s26], $0x80  }
0x5b: {  	[sflag:s26] =	ssyncset.done $0x0  }
0x5c: {  	s16 =	simm.s32 $0x0;
	[sflag:s26] =	ssyncadd.s32 $0xFFFFFF80  }
0x5d: {  	[tilespmem:s25], [sflag:$0x1] =	stream.indirect.gather [hbm4b:s1+s30], $0x80, s13, s30, $0xb8;
	[tilespmem:$0x18B80] =	vst v63  }
.LBB2_4:
0x5e: {  	s17 =	sshll.u32 s16, $0x1  }
0x5f: {  	s18 =	sadd.s32 s17, s14  }
0x60: {  	s18 =	sshll.u32 s18, $0x4  }
0x61: {  	s18 =	sand.u32 $0x1FFFFFF0, s18  }
0x62: {  	s19 =	sadd.s32 s5, s18  }
0x63: {  	[tilespmem:s31], [sflag:$0x3] =	stream.linear.gather [hbm4b:s19+s13], $0x80, $0x38;
	[tilespmem:$0x18B80] =	vst v63  }
0x64: {  	_ =	swait.ge [sflag:s26], $0x80  }
0x65: {  	[sflag:s26] =	ssyncset.done $0x0  }
0x66: {  	s21 =	sadd.s32 s6, s18;
	[sflag:s26] =	ssyncadd.s32 $0xFFFFFF80  }
0x67: {  	[tilespmem:s0], [sflag:$0x3] =	stream.linear.gather [hbm4b:s21+s13], $0x80, $0x38;
	[tilespmem:$0x18B80] =	vst v63  }
0x68: {  	_ =	swait.ge [sflag:s26], $0x80  }
0x69: {  	[sflag:s26] =	ssyncset.done $0x0  }
0x6a: {  	s18 =	sadd.s32 s7, s18;
	[sflag:s26] =	ssyncadd.s32 $0xFFFFFF80  }
0x6b: {  	[tilespmem:s4], [sflag:$0x3] =	stream.linear.gather [hbm4b:s18+s13], $0x80, $0x38;
	[tilespmem:$0x18B80] =	vst v63  }
0x6c: {  	_ =	swait.ge [sflag:s26], $0x80  }
0x6d: {  	[sflag:s26] =	ssyncset.done $0x0  }
0x6e: {  	[sflag:s26] =	ssyncadd.s32 $0xFFFFFF80  }
0x6f: {  	[tilespmem:s9], [sflag:$0x2] =	stream.indirect.gather [hbm4b:s1+s30], $0x80, s31, s30, $0xb8;
	[tilespmem:$0x18B80] =	vst v63  }
0x70: {  	_ =	swait.ge [sflag:s11], $0x2800  }
0x71: {  	v1 =	vmov s13;
	[sflag:s11] =	ssyncset.done $0x0  }
0x72: {  	s18 =	simm.s32 $0x340;
	[sflag:s11] =	ssyncadd.s32 $0xFFFFD800  }
0x73: {  	v5 =	vld [tilespmem:s18+$0x30]  }
0x74: {  	v8 =	vld [tilespmem:s18+$0x10]  }
0x75: {  	v6 =	vld [tilespmem:s18+$0xFFFFFFC0]  }
0x76: {  	v2 =	vld.idx.msk [tilespmem:v1+s29+$0x0], $0xffff  }
0x77: {  	v10 =	vld [tilespmem:s18+$0xFFFFFFE0]  }
0x78: {  	v1 =	vld [tilespmem:s18+$0xFFFFFFF0]  }
0x79: {  	v3 =	vld [tilespmem:s18+$0x20]  }
0x7a: {  	v4 =	vld [tilespmem:s18+$0xFFFFFFD0]  }
0x7b: {  	v9 =	vmul.f32 v5, v2;
	v5 =	vld [tilespmem:s18+$0x0]  }
0x7c: {  	v7 =	vmul.f32 v6, v2  }
0x7d: {  	s20 =	simm.s32 $0x340;
	s19 =	simm.s32 $0x1;
	v6 =	vmul.f32 v10, v2;
	v8 =	vmul.f32 v8, v2  }
.LBB2_5:
0x7e: {  	p1 =	sne.s32 s19, $0x4F  }
0x7f: {  	v4 =	vmul.f32 v4, v2;
	v3 =	vmul.f32 v3, v2;
	[tilespmem:s18+$0x30] =	vst v9;
	s20 =	sadd.s32 $0x80, s20;
	s21 =	smov.u32 s19;
	s19 =	sadd.s32 $0x1, s19  }
0x80: {  	[tilespmem:s18+$0xFFFFFFC0] =	vst v7;
	v7 =	vmul.f32 v1, v2;
	v2 =	vmul.f32 v5, v2  }
0x81: {  	[tilespmem:s18+$0x10] =	vst v8  }
0x82: {  	v5 =	vmov s21;
	[tilespmem:s18+$0xFFFFFFE0] =	vst v6  }
0x83: {  	v1 =	vld [tilespmem:s20+$0xFFFFFFF0];
	[tilespmem:s18+$0xFFFFFFF0] =	vst v7  }
0x84: {  	v6 =	vld [tilespmem:s20+$0x30];
	[tilespmem:s18+$0x0] =	vst v2  }
0x85: {  	v8 =	vld [tilespmem:s20+$0x10];
	[tilespmem:s18+$0x20] =	vst v3  }
0x86: {  	v7 =	vld [tilespmem:s20+$0xFFFFFFC0];
	[tilespmem:s18+$0xFFFFFFD0] =	vst v4;
	s18 =	smov.u32 s20  }
0x87: {  	v2 =	vld.idx.msk [tilespmem:v5+s29+$0x0], $0xffff  }
0x88: {  	v10 =	vld [tilespmem:s20+$0xFFFFFFE0]  }
0x89: {  	v3 =	vld [tilespmem:s20+$0x20]  }
.Ltmp1:
0x8a: {  	v4 =	vld [tilespmem:s20+$0xFFFFFFD0];
	(pc) =	sbr.rel @p1 .LBB2_5-.Ltmp1, $3  }
0x8b: {  	v5 =	vld [tilespmem:s20+$0x0];
	_ =	sdelay $0x1  }
0x8c: {  	v7 =	vmul.f32 v7, v2;
	v9 =	vmul.f32 v6, v2  }
0x8d: {  	v8 =	vmul.f32 v8, v2;
	v6 =	vmul.f32 v10, v2  }
0x8e: {  	[tilespmem:s18+$0x30] =	vst v9  }
0x8f: {  	[tilespmem:s18+$0xFFFFFFC0] =	vst v7  }
0x90: {  	v1 =	vmul.f32 v1, v2;
	[tilespmem:s18+$0x10] =	vst v8  }
0x91: {  	v3 =	vmul.f32 v3, v2;
	[tilespmem:s18+$0xFFFFFFE0] =	vst v6  }
0x92: {  	v5 =	vmul.f32 v5, v2;
	[tilespmem:s18+$0xFFFFFFF0] =	vst v1  }
0x93: {  	v1 =	vmul.f32 v4, v2;
	[tilespmem:s18+$0x20] =	vst v3  }
0x94: {  	[tilespmem:s18+$0x0] =	vst v5  }
0x95: {  	s17 =	sadd.s32 s17, s15;
	[tilespmem:s18+$0xFFFFFFD0] =	vst v1  }
0x96: {  	[spmem:s2] =	stream.indirect.scatter.add.f32 [tilespmem:s25], [sflag:$0x3], $0x80, s28, s30, $0xb8;
	[tilespmem:$0x18B80] =	vst v63  }
0x97: {  	s17 =	sshll.u32 s17, $0x4;
	_ =	swait.ge [sflag:s26], $0x2800  }
0x98: {  	s17 =	sand.u32 $0x1FFFFFF0, s17;
	[sflag:s26] =	ssyncset.done $0x0  }
0x99: {  	s19 =	simm.s32 $0x0;
	s20 =	sadd.s32 s5, s17;
	[sflag:s26] =	ssyncadd.s32 $0xFFFFD800  }
0x9a: {  	[tilespmem:s19], [sflag:$0x3] =	stream.linear.gather [hbm4b:s20+s19], $0x80, $0x38;
	[tilespmem:$0x18B80] =	vst v63  }
0x9b: {  	_ =	swait.ge [sflag:s26], $0x80  }
0x9c: {  	[sflag:s26] =	ssyncset.done $0x0  }
0x9d: {  	s21 =	sadd.s32 s6, s17;
	[sflag:s26] =	ssyncadd.s32 $0xFFFFFF80  }
0x9e: {  	[tilespmem:s28], [sflag:$0x3] =	stream.linear.gather [hbm4b:s21+s19], $0x80, $0x38;
	[tilespmem:$0x18B80] =	vst v63  }
0x9f: {  	_ =	swait.ge [sflag:s26], $0x80  }
0xa0: {  	[sflag:s26] =	ssyncset.done $0x0  }
0xa1: {  	s17 =	sadd.s32 s7, s17;
	[sflag:s26] =	ssyncadd.s32 $0xFFFFFF80  }
0xa2: {  	[tilespmem:s29], [sflag:$0x3] =	stream.linear.gather [hbm4b:s17+s19], $0x80, $0x38;
	[tilespmem:$0x18B80] =	vst v63  }
0xa3: {  	_ =	swait.ge [sflag:s26], $0x80  }
0xa4: {  	[sflag:s26] =	ssyncset.done $0x0  }
0xa5: {  	[sflag:s26] =	ssyncadd.s32 $0xFFFFFF80  }
0xa6: {  	[tilespmem:s25], [sflag:$0x1] =	stream.indirect.gather [hbm4b:s1+s30], $0x80, s19, s30, $0xb8;
	[tilespmem:$0x18B80] =	vst v63  }
0xa7: {  	v1 =	vmov s19;
	_ =	swait.ge [sflag:s12], $0x2800  }
0xa8: {  	[sflag:s12] =	ssyncset.done $0x0  }
0xa9: {  	s17 =	simm.s32 $0x2B70;
	[sflag:s12] =	ssyncadd.s32 $0xFFFFD800  }
0xaa: {  	v5 =	vld [tilespmem:s17+$0x0]  }
0xab: {  	v8 =	vld [tilespmem:s17+$0xFFFFFFE0]  }
0xac: {  	v1 =	vld.idx.msk [tilespmem:v1+s4+$0x0], $0xffff  }
0xad: {  	v6 =	vld [tilespmem:s17+$0xFFFFFF90]  }
0xae: {  	v10 =	vld [tilespmem:s17+$0xFFFFFFB0]  }
0xaf: {  	v2 =	vld [tilespmem:s17+$0xFFFFFFF0]  }
0xb0: {  	v3 =	vld [tilespmem:s17+$0xFFFFFFC0]  }
0xb1: {  	v4 =	vld [tilespmem:s17+$0xFFFFFFA0]  }
0xb2: {  	v9 =	vmul.f32 v5, v1;
	v5 =	vld [tilespmem:s17+$0xFFFFFFD0]  }
0xb3: {  	v7 =	vmul.f32 v6, v1  }
0xb4: {  	s18 =	simm.s32 $0x1;
	s19 =	simm.s32 $0x2B70;
	v6 =	vmul.f32 v10, v1;
	v8 =	vmul.f32 v8, v1  }
.LBB2_7:
0xb5: {  	p1 =	sne.s32 s18, $0x4F  }
0xb6: {  	v4 =	vmul.f32 v4, v1;
	v10 =	vmul.f32 v2, v1;
	[tilespmem:s17+$0x0] =	vst v9;
	s19 =	sadd.s32 $0x80, s19;
	s20 =	smov.u32 s18;
	s18 =	sadd.s32 $0x1, s18  }
0xb7: {  	v3 =	vmul.f32 v3, v1;
	[tilespmem:s17+$0xFFFFFF90] =	vst v7;
	v1 =	vmul.f32 v5, v1  }
0xb8: {  	[tilespmem:s17+$0xFFFFFFE0] =	vst v8  }
0xb9: {  	v5 =	vmov s20;
	[tilespmem:s17+$0xFFFFFFB0] =	vst v6  }
0xba: {  	v2 =	vld [tilespmem:s19+$0xFFFFFFF0];
	[tilespmem:s17+$0xFFFFFFC0] =	vst v3  }
0xbb: {  	v6 =	vld [tilespmem:s19+$0x0];
	[tilespmem:s17+$0xFFFFFFD0] =	vst v1  }
0xbc: {  	v3 =	vld [tilespmem:s19+$0xFFFFFFC0];
	[tilespmem:s17+$0xFFFFFFF0] =	vst v10  }
0xbd: {  	v8 =	vld [tilespmem:s19+$0xFFFFFFE0];
	[tilespmem:s17+$0xFFFFFFA0] =	vst v4;
	s17 =	smov.u32 s19  }
0xbe: {  	v1 =	vld.idx.msk [tilespmem:v5+s4+$0x0], $0xffff  }
0xbf: {  	v7 =	vld [tilespmem:s19+$0xFFFFFF90]  }
0xc0: {  	v10 =	vld [tilespmem:s19+$0xFFFFFFB0]  }
.Ltmp2:
0xc1: {  	v4 =	vld [tilespmem:s19+$0xFFFFFFA0];
	(pc) =	sbr.rel @p1 .LBB2_7-.Ltmp2, $3  }
0xc2: {  	v5 =	vld [tilespmem:s19+$0xFFFFFFD0];
	_ =	sdelay $0x1  }
0xc3: {  	v9 =	vmul.f32 v6, v1;
	v7 =	vmul.f32 v7, v1  }
0xc4: {  	v8 =	vmul.f32 v8, v1;
	v6 =	vmul.f32 v10, v1  }
0xc5: {  	[tilespmem:s17+$0x0] =	vst v9  }
0xc6: {  	[tilespmem:s17+$0xFFFFFF90] =	vst v7  }
0xc7: {  	v3 =	vmul.f32 v3, v1;
	[tilespmem:s17+$0xFFFFFFE0] =	vst v8  }
0xc8: {  	v2 =	vmul.f32 v2, v1;
	[tilespmem:s17+$0xFFFFFFB0] =	vst v6  }
0xc9: {  	v5 =	vmul.f32 v5, v1;
	[tilespmem:s17+$0xFFFFFFC0] =	vst v3  }
0xca: {  	s16 =	sadd.s32 $0x1, s16;
	v1 =	vmul.f32 v4, v1;
	[tilespmem:s17+$0xFFFFFFF0] =	vst v2  }
0xcb: {  	p1 =	sne.s32 s16, $0x3E;
	[tilespmem:s17+$0xFFFFFFD0] =	vst v5  }
.Ltmp3:
0xcc: {  	[tilespmem:s17+$0xFFFFFFA0] =	vst v1;
	(pc) =	sbr.rel @p1 .LBB2_4-.Ltmp3, $4  }
0xcd: {  	[spmem:s2] =	stream.indirect.scatter.add.f32 [tilespmem:s9], [sflag:$0x3], $0x80, s0, s30, $0xb8;
	[tilespmem:$0x18B80] =	vst v63  }
0xce: {  	_ =	swait.ge [sflag:s26], $0x2800  }
0xcf: {  	[sflag:s26] =	ssyncset.done $0x0  }
0xd0: {  	[sflag:s26] =	ssyncadd.s32 $0xFFFFD800  }
0xd1: {  	_ =	swait.ge [sflag:s11], $0x2800;
	s13 =	simm.s32 $0x0  }
0xd2: {  	[sflag:s11] =	ssyncset.done $0x0;
	v1 =	vmov s13  }
0xd3: {  	s13 =	simm.s32 $0x340;
	[sflag:s11] =	ssyncadd.s32 $0xFFFFD800  }
0xd4: {  	v5 =	vld [tilespmem:s13+$0x30]  }
0xd5: {  	v8 =	vld [tilespmem:s13+$0x10]  }
0xd6: {  	v6 =	vld [tilespmem:s13+$0xFFFFFFC0]  }
0xd7: {  	v2 =	vld.idx.msk [tilespmem:v1+s29+$0x0], $0xffff  }
0xd8: {  	v10 =	vld [tilespmem:s13+$0xFFFFFFE0]  }
0xd9: {  	v3 =	vld [tilespmem:s13+$0x20]  }
0xda: {  	v4 =	vld [tilespmem:s13+$0xFFFFFFD0]  }
0xdb: {  	v1 =	vld [tilespmem:s13+$0xFFFFFFF0]  }
0xdc: {  	v9 =	vmul.f32 v5, v2;
	v5 =	vld [tilespmem:s13+$0x0]  }
0xdd: {  	v7 =	vmul.f32 v6, v2  }
0xde: {  	s16 =	simm.s32 $0x1;
	s17 =	simm.s32 $0x340;
	v6 =	vmul.f32 v10, v2;
	v8 =	vmul.f32 v8, v2  }
.LBB2_10:
0xdf: {  	p1 =	sne.s32 s16, $0x4F  }
0xe0: {  	v4 =	vmul.f32 v4, v2;
	v3 =	vmul.f32 v3, v2;
	[tilespmem:s13+$0x30] =	vst v9;
	s17 =	sadd.s32 $0x80, s17;
	s18 =	smov.u32 s16;
	s16 =	sadd.s32 $0x1, s16  }
0xe1: {  	[tilespmem:s13+$0xFFFFFFC0] =	vst v7;
	v7 =	vmul.f32 v1, v2;
	v2 =	vmul.f32 v5, v2  }
0xe2: {  	[tilespmem:s13+$0x10] =	vst v8  }
0xe3: {  	v5 =	vmov s18;
	[tilespmem:s13+$0xFFFFFFE0] =	vst v6  }
0xe4: {  	v1 =	vld [tilespmem:s17+$0xFFFFFFF0];
	[tilespmem:s13+$0xFFFFFFF0] =	vst v7  }
0xe5: {  	v6 =	vld [tilespmem:s17+$0x30];
	[tilespmem:s13+$0x0] =	vst v2  }
0xe6: {  	v8 =	vld [tilespmem:s17+$0x10];
	[tilespmem:s13+$0x20] =	vst v3  }
0xe7: {  	v7 =	vld [tilespmem:s17+$0xFFFFFFC0];
	[tilespmem:s13+$0xFFFFFFD0] =	vst v4;
	s13 =	smov.u32 s17  }
0xe8: {  	v2 =	vld.idx.msk [tilespmem:v5+s29+$0x0], $0xffff  }
0xe9: {  	v10 =	vld [tilespmem:s17+$0xFFFFFFE0]  }
0xea: {  	v3 =	vld [tilespmem:s17+$0x20]  }
.Ltmp4:
0xeb: {  	v4 =	vld [tilespmem:s17+$0xFFFFFFD0];
	(pc) =	sbr.rel @p1 .LBB2_10-.Ltmp4, $3  }
0xec: {  	v5 =	vld [tilespmem:s17+$0x0];
	_ =	sdelay $0x1  }
0xed: {  	v7 =	vmul.f32 v7, v2;
	v9 =	vmul.f32 v6, v2  }
0xee: {  	v8 =	vmul.f32 v8, v2;
	v6 =	vmul.f32 v10, v2  }
0xef: {  	[tilespmem:s13+$0x30] =	vst v9  }
0xf0: {  	[tilespmem:s13+$0xFFFFFFC0] =	vst v7  }
0xf1: {  	v1 =	vmul.f32 v1, v2;
	[tilespmem:s13+$0x10] =	vst v8  }
0xf2: {  	v3 =	vmul.f32 v3, v2;
	[tilespmem:s13+$0xFFFFFFE0] =	vst v6  }
0xf3: {  	v5 =	vmul.f32 v5, v2;
	[tilespmem:s13+$0xFFFFFFF0] =	vst v1  }
0xf4: {  	v1 =	vmul.f32 v4, v2;
	[tilespmem:s13+$0x20] =	vst v3  }
0xf5: {  	[tilespmem:s13+$0x0] =	vst v5  }
0xf6: {  	[tilespmem:s13+$0xFFFFFFD0] =	vst v1  }
0xf7: {  	[spmem:s2] =	stream.indirect.scatter.add.f32 [tilespmem:s25], [sflag:$0x3], $0x80, s28, s30, $0xb8;
	[tilespmem:$0x18B80] =	vst v63  }
0xf8: {  	_ =	swait.ge [sflag:s26], $0x2800  }
0xf9: {  	[sflag:s26] =	ssyncset.done $0x0  }
0xfa: {  	s20 =	stileid.u32;
	[sflag:s26] =	ssyncadd.s32 $0xFFFFD800  }
0xfb: {  	s13 =	sshll.u32 s20, $0x6;
	[bflag:$0x0] =	sbarrier.arrive $0xFFFF  }
0xfc: {  	s16 =	sshrl.u32 s8, $0x3;
	s13 =	sor.u32 $0x1C03, s13;
	s17 =	rddreg [dreg:$0x8]  }
0xfd: {  	[hbm:s17], [sflag:s13] =	dma.local [spmem:s16], $0x2700  }
0xfe: {  	_ =	swait.ge [sflag:s26], $0x2700  }
0xff: {  	[sflag:s26] =	ssyncset.done $0x0  }
0x100: {  	s16 =	sshrl.u32 @!p0 s10, $0x3;
	s17 =	rddreg [dreg:$0x9];
	[sflag:s26] =	ssyncadd.s32 $0xFFFFD900  }
0x101: {  	[hbm:s17], [sflag:s13] =	dma.local @!p0 [spmem:s16], $0x100  }
0x102: {  	s13 =	simm.s32 @!p0 $0x3  }
0x103: {  	_ =	swait.ge @!p0 [sflag:s13], $0x100  }
0x104: {  	s3 =	sadd.s32 $0x1, s3;
	s21 =	rddreg [dreg:$0xa]  }
0x105: {  	p1 =	sne.s32 s3, s21  }
.Ltmp5:
0x106: {  	_ = 	snop;
	(pc) =	sbr.rel @p1 .LBB2_1-.Ltmp5, $3  }
0x107: {  	_ =	sdelay $0x1  }
0x108: {  	[sflag:s13] =	ssyncset.done @!p0 $0x0  }
0x109: {  	[sflag:s13] =	ssyncadd.s32 @!p0 $0xFFFFFF00  }
0x10a: {  	_ =	sfence.sel $0x180000  }
0x10b: {  	[bflag:$0x0] =	sbarrier.arrive $0xFFFF  }
0x10c: {  	_ =	strace $0x9000004A  }
0x10d: {  	s0 =	stileid.u32;
	[bflag:$0x2] =	sbarrier.arrive $0xFFFF  }
0x10e: {  	p0 =	sne.s32 s0, $0x0;
	s0 =	rddreg [dreg:$0x3]  }
0x10f: {  	s0 =	sadd.s32 @!p0 $0x100000, s0  }
0x110: {  	[sflag:s0] =	ssyncadd.tile.s32 @!p0 $0x1;
	_ =	shalt  }
.Lfunc_end2:
_tile_overlayer_lowered:
.L_overlay_start_2:
0x111: {  	(tag) =	ssettag $0x2  }
0x112: {  	s0 =	rddreg [dreg:$0x0];
	s2 =	stileid.u32  }
0x113: {  	s1 =	rddreg [dreg:$0x1];
	p0 =	sne.s32 s2, $0x0  }
0x114: {  	s3 =	rddreg [dreg:$0x2];
	[bflag:$0x3] =	sbarrier.arrive $0xFFFF;
	s2 =	simm.s32 @!p0 $0x1C03  }
0x115: {  	[timem:s3], [sflag:s2] =	dma.local @!p0 [hbm:s0], s1  }
0x116: {  	s0 =	simm.s32 @!p0 $0x3  }
0x117: {  	_ =	swait.ge @!p0 [sflag:s0], s1  }
0x118: {  	s1 =	ssub.s32 @!p0 $0x0, s1;
	[sflag:s0] =	ssyncset.done @!p0 $0x0  }
0x119: {  	[sflag:s0] =	ssyncadd.s32 @!p0 s1  }
0x11a: {  	[bflag:$0x3] =	sbarrier.arrive $0xFFFF  }
0x11b: {  	_ =	shalt  }

</sc_bundles>
